<compile_context>
chip_gen: v7x
topology: tpu7x:2x2x1
jax: 0.10.2.dev20260603
libtpu: 0.0.44.dev20260713+nightly
codegen_flags: <defaults>
</compile_context>

<pallas_src>
import functools

import jax
import jax.numpy as jnp
from jax import lax
from jax.experimental import pallas as pl
from jax.experimental.pallas import tpu as pltpu
from jax.experimental.pallas import tpu_sc as plsc

NC, NS = 2, 16
NW = NC * NS


def _mesh():
    return plsc.VectorSubcoreMesh(
        core_axis_name="c", subcore_axis_name="s", num_cores=NC, num_subcores=NS)


def _t_body(ea_ref, wb_ref, b_ref, t_ref):
    t = jnp.dot(ea_ref[...], wb_ref[...], preferred_element_type=jnp.float32)
    t_ref[...] = t + b_ref[...]


def _t_matmul(ea, wb, b1a, blk):
    E, H = ea.shape
    grid = E // blk
    return pl.pallas_call(
        _t_body,
        grid=(grid,),
        in_specs=[
            pl.BlockSpec((blk, H), lambda i: (i, 0)),
            pl.BlockSpec((H, H), lambda i: (0, 0)),
            pl.BlockSpec((1, H), lambda i: (0, 0)),
        ],
        out_specs=pl.BlockSpec((blk, H), lambda i: (i, 0)),
        out_shape=jax.ShapeDtypeStruct((E, H), jnp.float32),
    )(ea, wb, b1a)


def _pmat_body(x_ref, wt_ref, p_ref):
    p_ref[...] = jnp.dot(x_ref[...], wt_ref[...],
                         preferred_element_type=jnp.float32)


def _pmat(x, wt):
    N, D = x.shape
    H = wt.shape[1]
    return pl.pallas_call(
        _pmat_body,
        out_shape=jax.ShapeDtypeStruct((N, H), jnp.float32),
    )(x, wt)


def _make_hstats(E, H):
    per_w = E // NW
    CB = 128
    chunks = per_w // CB
    rem = per_w - chunks * CB
    NV = H // 16

    def body(t_hbm, row_hbm, p_hbm, hs_out, t_v, pg_v, slab_v, acc_v, sem):
        c = lax.axis_index("c")
        s = lax.axis_index("s")
        w = c * NS + s
        zero = jnp.zeros((16,), jnp.float32)

        def do_chunk(base, size, carry):
            pltpu.sync_copy(row_hbm.at[pl.ds(base, size)],
                            slab_v.at[0, pl.ds(0, size)])
            gather = pltpu.async_copy(
                p_hbm.at[slab_v.at[0, pl.ds(0, size)]],
                pg_v.at[pl.ds(0, size)], sem)
            pltpu.sync_copy(t_hbm.at[pl.ds(base, size)],
                            t_v.at[pl.ds(0, size)])
            gather.wait()

            def rowop(rr, cy):
                sums, sqs = cy
                ns, nq = [], []
                for jj in range(NV):
                    sl = pl.ds(16 * jj, 16)
                    h = t_v[rr, sl] + pg_v[rr, sl]
                    ns.append(sums[jj] + h)
                    nq.append(sqs[jj] + h * h)
                return ns, nq
            return lax.fori_loop(0, size, rowop, carry)

        def step(j, carry):
            return do_chunk(w * per_w + j * CB, CB, carry)
        carry = ([zero] * NV, [zero] * NV)
        carry = lax.fori_loop(0, chunks, step, carry)
        if rem:
            carry = do_chunk(w * per_w + chunks * CB, rem, carry)

        sums, sqs = carry
        for jj in range(NV):
            acc_v[pl.ds(16 * jj, 16)] = sums[jj]
            acc_v[pl.ds(H + 16 * jj, 16)] = sqs[jj]
        pltpu.sync_copy(acc_v, hs_out.at[w])

    return pl.kernel(
        body,
        out_type=jax.ShapeDtypeStruct((NW, 2 * H), jnp.float32),
        mesh=_mesh(),
        scratch_types=[
            pltpu.VMEM((CB, H), jnp.float32),
            pltpu.VMEM((CB, H), jnp.float32),
            pltpu.VMEM((2, CB), jnp.int32),
            pltpu.VMEM((2 * H,), jnp.float32),
            pltpu.SemaphoreType.DMA,
        ],
    )


def _stats_body(einv, H, p_ref, g1_ref, be1_ref, hs_ref, p2_ref, scale_ref):
    sh = jnp.sum(hs_ref[:, 0:H], axis=0, keepdims=True)
    sh2 = jnp.sum(hs_ref[:, H:], axis=0, keepdims=True)
    m = sh * einv
    var = sh2 * einv - m * m
    scale = g1_ref[...] * lax.rsqrt(var + 1e-5)
    shift = be1_ref[...] - m * scale
    p2_ref[...] = p_ref[...] * scale + shift
    scale_ref[...] = scale


def _stats(p, g1, be1, hs, einv):
    N, H = p.shape
    return pl.pallas_call(
        functools.partial(_stats_body, einv, H),
        out_shape=[
            jax.ShapeDtypeStruct((N, H), jnp.float32),
            jax.ShapeDtypeStruct((1, H), jnp.float32),
        ],
    )(p, g1, be1, hs)


def _make_main(E, H):
    per_w = E // NW
    CB = 128
    chunks = per_w // CB
    rem = per_w - chunks * CB

    def body(t_hbm, row_hbm, p2_hbm, scale_hbm,
             y_out,
             t_v, pg_v, slab_v, scale_v, sem):
        c = lax.axis_index("c")
        s = lax.axis_index("s")
        w = c * NS + s

        pltpu.sync_copy(scale_hbm, scale_v)
        sv = [scale_v[pl.ds(16 * jj, 16)] for jj in range(H // 16)]

        def do_chunk(base, size):
            pltpu.sync_copy(row_hbm.at[pl.ds(base, size)],
                            slab_v.at[0, pl.ds(0, size)])
            gather = pltpu.async_copy(
                p2_hbm.at[slab_v.at[0, pl.ds(0, size)]],
                pg_v.at[pl.ds(0, size)], sem)
            pltpu.sync_copy(t_hbm.at[pl.ds(base, size)],
                            t_v.at[pl.ds(0, size)])
            gather.wait()

            def rowop(rr, _2):
                for jj in range(H // 16):
                    sl = pl.ds(16 * jj, 16)
                    pg_v[rr, sl] = jnp.maximum(
                        t_v[rr, sl] * sv[jj] + pg_v[rr, sl], 0.0)
                return _2
            lax.fori_loop(0, size, rowop, 0)

            pltpu.sync_copy(pg_v.at[pl.ds(0, size)],
                            y_out.at[pl.ds(base, size)])

        def step(j, _):
            do_chunk(w * per_w + j * CB, CB)
            return _
        lax.fori_loop(0, chunks, step, 0)
        if rem:
            do_chunk(w * per_w + chunks * CB, rem)

    return pl.kernel(
        body,
        out_type=jax.ShapeDtypeStruct((E, H), jnp.float32),
        mesh=_mesh(),
        scratch_types=[
            pltpu.VMEM((CB, H), jnp.float32),
            pltpu.VMEM((CB, H), jnp.float32),
            pltpu.VMEM((2, CB), jnp.int32),
            pltpu.VMEM((H,), jnp.float32),
            pltpu.SemaphoreType.DMA,
        ],
    )


def _final_body(s_ref, cnt_ref, x_ref, w1b_ref, b1b_ref, w2a_ref, b2a_ref,
                g2_ref, be2_ref, w2b_ref, b2b_ref, out_ref):
    N, D = x_ref.shape
    su = s_ref[...]
    cnt = cnt_ref[...]
    mean_in = su / jnp.maximum(cnt, 1.0)
    meanf = (jnp.dot(mean_in, w1b_ref[...], preferred_element_type=jnp.float32)
             + b1b_ref[...] * (cnt > 0.0).astype(jnp.float32))
    z = (jnp.dot(x_ref[...], w2a_ref[0:D, :], preferred_element_type=jnp.float32)
         + jnp.dot(meanf, w2a_ref[D:, :], preferred_element_type=jnp.float32)
         + b2a_ref[...])
    mz = jnp.mean(z, axis=0, keepdims=True)
    vz = jnp.mean(z * z, axis=0, keepdims=True) - mz * mz
    zb = (z - mz) * lax.rsqrt(vz + 1e-5) * g2_ref[...] + be2_ref[...]
    zb = jnp.maximum(zb, 0.0)
    out_ref[...] = (jnp.dot(zb, w2b_ref[...], preferred_element_type=jnp.float32)
                    + b2b_ref[...])


def _final(s, cnt, x, w1b, b1b, w2a, b2a, g2, be2, w2b, b2b):
    N, D = x.shape
    H = w1b.shape[1]
    return pl.pallas_call(
        _final_body,
        out_shape=jax.ShapeDtypeStruct((N, H), jnp.float32),
    )(s, cnt, x, w1b, b1b, w2a, b2a, g2, be2, w2b, b2b)


def kernel(x, edge_index, edge_attr, u, batch,
           W1a, b1a, g1, be1, W1b, b1b,
           W2a, b2a, g2, be2, W2b, b2b):
    N, D = x.shape
    E = edge_index.shape[1]
    H = edge_attr.shape[1]
    row = edge_index[0]
    col = edge_index[1]

    b1a2 = b1a.reshape(1, H)
    g12 = g1.reshape(1, H)
    be12 = be1.reshape(1, H)

    t = _t_matmul(edge_attr, W1a[D:], b1a2, blk=2000)

    ones_e = jnp.ones((E,), jnp.float32)
    cnt_col = jax.ops.segment_sum(ones_e, col, num_segments=N)[:, None]

    p = _pmat(x, W1a[0:D])
    hs = _make_hstats(E, H)(t, row, p)

    einv = 1.0 / E
    p2, scale = _stats(p, g12, be12, hs, einv)

    y = _make_main(E, H)(t, row, p2, scale.reshape(H))
    s = jax.ops.segment_sum(y, col, num_segments=N)

    out = _final(s, cnt_col, x,
                 W1b, b1b.reshape(1, H), W2a, b2a.reshape(1, H),
                 g2.reshape(1, H), be2.reshape(1, H), W2b, b2b.reshape(1, H))
    return out

# --- scband reference (transcript-rebuilt; emitter-appended) ---
"""Pipeline reference for scband-node-block-6751688589928 (READ-ONLY COPY).

The authoritative reference and input builder live on the scoring server;
editing this copy changes nothing except your own understanding.
"""

import jax, jax.numpy as jnp
import numpy as np


def _mlp(h, Wa, ba, g, be, Wb, bb):
    # Lin -> BatchNorm1d (training-mode batch stats, affine) -> ReLU -> Lin
    h = h @ Wa + ba
    m = jnp.mean(h, axis=0)
    v = jnp.var(h, axis=0)
    h = (h - m) / jnp.sqrt(v + 1e-5) * g + be
    h = jax.nn.relu(h)
    return h @ Wb + bb


def setup_inputs(seed: int = 0):
    key = jax.random.key(seed)
    ks = jax.random.split(key, 16)
    N, E, D, H = 10000, 320000, 128, 128
    x = jax.random.normal(ks[0], (N, D), dtype=jnp.float32)
    edge_index = jax.random.randint(ks[1], (2, E), 0, N, dtype=jnp.int32)
    edge_attr = jax.random.normal(ks[2], (E, H), dtype=jnp.float32)
    u = jnp.zeros((1, D), dtype=jnp.float32)
    batch = jnp.zeros((N,), dtype=jnp.int32)
    s = 0.05
    W1a = jax.random.normal(ks[3], (D + H, H), dtype=jnp.float32) * s
    b1a = jnp.zeros((H,), dtype=jnp.float32)
    g1 = jnp.ones((H,), dtype=jnp.float32)
    be1 = jnp.zeros((H,), dtype=jnp.float32)
    W1b = jax.random.normal(ks[4], (H, H), dtype=jnp.float32) * s
    b1b = jnp.zeros((H,), dtype=jnp.float32)
    W2a = jax.random.normal(ks[5], (D + H, H), dtype=jnp.float32) * s
    b2a = jnp.zeros((H,), dtype=jnp.float32)
    g2 = jnp.ones((H,), dtype=jnp.float32)
    be2 = jnp.zeros((H,), dtype=jnp.float32)
    W2b = jax.random.normal(ks[6], (H, H), dtype=jnp.float32) * s
    b2b = jnp.zeros((H,), dtype=jnp.float32)
    return {"x": x, "edge_index": edge_index, "edge_attr": edge_attr, "u": u, "batch": batch,
            "W1a": W1a, "b1a": b1a, "g1": g1, "be1": be1, "W1b": W1b, "b1b": b1b,
            "W2a": W2a, "b2a": b2a, "g2": g2, "be2": be2, "W2b": W2b, "b2b": b2b}


def reference(x, edge_index, edge_attr, u, batch,
              W1a, b1a, g1, be1, W1b, b1b,
              W2a, b2a, g2, be2, W2b, b2b):
    row = edge_index[0]
    col = edge_index[1]
    out = jnp.concatenate([x[row], edge_attr], axis=1)
    out = _mlp(out, W1a, b1a, g1, be1, W1b, b1b)
    N = x.shape[0]
    summed = jax.ops.segment_sum(out, col, num_segments=N)
    counts = jax.ops.segment_sum(jnp.ones((col.shape[0],), dtype=out.dtype), col, num_segments=N)
    mean = summed / jnp.maximum(counts, 1.0)[:, None]
    out = jnp.concatenate([x, mean], axis=1)
    return _mlp(out, W2a, b2a, g2, be2, W2b, b2b)

if __name__ == "__main__":
    import jax
    _d = setup_inputs()
    print(jax.jit(kernel)(*tuple(_d.values())))

</pallas_src>

<mosaic_0001>
#map = affine_map<(d0, d1) -> (0, 0)>
#map1 = affine_map<(d0, d1) -> (0)>
module attributes {stable_mosaic.version = 14 : i64} {
  func.func @body(%arg0: i32, %arg1: i32, %arg2: memref<320000x128xf32, #tpu.memory_space<hbm>>, %arg3: memref<320000xi32, #tpu.memory_space<hbm>>, %arg4: memref<10000x128xf32, #tpu.memory_space<hbm>>, %arg5: memref<128xf32, #tpu.memory_space<hbm>>, %arg6: memref<320000x128xf32, #tpu.memory_space<hbm>>, %arg7: memref<128x128xf32, #tpu.memory_space<vmem>>, %arg8: memref<128x128xf32, #tpu.memory_space<vmem>>, %arg9: memref<2x128xi32, #tpu.memory_space<vmem>>, %arg10: memref<128xf32, #tpu.memory_space<vmem>>, %arg11: memref<!tpu.dma_semaphore, #tpu.memory_space<semaphore_mem>>) attributes {dimension_semantics = [#tpu.dimension_semantics<core_parallel>, #tpu.dimension_semantics<subcore_parallel>], iteration_bounds = array<i64: 2, 16>, scalar_prefetch = 0 : i64, scratch_operands = 5 : i64, tpu.core_type = #tpu.core_type<sc_vector_subcore>, window_params = [{transform_indices = #map}, {transform_indices = #map1}, {transform_indices = #map}, {transform_indices = #map1}, {transform_indices = #map}]} {
    %mul3A = arith.constant 16 : i32
    %mul3A_0 = arith.muli %arg0, %mul3A : i32
    %add3A = arith.addi %mul3A_0, %arg1 : i32
    "tpu.region"() ({
      %run_scoped3A_57 = tpu.sem_alloc : memref<!tpu.dma_semaphore, #tpu.memory_space<semaphore_mem>>
      tpu.enqueue_dma source(%arg5 : memref<128xf32, #tpu.memory_space<hbm>>) target(%arg10 : memref<128xf32, #tpu.memory_space<vmem>>) target_semaphore(%run_scoped3A_57 : memref<!tpu.dma_semaphore, #tpu.memory_space<semaphore_mem>>)
      tpu.wait_dma2 semaphore(%run_scoped3A_57 : memref<!tpu.dma_semaphore, #tpu.memory_space<semaphore_mem>>) src(%arg5 : memref<128xf32, #tpu.memory_space<hbm>>) dst(%arg10 : memref<128xf32, #tpu.memory_space<vmem>>)
      tpu.yield
    }) : () -> ()
    %get3A = arith.constant 0 : index
    %get3A_1 = tpu.vector_load %arg10[%get3A] {strides = array<i32>} : memref<128xf32, #tpu.memory_space<vmem>>, vector<16xf32>,
    %get3A_2 = vector.shape_cast %get3A_1 : vector<16xf32> to vector<16xf32>
    %get3A_3 = arith.constant 16 : index
    %get3A_4 = tpu.vector_load %arg10[%get3A_3] {strides = array<i32>} : memref<128xf32, #tpu.memory_space<vmem>>, vector<16xf32>,
    %get3A_5 = vector.shape_cast %get3A_4 : vector<16xf32> to vector<16xf32>
    %get3A_6 = arith.constant 32 : index
    %get3A_7 = tpu.vector_load %arg10[%get3A_6] {strides = array<i32>} : memref<128xf32, #tpu.memory_space<vmem>>, vector<16xf32>,
    %get3A_8 = vector.shape_cast %get3A_7 : vector<16xf32> to vector<16xf32>
    %get3A_9 = arith.constant 48 : index
    %get3A_10 = tpu.vector_load %arg10[%get3A_9] {strides = array<i32>} : memref<128xf32, #tpu.memory_space<vmem>>, vector<16xf32>,
    %get3A_11 = vector.shape_cast %get3A_10 : vector<16xf32> to vector<16xf32>
    %get3A_12 = arith.constant 64 : index
    %get3A_13 = tpu.vector_load %arg10[%get3A_12] {strides = array<i32>} : memref<128xf32, #tpu.memory_space<vmem>>, vector<16xf32>,
    %get3A_14 = vector.shape_cast %get3A_13 : vector<16xf32> to vector<16xf32>
    %get3A_15 = arith.constant 80 : index
    %get3A_16 = tpu.vector_load %arg10[%get3A_15] {strides = array<i32>} : memref<128xf32, #tpu.memory_space<vmem>>, vector<16xf32>,
    %get3A_17 = vector.shape_cast %get3A_16 : vector<16xf32> to vector<16xf32>
    %get3A_18 = arith.constant 96 : index
    %get3A_19 = tpu.vector_load %arg10[%get3A_18] {strides = array<i32>} : memref<128xf32, #tpu.memory_space<vmem>>, vector<16xf32>,
    %get3A_20 = vector.shape_cast %get3A_19 : vector<16xf32> to vector<16xf32>
    %get3A_21 = arith.constant 112 : index
    %get3A_22 = tpu.vector_load %arg10[%get3A_21] {strides = array<i32>} : memref<128xf32, #tpu.memory_space<vmem>>, vector<16xf32>,
    %get3A_23 = vector.shape_cast %get3A_22 : vector<16xf32> to vector<16xf32>
    %scan3A = arith.constant 0 : i32
    %scan3A_24 = arith.constant 0 : i32
    %scan3A_25 = arith.constant 78 : i32
    %scan3A_26 = arith.addi %scan3A_24, %scan3A_25 : i32
    %scan3A_27 = arith.constant 1 : i32
    scf.for %scan3A_57 = %scan3A_24 to %scan3A_26 step %scan3A_27  : i32 {
      %mul3A_58 = arith.constant 10000 : i32
      %mul3A_59 = arith.muli %add3A, %mul3A_58 : i32
      %mul3A_60 = arith.constant 128 : i32
      %mul3A_61 = arith.muli %scan3A_57, %mul3A_60 : i32
      %add3A_62 = arith.addi %mul3A_59, %mul3A_61 : i32
      %run_scoped3A_63 = arith.constant 0 : i32
      "tpu.region"() ({
        %run_scoped3A_90 = tpu.sem_alloc : memref<!tpu.dma_semaphore, #tpu.memory_space<semaphore_mem>>
        %dma_start3A_91 = arith.constant 0 : i32
        %dma_start3A_92 = tpu.memref_slice %arg9[%run_scoped3A_63, %dma_start3A_91] : memref<2x128xi32, #tpu.memory_space<vmem>> -> memref<1x128xi32, #tpu.memory_space<vmem>>
        %dma_start3A_93 = tpu.memref_squeeze %dma_start3A_92 : memref<1x128xi32, #tpu.memory_space<vmem>> -> memref<128xi32, #tpu.memory_space<vmem>>
        %dma_start3A_94 = tpu.memref_slice %arg3[%add3A_62] : memref<320000xi32, #tpu.memory_space<hbm>> -> memref<128xi32, #tpu.memory_space<hbm>>
        %dma_start3A_95 = arith.constant 0 : i32
        %dma_start3A_96 = tpu.memref_slice %arg9[%run_scoped3A_63, %dma_start3A_95] : memref<2x128xi32, #tpu.memory_space<vmem>> -> memref<1x128xi32, #tpu.memory_space<vmem>>
        %dma_start3A_97 = tpu.memref_squeeze %dma_start3A_96 : memref<1x128xi32, #tpu.memory_space<vmem>> -> memref<128xi32, #tpu.memory_space<vmem>>
        %dma_start3A_98 = tpu.memref_slice %arg3[%add3A_62] : memref<320000xi32, #tpu.memory_space<hbm>> -> memref<128xi32, #tpu.memory_space<hbm>>
        tpu.enqueue_dma source(%dma_start3A_98 : memref<128xi32, #tpu.memory_space<hbm>>) target(%dma_start3A_97 : memref<128xi32, #tpu.memory_space<vmem>>) target_semaphore(%run_scoped3A_90 : memref<!tpu.dma_semaphore, #tpu.memory_space<semaphore_mem>>)
        %dma_wait3A_99 = arith.constant 0 : i32
        %dma_wait3A_100 = tpu.memref_slice %arg9[%run_scoped3A_63, %dma_wait3A_99] : memref<2x128xi32, #tpu.memory_space<vmem>> -> memref<1x128xi32, #tpu.memory_space<vmem>>
        %dma_wait3A_101 = tpu.memref_squeeze %dma_wait3A_100 : memref<1x128xi32, #tpu.memory_space<vmem>> -> memref<128xi32, #tpu.memory_space<vmem>>
        %dma_wait3A_102 = tpu.memref_slice %arg3[%add3A_62] : memref<320000xi32, #tpu.memory_space<hbm>> -> memref<128xi32, #tpu.memory_space<hbm>>
        %dma_wait3A_103 = arith.constant 0 : i32
        %dma_wait3A_104 = tpu.memref_slice %arg9[%run_scoped3A_63, %dma_wait3A_103] : memref<2x128xi32, #tpu.memory_space<vmem>> -> memref<1x128xi32, #tpu.memory_space<vmem>>
        %dma_wait3A_105 = tpu.memref_squeeze %dma_wait3A_104 : memref<1x128xi32, #tpu.memory_space<vmem>> -> memref<128xi32, #tpu.memory_space<vmem>>
        %dma_wait3A_106 = tpu.memref_slice %arg3[%add3A_62] : memref<320000xi32, #tpu.memory_space<hbm>> -> memref<128xi32, #tpu.memory_space<hbm>>
        tpu.wait_dma2 semaphore(%run_scoped3A_90 : memref<!tpu.dma_semaphore, #tpu.memory_space<semaphore_mem>>) src(%dma_wait3A_106 : memref<128xi32, #tpu.memory_space<hbm>>) dst(%dma_wait3A_105 : memref<128xi32, #tpu.memory_space<vmem>>)
        tpu.yield
      }) : () -> ()
      %dma_start3A_64 = arith.constant 0 : i32
      %dma_start3A_65 = arith.constant 0 : i32
      %dma_start3A_66 = arith.constant 0 : i32
      %dma_start3A_67 = tpu.memref_slice %arg8[%dma_start3A_65, %dma_start3A_66] : memref<128x128xf32, #tpu.memory_space<vmem>> -> memref<128x128xf32, #tpu.memory_space<vmem>>
      %dma_start3A_68 = arith.constant 0 : i32
      %dma_start3A_69 = tpu.memref_slice %arg9[%dma_start3A_64, %dma_start3A_68] : memref<2x128xi32, #tpu.memory_space<vmem>> -> memref<1x128xi32, #tpu.memory_space<vmem>>
      %dma_start3A_70 = tpu.memref_squeeze %dma_start3A_69 : memref<1x128xi32, #tpu.memory_space<vmem>> -> memref<128xi32, #tpu.memory_space<vmem>>
      %dma_start3A_71 = arith.constant 0 : i32
      %dma_start3A_72 = arith.constant 0 : i32
      %dma_start3A_73 = tpu.memref_slice %arg4[%dma_start3A_71, %dma_start3A_72] : memref<10000x128xf32, #tpu.memory_space<hbm>> -> memref<10000x128xf32, #tpu.memory_space<hbm>>
      tpu.enqueue_indirect_dma source(%dma_start3A_73 : memref<10000x128xf32, #tpu.memory_space<hbm>>) target(%dma_start3A_67 : memref<128x128xf32, #tpu.memory_space<vmem>>) offsets(%dma_start3A_70 : memref<128xi32, #tpu.memory_space<vmem>>) semaphore(%arg11 : memref<!tpu.dma_semaphore, #tpu.memory_space<semaphore_mem>>)
      "tpu.region"() ({
        %run_scoped3A_90 = tpu.sem_alloc : memref<!tpu.dma_semaphore, #tpu.memory_space<semaphore_mem>>
        %dma_start3A_91 = arith.constant 0 : i32
        %dma_start3A_92 = arith.constant 0 : i32
        %dma_start3A_93 = tpu.memref_slice %arg7[%dma_start3A_91, %dma_start3A_92] : memref<128x128xf32, #tpu.memory_space<vmem>> -> memref<128x128xf32, #tpu.memory_space<vmem>>
        %dma_start3A_94 = arith.constant 0 : i32
        %dma_start3A_95 = tpu.memref_slice %arg2[%add3A_62, %dma_start3A_94] : memref<320000x128xf32, #tpu.memory_space<hbm>> -> memref<128x128xf32, #tpu.memory_space<hbm>>
        %dma_start3A_96 = arith.constant 0 : i32
        %dma_start3A_97 = arith.constant 0 : i32
        %dma_start3A_98 = tpu.memref_slice %arg7[%dma_start3A_96, %dma_start3A_97] : memref<128x128xf32, #tpu.memory_space<vmem>> -> memref<128x128xf32, #tpu.memory_space<vmem>>
        %dma_start3A_99 = arith.constant 0 : i32
        %dma_start3A_100 = tpu.memref_slice %arg2[%add3A_62, %dma_start3A_99] : memref<320000x128xf32, #tpu.memory_space<hbm>> -> memref<128x128xf32, #tpu.memory_space<hbm>>
        tpu.enqueue_dma source(%dma_start3A_100 : memref<128x128xf32, #tpu.memory_space<hbm>>) target(%dma_start3A_98 : memref<128x128xf32, #tpu.memory_space<vmem>>) target_semaphore(%run_scoped3A_90 : memref<!tpu.dma_semaphore, #tpu.memory_space<semaphore_mem>>)
        %dma_wait3A_101 = arith.constant 0 : i32
        %dma_wait3A_102 = arith.constant 0 : i32
        %dma_wait3A_103 = tpu.memref_slice %arg7[%dma_wait3A_101, %dma_wait3A_102] : memref<128x128xf32, #tpu.memory_space<vmem>> -> memref<128x128xf32, #tpu.memory_space<vmem>>
        %dma_wait3A_104 = arith.constant 0 : i32
        %dma_wait3A_105 = tpu.memref_slice %arg2[%add3A_62, %dma_wait3A_104] : memref<320000x128xf32, #tpu.memory_space<hbm>> -> memref<128x128xf32, #tpu.memory_space<hbm>>
        %dma_wait3A_106 = arith.constant 0 : i32
        %dma_wait3A_107 = arith.constant 0 : i32
        %dma_wait3A_108 = tpu.memref_slice %arg7[%dma_wait3A_106, %dma_wait3A_107] : memref<128x128xf32, #tpu.memory_space<vmem>> -> memref<128x128xf32, #tpu.memory_space<vmem>>
        %dma_wait3A_109 = arith.constant 0 : i32
        %dma_wait3A_110 = tpu.memref_slice %arg2[%add3A_62, %dma_wait3A_109] : memref<320000x128xf32, #tpu.memory_space<hbm>> -> memref<128x128xf32, #tpu.memory_space<hbm>>
        tpu.wait_dma2 semaphore(%run_scoped3A_90 : memref<!tpu.dma_semaphore, #tpu.memory_space<semaphore_mem>>) src(%dma_wait3A_110 : memref<128x128xf32, #tpu.memory_space<hbm>>) dst(%dma_wait3A_108 : memref<128x128xf32, #tpu.memory_space<vmem>>)
        tpu.yield
      }) : () -> ()
      %dma_wait3A_74 = arith.constant 0 : i32
      %dma_wait3A_75 = arith.constant 0 : i32
      %dma_wait3A_76 = arith.constant 0 : i32
      %dma_wait3A_77 = tpu.memref_slice %arg8[%dma_wait3A_75, %dma_wait3A_76] : memref<128x128xf32, #tpu.memory_space<vmem>> -> memref<128x128xf32, #tpu.memory_space<vmem>>
      %dma_wait3A_78 = arith.constant 0 : i32
      %dma_wait3A_79 = tpu.memref_slice %arg9[%dma_wait3A_74, %dma_wait3A_78] : memref<2x128xi32, #tpu.memory_space<vmem>> -> memref<1x128xi32, #tpu.memory_space<vmem>>
      %dma_wait3A_80 = tpu.memref_squeeze %dma_wait3A_79 : memref<1x128xi32, #tpu.memory_space<vmem>> -> memref<128xi32, #tpu.memory_space<vmem>>
      %dma_wait3A_81 = arith.constant 0 : i32
      %dma_wait3A_82 = arith.constant 0 : i32
      %dma_wait3A_83 = tpu.memref_slice %arg4[%dma_wait3A_81, %dma_wait3A_82] : memref<10000x128xf32, #tpu.memory_space<hbm>> -> memref<10000x128xf32, #tpu.memory_space<hbm>>
      tpu.wait_indirect_dma semaphore(%arg11 : memref<!tpu.dma_semaphore, #tpu.memory_space<semaphore_mem>>) src(%dma_wait3A_83 : memref<10000x128xf32, #tpu.memory_space<hbm>>) dst(%dma_wait3A_77 : memref<128x128xf32, #tpu.memory_space<vmem>>)
      %scan3A_84 = arith.constant 0 : i32
      %scan3A_85 = arith.constant 0 : i32
      %scan3A_86 = arith.constant 128 : i32
      %scan3A_87 = arith.addi %scan3A_85, %scan3A_86 : i32
      %scan3A_88 = arith.constant 1 : i32
      scf.for %scan3A_90 = %scan3A_85 to %scan3A_87 step %scan3A_88  : i32 {
        %get3A_91 = arith.index_cast %scan3A_90 : i32 to index
        %get3A_92 = arith.constant 0 : index
        %get3A_93 = tpu.vector_load %arg7[%get3A_91, %get3A_92] {strides = array<i32>} : memref<128x128xf32, #tpu.memory_space<vmem>>, vector<1x16xf32>,
        %get3A_94 = vector.shape_cast %get3A_93 : vector<1x16xf32> to vector<16xf32>
        %mul3A_95 = arith.mulf %get3A_94, %get3A_2 : vector<16xf32>
        %get3A_96 = arith.index_cast %scan3A_90 : i32 to index
        %get3A_97 = arith.constant 0 : index
        %get3A_98 = tpu.vector_load %arg8[%get3A_96, %get3A_97] {strides = array<i32>} : memref<128x128xf32, #tpu.memory_space<vmem>>, vector<1x16xf32>,
        %get3A_99 = vector.shape_cast %get3A_98 : vector<1x16xf32> to vector<16xf32>
        %add3A_100 = arith.addf %mul3A_95, %get3A_99 : vector<16xf32>
        %max3A = arith.constant 0.000000e+00 : f32
        %max3A_101 = vector.broadcast %max3A : f32 to vector<16xf32>
        %max3A_102 = arith.maximumf %add3A_100, %max3A_101 : vector<16xf32>
        %swap3A = arith.index_cast %scan3A_90 : i32 to index
        %swap3A_103 = arith.constant 0 : index
        %swap3A_104 = tpu.vector_load %arg8[%swap3A, %swap3A_103] {strides = array<i32>} : memref<128x128xf32, #tpu.memory_space<vmem>>, vector<1x16xf32>,
        %swap3A_105 = vector.shape_cast %swap3A_104 : vector<1x16xf32> to vector<16xf32>
        %swap3A_106 = vector.shape_cast %max3A_102 : vector<16xf32> to vector<1x16xf32>
        tpu.vector_store %arg8[%swap3A, %swap3A_103], %swap3A_106 {strides = array<i32>} : memref<128x128xf32, #tpu.memory_space<vmem>>, vector<1x16xf32>,
        %get3A_107 = arith.index_cast %scan3A_90 : i32 to index
        %get3A_108 = arith.constant 16 : index
        %get3A_109 = tpu.vector_load %arg7[%get3A_107, %get3A_108] {strides = array<i32>} : memref<128x128xf32, #tpu.memory_space<vmem>>, vector<1x16xf32>,
        %get3A_110 = vector.shape_cast %get3A_109 : vector<1x16xf32> to vector<16xf32>
        %mul3A_111 = arith.mulf %get3A_110, %get3A_5 : vector<16xf32>
        %get3A_112 = arith.index_cast %scan3A_90 : i32 to index
        %get3A_113 = arith.constant 16 : index
        %get3A_114 = tpu.vector_load %arg8[%get3A_112, %get3A_113] {strides = array<i32>} : memref<128x128xf32, #tpu.memory_space<vmem>>, vector<1x16xf32>,
        %get3A_115 = vector.shape_cast %get3A_114 : vector<1x16xf32> to vector<16xf32>
        %add3A_116 = arith.addf %mul3A_111, %get3A_115 : vector<16xf32>
        %max3A_117 = arith.constant 0.000000e+00 : f32
        %max3A_118 = vector.broadcast %max3A_117 : f32 to vector<16xf32>
        %max3A_119 = arith.maximumf %add3A_116, %max3A_118 : vector<16xf32>
        %swap3A_120 = arith.index_cast %scan3A_90 : i32 to index
        %swap3A_121 = arith.constant 16 : index
        %swap3A_122 = tpu.vector_load %arg8[%swap3A_120, %swap3A_121] {strides = array<i32>} : memref<128x128xf32, #tpu.memory_space<vmem>>, vector<1x16xf32>,
        %swap3A_123 = vector.shape_cast %swap3A_122 : vector<1x16xf32> to vector<16xf32>
        %swap3A_124 = vector.shape_cast %max3A_119 : vector<16xf32> to vector<1x16xf32>
        tpu.vector_store %arg8[%swap3A_120, %swap3A_121], %swap3A_124 {strides = array<i32>} : memref<128x128xf32, #tpu.memory_space<vmem>>, vector<1x16xf32>,
        %get3A_125 = arith.index_cast %scan3A_90 : i32 to index
        %get3A_126 = arith.constant 32 : index
        %get3A_127 = tpu.vector_load %arg7[%get3A_125, %get3A_126] {strides = array<i32>} : memref<128x128xf32, #tpu.memory_space<vmem>>, vector<1x16xf32>,
        %get3A_128 = vector.shape_cast %get3A_127 : vector<1x16xf32> to vector<16xf32>
        %mul3A_129 = arith.mulf %get3A_128, %get3A_8 : vector<16xf32>
        %get3A_130 = arith.index_cast %scan3A_90 : i32 to index
        %get3A_131 = arith.constant 32 : index
        %get3A_132 = tpu.vector_load %arg8[%get3A_130, %get3A_131] {strides = array<i32>} : memref<128x128xf32, #tpu.memory_space<vmem>>, vector<1x16xf32>,
        %get3A_133 = vector.shape_cast %get3A_132 : vector<1x16xf32> to vector<16xf32>
        %add3A_134 = arith.addf %mul3A_129, %get3A_133 : vector<16xf32>
        %max3A_135 = arith.constant 0.000000e+00 : f32
        %max3A_136 = vector.broadcast %max3A_135 : f32 to vector<16xf32>
        %max3A_137 = arith.maximumf %add3A_134, %max3A_136 : vector<16xf32>
        %swap3A_138 = arith.index_cast %scan3A_90 : i32 to index
        %swap3A_139 = arith.constant 32 : index
        %swap3A_140 = tpu.vector_load %arg8[%swap3A_138, %swap3A_139] {strides = array<i32>} : memref<128x128xf32, #tpu.memory_space<vmem>>, vector<1x16xf32>,
        %swap3A_141 = vector.shape_cast %swap3A_140 : vector<1x16xf32> to vector<16xf32>
        %swap3A_142 = vector.shape_cast %max3A_137 : vector<16xf32> to vector<1x16xf32>
        tpu.vector_store %arg8[%swap3A_138, %swap3A_139], %swap3A_142 {strides = array<i32>} : memref<128x128xf32, #tpu.memory_space<vmem>>, vector<1x16xf32>,
        %get3A_143 = arith.index_cast %scan3A_90 : i32 to index
        %get3A_144 = arith.constant 48 : index
        %get3A_145 = tpu.vector_load %arg7[%get3A_143, %get3A_144] {strides = array<i32>} : memref<128x128xf32, #tpu.memory_space<vmem>>, vector<1x16xf32>,
        %get3A_146 = vector.shape_cast %get3A_145 : vector<1x16xf32> to vector<16xf32>
        %mul3A_147 = arith.mulf %get3A_146, %get3A_11 : vector<16xf32>
        %get3A_148 = arith.index_cast %scan3A_90 : i32 to index
        %get3A_149 = arith.constant 48 : index
        %get3A_150 = tpu.vector_load %arg8[%get3A_148, %get3A_149] {strides = array<i32>} : memref<128x128xf32, #tpu.memory_space<vmem>>, vector<1x16xf32>,
        %get3A_151 = vector.shape_cast %get3A_150 : vector<1x16xf32> to vector<16xf32>
        %add3A_152 = arith.addf %mul3A_147, %get3A_151 : vector<16xf32>
        %max3A_153 = arith.constant 0.000000e+00 : f32
        %max3A_154 = vector.broadcast %max3A_153 : f32 to vector<16xf32>
        %max3A_155 = arith.maximumf %add3A_152, %max3A_154 : vector<16xf32>
        %swap3A_156 = arith.index_cast %scan3A_90 : i32 to index
        %swap3A_157 = arith.constant 48 : index
        %swap3A_158 = tpu.vector_load %arg8[%swap3A_156, %swap3A_157] {strides = array<i32>} : memref<128x128xf32, #tpu.memory_space<vmem>>, vector<1x16xf32>,
        %swap3A_159 = vector.shape_cast %swap3A_158 : vector<1x16xf32> to vector<16xf32>
        %swap3A_160 = vector.shape_cast %max3A_155 : vector<16xf32> to vector<1x16xf32>
        tpu.vector_store %arg8[%swap3A_156, %swap3A_157], %swap3A_160 {strides = array<i32>} : memref<128x128xf32, #tpu.memory_space<vmem>>, vector<1x16xf32>,
        %get3A_161 = arith.index_cast %scan3A_90 : i32 to index
        %get3A_162 = arith.constant 64 : index
        %get3A_163 = tpu.vector_load %arg7[%get3A_161, %get3A_162] {strides = array<i32>} : memref<128x128xf32, #tpu.memory_space<vmem>>, vector<1x16xf32>,
        %get3A_164 = vector.shape_cast %get3A_163 : vector<1x16xf32> to vector<16xf32>
        %mul3A_165 = arith.mulf %get3A_164, %get3A_14 : vector<16xf32>
        %get3A_166 = arith.index_cast %scan3A_90 : i32 to index
        %get3A_167 = arith.constant 64 : index
        %get3A_168 = tpu.vector_load %arg8[%get3A_166, %get3A_167] {strides = array<i32>} : memref<128x128xf32, #tpu.memory_space<vmem>>, vector<1x16xf32>,
        %get3A_169 = vector.shape_cast %get3A_168 : vector<1x16xf32> to vector<16xf32>
        %add3A_170 = arith.addf %mul3A_165, %get3A_169 : vector<16xf32>
        %max3A_171 = arith.constant 0.000000e+00 : f32
        %max3A_172 = vector.broadcast %max3A_171 : f32 to vector<16xf32>
        %max3A_173 = arith.maximumf %add3A_170, %max3A_172 : vector<16xf32>
        %swap3A_174 = arith.index_cast %scan3A_90 : i32 to index
        %swap3A_175 = arith.constant 64 : index
        %swap3A_176 = tpu.vector_load %arg8[%swap3A_174, %swap3A_175] {strides = array<i32>} : memref<128x128xf32, #tpu.memory_space<vmem>>, vector<1x16xf32>,
        %swap3A_177 = vector.shape_cast %swap3A_176 : vector<1x16xf32> to vector<16xf32>
        %swap3A_178 = vector.shape_cast %max3A_173 : vector<16xf32> to vector<1x16xf32>
        tpu.vector_store %arg8[%swap3A_174, %swap3A_175], %swap3A_178 {strides = array<i32>} : memref<128x128xf32, #tpu.memory_space<vmem>>, vector<1x16xf32>,
        %get3A_179 = arith.index_cast %scan3A_90 : i32 to index
        %get3A_180 = arith.constant 80 : index
        %get3A_181 = tpu.vector_load %arg7[%get3A_179, %get3A_180] {strides = array<i32>} : memref<128x128xf32, #tpu.memory_space<vmem>>, vector<1x16xf32>,
        %get3A_182 = vector.shape_cast %get3A_181 : vector<1x16xf32> to vector<16xf32>
        %mul3A_183 = arith.mulf %get3A_182, %get3A_17 : vector<16xf32>
        %get3A_184 = arith.index_cast %scan3A_90 : i32 to index
        %get3A_185 = arith.constant 80 : index
        %get3A_186 = tpu.vector_load %arg8[%get3A_184, %get3A_185] {strides = array<i32>} : memref<128x128xf32, #tpu.memory_space<vmem>>, vector<1x16xf32>,
        %get3A_187 = vector.shape_cast %get3A_186 : vector<1x16xf32> to vector<16xf32>
        %add3A_188 = arith.addf %mul3A_183, %get3A_187 : vector<16xf32>
        %max3A_189 = arith.constant 0.000000e+00 : f32
        %max3A_190 = vector.broadcast %max3A_189 : f32 to vector<16xf32>
        %max3A_191 = arith.maximumf %add3A_188, %max3A_190 : vector<16xf32>
        %swap3A_192 = arith.index_cast %scan3A_90 : i32 to index
        %swap3A_193 = arith.constant 80 : index
        %swap3A_194 = tpu.vector_load %arg8[%swap3A_192, %swap3A_193] {strides = array<i32>} : memref<128x128xf32, #tpu.memory_space<vmem>>, vector<1x16xf32>,
        %swap3A_195 = vector.shape_cast %swap3A_194 : vector<1x16xf32> to vector<16xf32>
        %swap3A_196 = vector.shape_cast %max3A_191 : vector<16xf32> to vector<1x16xf32>
        tpu.vector_store %arg8[%swap3A_192, %swap3A_193], %swap3A_196 {strides = array<i32>} : memref<128x128xf32, #tpu.memory_space<vmem>>, vector<1x16xf32>,
        %get3A_197 = arith.index_cast %scan3A_90 : i32 to index
        %get3A_198 = arith.constant 96 : index
        %get3A_199 = tpu.vector_load %arg7[%get3A_197, %get3A_198] {strides = array<i32>} : memref<128x128xf32, #tpu.memory_space<vmem>>, vector<1x16xf32>,
        %get3A_200 = vector.shape_cast %get3A_199 : vector<1x16xf32> to vector<16xf32>
        %mul3A_201 = arith.mulf %get3A_200, %get3A_20 : vector<16xf32>
        %get3A_202 = arith.index_cast %scan3A_90 : i32 to index
        %get3A_203 = arith.constant 96 : index
        %get3A_204 = tpu.vector_load %arg8[%get3A_202, %get3A_203] {strides = array<i32>} : memref<128x128xf32, #tpu.memory_space<vmem>>, vector<1x16xf32>,
        %get3A_205 = vector.shape_cast %get3A_204 : vector<1x16xf32> to vector<16xf32>
        %add3A_206 = arith.addf %mul3A_201, %get3A_205 : vector<16xf32>
        %max3A_207 = arith.constant 0.000000e+00 : f32
        %max3A_208 = vector.broadcast %max3A_207 : f32 to vector<16xf32>
        %max3A_209 = arith.maximumf %add3A_206, %max3A_208 : vector<16xf32>
        %swap3A_210 = arith.index_cast %scan3A_90 : i32 to index
        %swap3A_211 = arith.constant 96 : index
        %swap3A_212 = tpu.vector_load %arg8[%swap3A_210, %swap3A_211] {strides = array<i32>} : memref<128x128xf32, #tpu.memory_space<vmem>>, vector<1x16xf32>,
        %swap3A_213 = vector.shape_cast %swap3A_212 : vector<1x16xf32> to vector<16xf32>
        %swap3A_214 = vector.shape_cast %max3A_209 : vector<16xf32> to vector<1x16xf32>
        tpu.vector_store %arg8[%swap3A_210, %swap3A_211], %swap3A_214 {strides = array<i32>} : memref<128x128xf32, #tpu.memory_space<vmem>>, vector<1x16xf32>,
        %get3A_215 = arith.index_cast %scan3A_90 : i32 to index
        %get3A_216 = arith.constant 112 : index
        %get3A_217 = tpu.vector_load %arg7[%get3A_215, %get3A_216] {strides = array<i32>} : memref<128x128xf32, #tpu.memory_space<vmem>>, vector<1x16xf32>,
        %get3A_218 = vector.shape_cast %get3A_217 : vector<1x16xf32> to vector<16xf32>
        %mul3A_219 = arith.mulf %get3A_218, %get3A_23 : vector<16xf32>
        %get3A_220 = arith.index_cast %scan3A_90 : i32 to index
        %get3A_221 = arith.constant 112 : index
        %get3A_222 = tpu.vector_load %arg8[%get3A_220, %get3A_221] {strides = array<i32>} : memref<128x128xf32, #tpu.memory_space<vmem>>, vector<1x16xf32>,
        %get3A_223 = vector.shape_cast %get3A_222 : vector<1x16xf32> to vector<16xf32>
        %add3A_224 = arith.addf %mul3A_219, %get3A_223 : vector<16xf32>
        %max3A_225 = arith.constant 0.000000e+00 : f32
        %max3A_226 = vector.broadcast %max3A_225 : f32 to vector<16xf32>
        %max3A_227 = arith.maximumf %add3A_224, %max3A_226 : vector<16xf32>
        %swap3A_228 = arith.index_cast %scan3A_90 : i32 to index
        %swap3A_229 = arith.constant 112 : index
        %swap3A_230 = tpu.vector_load %arg8[%swap3A_228, %swap3A_229] {strides = array<i32>} : memref<128x128xf32, #tpu.memory_space<vmem>>, vector<1x16xf32>,
        %swap3A_231 = vector.shape_cast %swap3A_230 : vector<1x16xf32> to vector<16xf32>
        %swap3A_232 = vector.shape_cast %max3A_227 : vector<16xf32> to vector<1x16xf32>
        tpu.vector_store %arg8[%swap3A_228, %swap3A_229], %swap3A_232 {strides = array<i32>} : memref<128x128xf32, #tpu.memory_space<vmem>>, vector<1x16xf32>,
      }
      %scan3A_89 = arith.constant 128 : i32
      "tpu.region"() ({
        %run_scoped3A_90 = tpu.sem_alloc : memref<!tpu.dma_semaphore, #tpu.memory_space<semaphore_mem>>
        %dma_start3A_91 = arith.constant 0 : i32
        %dma_start3A_92 = arith.constant 0 : i32
        %dma_start3A_93 = tpu.memref_slice %arg8[%dma_start3A_91, %dma_start3A_92] : memref<128x128xf32, #tpu.memory_space<vmem>> -> memref<128x128xf32, #tpu.memory_space<vmem>>
        %dma_start3A_94 = arith.constant 0 : i32
        %dma_start3A_95 = tpu.memref_slice %arg6[%add3A_62, %dma_start3A_94] : memref<320000x128xf32, #tpu.memory_space<hbm>> -> memref<128x128xf32, #tpu.memory_space<hbm>>
        %dma_start3A_96 = arith.constant 0 : i32
        %dma_start3A_97 = tpu.memref_slice %arg6[%add3A_62, %dma_start3A_96] : memref<320000x128xf32, #tpu.memory_space<hbm>> -> memref<128x128xf32, #tpu.memory_space<hbm>>
        %dma_start3A_98 = arith.constant 0 : i32
        %dma_start3A_99 = arith.constant 0 : i32
        %dma_start3A_100 = tpu.memref_slice %arg8[%dma_start3A_98, %dma_start3A_99] : memref<128x128xf32, #tpu.memory_space<vmem>> -> memref<128x128xf32, #tpu.memory_space<vmem>>
        tpu.enqueue_dma source(%dma_start3A_100 : memref<128x128xf32, #tpu.memory_space<vmem>>) target(%dma_start3A_97 : memref<128x128xf32, #tpu.memory_space<hbm>>) target_semaphore(%run_scoped3A_90 : memref<!tpu.dma_semaphore, #tpu.memory_space<semaphore_mem>>)
        %dma_wait3A_101 = arith.constant 0 : i32
        %dma_wait3A_102 = arith.constant 0 : i32
        %dma_wait3A_103 = tpu.memref_slice %arg8[%dma_wait3A_101, %dma_wait3A_102] : memref<128x128xf32, #tpu.memory_space<vmem>> -> memref<128x128xf32, #tpu.memory_space<vmem>>
        %dma_wait3A_104 = arith.constant 0 : i32
        %dma_wait3A_105 = tpu.memref_slice %arg6[%add3A_62, %dma_wait3A_104] : memref<320000x128xf32, #tpu.memory_space<hbm>> -> memref<128x128xf32, #tpu.memory_space<hbm>>
        %dma_wait3A_106 = arith.constant 0 : i32
        %dma_wait3A_107 = tpu.memref_slice %arg6[%add3A_62, %dma_wait3A_106] : memref<320000x128xf32, #tpu.memory_space<hbm>> -> memref<128x128xf32, #tpu.memory_space<hbm>>
        %dma_wait3A_108 = arith.constant 0 : i32
        %dma_wait3A_109 = arith.constant 0 : i32
        %dma_wait3A_110 = tpu.memref_slice %arg8[%dma_wait3A_108, %dma_wait3A_109] : memref<128x128xf32, #tpu.memory_space<vmem>> -> memref<128x128xf32, #tpu.memory_space<vmem>>
        tpu.wait_dma2 semaphore(%run_scoped3A_90 : memref<!tpu.dma_semaphore, #tpu.memory_space<semaphore_mem>>) src(%dma_wait3A_110 : memref<128x128xf32, #tpu.memory_space<vmem>>) dst(%dma_wait3A_107 : memref<128x128xf32, #tpu.memory_space<hbm>>)
        tpu.yield
      }) : () -> ()
    }
    %scan3A_28 = arith.constant 78 : i32
    %mul3A_29 = arith.constant 10000 : i32
    %mul3A_30 = arith.muli %add3A, %mul3A_29 : i32
    %add3A_31 = arith.constant 9984 : i32
    %add3A_32 = arith.addi %mul3A_30, %add3A_31 : i32
    %run_scoped3A = arith.constant 0 : i32
    "tpu.region"() ({
      %run_scoped3A_57 = tpu.sem_alloc : memref<!tpu.dma_semaphore, #tpu.memory_space<semaphore_mem>>
      %dma_start3A_58 = arith.constant 0 : i32
      %dma_start3A_59 = tpu.memref_slice %arg9[%run_scoped3A, %dma_start3A_58] : memref<2x128xi32, #tpu.memory_space<vmem>> -> memref<1x16xi32, #tpu.memory_space<vmem>>
      %dma_start3A_60 = tpu.memref_squeeze %dma_start3A_59 : memref<1x16xi32, #tpu.memory_space<vmem>> -> memref<16xi32, #tpu.memory_space<vmem>>
      %dma_start3A_61 = tpu.memref_slice %arg3[%add3A_32] : memref<320000xi32, #tpu.memory_space<hbm>> -> memref<16xi32, #tpu.memory_space<hbm>>
      %dma_start3A_62 = arith.constant 0 : i32
      %dma_start3A_63 = tpu.memref_slice %arg9[%run_scoped3A, %dma_start3A_62] : memref<2x128xi32, #tpu.memory_space<vmem>> -> memref<1x16xi32, #tpu.memory_space<vmem>>
      %dma_start3A_64 = tpu.memref_squeeze %dma_start3A_63 : memref<1x16xi32, #tpu.memory_space<vmem>> -> memref<16xi32, #tpu.memory_space<vmem>>
      %dma_start3A_65 = tpu.memref_slice %arg3[%add3A_32] : memref<320000xi32, #tpu.memory_space<hbm>> -> memref<16xi32, #tpu.memory_space<hbm>>
      tpu.enqueue_dma source(%dma_start3A_65 : memref<16xi32, #tpu.memory_space<hbm>>) target(%dma_start3A_64 : memref<16xi32, #tpu.memory_space<vmem>>) target_semaphore(%run_scoped3A_57 : memref<!tpu.dma_semaphore, #tpu.memory_space<semaphore_mem>>)
      %dma_wait3A_66 = arith.constant 0 : i32
      %dma_wait3A_67 = tpu.memref_slice %arg9[%run_scoped3A, %dma_wait3A_66] : memref<2x128xi32, #tpu.memory_space<vmem>> -> memref<1x16xi32, #tpu.memory_space<vmem>>
      %dma_wait3A_68 = tpu.memref_squeeze %dma_wait3A_67 : memref<1x16xi32, #tpu.memory_space<vmem>> -> memref<16xi32, #tpu.memory_space<vmem>>
      %dma_wait3A_69 = tpu.memref_slice %arg3[%add3A_32] : memref<320000xi32, #tpu.memory_space<hbm>> -> memref<16xi32, #tpu.memory_space<hbm>>
      %dma_wait3A_70 = arith.constant 0 : i32
      %dma_wait3A_71 = tpu.memref_slice %arg9[%run_scoped3A, %dma_wait3A_70] : memref<2x128xi32, #tpu.memory_space<vmem>> -> memref<1x16xi32, #tpu.memory_space<vmem>>
      %dma_wait3A_72 = tpu.memref_squeeze %dma_wait3A_71 : memref<1x16xi32, #tpu.memory_space<vmem>> -> memref<16xi32, #tpu.memory_space<vmem>>
      %dma_wait3A_73 = tpu.memref_slice %arg3[%add3A_32] : memref<320000xi32, #tpu.memory_space<hbm>> -> memref<16xi32, #tpu.memory_space<hbm>>
      tpu.wait_dma2 semaphore(%run_scoped3A_57 : memref<!tpu.dma_semaphore, #tpu.memory_space<semaphore_mem>>) src(%dma_wait3A_73 : memref<16xi32, #tpu.memory_space<hbm>>) dst(%dma_wait3A_72 : memref<16xi32, #tpu.memory_space<vmem>>)
      tpu.yield
    }) : () -> ()
    %dma_start3A = arith.constant 0 : i32
    %dma_start3A_33 = arith.constant 0 : i32
    %dma_start3A_34 = arith.constant 0 : i32
    %dma_start3A_35 = tpu.memref_slice %arg8[%dma_start3A_33, %dma_start3A_34] : memref<128x128xf32, #tpu.memory_space<vmem>> -> memref<16x128xf32, #tpu.memory_space<vmem>>
    %dma_start3A_36 = arith.constant 0 : i32
    %dma_start3A_37 = tpu.memref_slice %arg9[%dma_start3A, %dma_start3A_36] : memref<2x128xi32, #tpu.memory_space<vmem>> -> memref<1x16xi32, #tpu.memory_space<vmem>>
    %dma_start3A_38 = tpu.memref_squeeze %dma_start3A_37 : memref<1x16xi32, #tpu.memory_space<vmem>> -> memref<16xi32, #tpu.memory_space<vmem>>
    %dma_start3A_39 = arith.constant 0 : i32
    %dma_start3A_40 = arith.constant 0 : i32
    %dma_start3A_41 = tpu.memref_slice %arg4[%dma_start3A_39, %dma_start3A_40] : memref<10000x128xf32, #tpu.memory_space<hbm>> -> memref<10000x128xf32, #tpu.memory_space<hbm>>
    tpu.enqueue_indirect_dma source(%dma_start3A_41 : memref<10000x128xf32, #tpu.memory_space<hbm>>) target(%dma_start3A_35 : memref<16x128xf32, #tpu.memory_space<vmem>>) offsets(%dma_start3A_38 : memref<16xi32, #tpu.memory_space<vmem>>) semaphore(%arg11 : memref<!tpu.dma_semaphore, #tpu.memory_space<semaphore_mem>>)
    "tpu.region"() ({
      %run_scoped3A_57 = tpu.sem_alloc : memref<!tpu.dma_semaphore, #tpu.memory_space<semaphore_mem>>
      %dma_start3A_58 = arith.constant 0 : i32
      %dma_start3A_59 = arith.constant 0 : i32
      %dma_start3A_60 = tpu.memref_slice %arg7[%dma_start3A_58, %dma_start3A_59] : memref<128x128xf32, #tpu.memory_space<vmem>> -> memref<16x128xf32, #tpu.memory_space<vmem>>
      %dma_start3A_61 = arith.constant 0 : i32
      %dma_start3A_62 = tpu.memref_slice %arg2[%add3A_32, %dma_start3A_61] : memref<320000x128xf32, #tpu.memory_space<hbm>> -> memref<16x128xf32, #tpu.memory_space<hbm>>
      %dma_start3A_63 = arith.constant 0 : i32
      %dma_start3A_64 = arith.constant 0 : i32
      %dma_start3A_65 = tpu.memref_slice %arg7[%dma_start3A_63, %dma_start3A_64] : memref<128x128xf32, #tpu.memory_space<vmem>> -> memref<16x128xf32, #tpu.memory_space<vmem>>
      %dma_start3A_66 = arith.constant 0 : i32
      %dma_start3A_67 = tpu.memref_slice %arg2[%add3A_32, %dma_start3A_66] : memref<320000x128xf32, #tpu.memory_space<hbm>> -> memref<16x128xf32, #tpu.memory_space<hbm>>
      tpu.enqueue_dma source(%dma_start3A_67 : memref<16x128xf32, #tpu.memory_space<hbm>>) target(%dma_start3A_65 : memref<16x128xf32, #tpu.memory_space<vmem>>) target_semaphore(%run_scoped3A_57 : memref<!tpu.dma_semaphore, #tpu.memory_space<semaphore_mem>>)
      %dma_wait3A_68 = arith.constant 0 : i32
      %dma_wait3A_69 = arith.constant 0 : i32
      %dma_wait3A_70 = tpu.memref_slice %arg7[%dma_wait3A_68, %dma_wait3A_69] : memref<128x128xf32, #tpu.memory_space<vmem>> -> memref<16x128xf32, #tpu.memory_space<vmem>>
      %dma_wait3A_71 = arith.constant 0 : i32
      %dma_wait3A_72 = tpu.memref_slice %arg2[%add3A_32, %dma_wait3A_71] : memref<320000x128xf32, #tpu.memory_space<hbm>> -> memref<16x128xf32, #tpu.memory_space<hbm>>
      %dma_wait3A_73 = arith.constant 0 : i32
      %dma_wait3A_74 = arith.constant 0 : i32
      %dma_wait3A_75 = tpu.memref_slice %arg7[%dma_wait3A_73, %dma_wait3A_74] : memref<128x128xf32, #tpu.memory_space<vmem>> -> memref<16x128xf32, #tpu.memory_space<vmem>>
      %dma_wait3A_76 = arith.constant 0 : i32
      %dma_wait3A_77 = tpu.memref_slice %arg2[%add3A_32, %dma_wait3A_76] : memref<320000x128xf32, #tpu.memory_space<hbm>> -> memref<16x128xf32, #tpu.memory_space<hbm>>
      tpu.wait_dma2 semaphore(%run_scoped3A_57 : memref<!tpu.dma_semaphore, #tpu.memory_space<semaphore_mem>>) src(%dma_wait3A_77 : memref<16x128xf32, #tpu.memory_space<hbm>>) dst(%dma_wait3A_75 : memref<16x128xf32, #tpu.memory_space<vmem>>)
      tpu.yield
    }) : () -> ()
    %dma_wait3A = arith.constant 0 : i32
    %dma_wait3A_42 = arith.constant 0 : i32
    %dma_wait3A_43 = arith.constant 0 : i32
    %dma_wait3A_44 = tpu.memref_slice %arg8[%dma_wait3A_42, %dma_wait3A_43] : memref<128x128xf32, #tpu.memory_space<vmem>> -> memref<16x128xf32, #tpu.memory_space<vmem>>
    %dma_wait3A_45 = arith.constant 0 : i32
    %dma_wait3A_46 = tpu.memref_slice %arg9[%dma_wait3A, %dma_wait3A_45] : memref<2x128xi32, #tpu.memory_space<vmem>> -> memref<1x16xi32, #tpu.memory_space<vmem>>
    %dma_wait3A_47 = tpu.memref_squeeze %dma_wait3A_46 : memref<1x16xi32, #tpu.memory_space<vmem>> -> memref<16xi32, #tpu.memory_space<vmem>>
    %dma_wait3A_48 = arith.constant 0 : i32
    %dma_wait3A_49 = arith.constant 0 : i32
    %dma_wait3A_50 = tpu.memref_slice %arg4[%dma_wait3A_48, %dma_wait3A_49] : memref<10000x128xf32, #tpu.memory_space<hbm>> -> memref<10000x128xf32, #tpu.memory_space<hbm>>
    tpu.wait_indirect_dma semaphore(%arg11 : memref<!tpu.dma_semaphore, #tpu.memory_space<semaphore_mem>>) src(%dma_wait3A_50 : memref<10000x128xf32, #tpu.memory_space<hbm>>) dst(%dma_wait3A_44 : memref<16x128xf32, #tpu.memory_space<vmem>>)
    %scan3A_51 = arith.constant 0 : i32
    %scan3A_52 = arith.constant 0 : i32
    %scan3A_53 = arith.constant 16 : i32
    %scan3A_54 = arith.addi %scan3A_52, %scan3A_53 : i32
    %scan3A_55 = arith.constant 1 : i32
    scf.for %scan3A_57 = %scan3A_52 to %scan3A_54 step %scan3A_55  : i32 {
      %get3A_58 = arith.index_cast %scan3A_57 : i32 to index
      %get3A_59 = arith.constant 0 : index
      %get3A_60 = tpu.vector_load %arg7[%get3A_58, %get3A_59] {strides = array<i32>} : memref<128x128xf32, #tpu.memory_space<vmem>>, vector<1x16xf32>,
      %get3A_61 = vector.shape_cast %get3A_60 : vector<1x16xf32> to vector<16xf32>
      %mul3A_62 = arith.mulf %get3A_61, %get3A_2 : vector<16xf32>
      %get3A_63 = arith.index_cast %scan3A_57 : i32 to index
      %get3A_64 = arith.constant 0 : index
      %get3A_65 = tpu.vector_load %arg8[%get3A_63, %get3A_64] {strides = array<i32>} : memref<128x128xf32, #tpu.memory_space<vmem>>, vector<1x16xf32>,
      %get3A_66 = vector.shape_cast %get3A_65 : vector<1x16xf32> to vector<16xf32>
      %add3A_67 = arith.addf %mul3A_62, %get3A_66 : vector<16xf32>
      %max3A = arith.constant 0.000000e+00 : f32
      %max3A_68 = vector.broadcast %max3A : f32 to vector<16xf32>
      %max3A_69 = arith.maximumf %add3A_67, %max3A_68 : vector<16xf32>
      %swap3A = arith.index_cast %scan3A_57 : i32 to index
      %swap3A_70 = arith.constant 0 : index
      %swap3A_71 = tpu.vector_load %arg8[%swap3A, %swap3A_70] {strides = array<i32>} : memref<128x128xf32, #tpu.memory_space<vmem>>, vector<1x16xf32>,
      %swap3A_72 = vector.shape_cast %swap3A_71 : vector<1x16xf32> to vector<16xf32>
      %swap3A_73 = vector.shape_cast %max3A_69 : vector<16xf32> to vector<1x16xf32>
      tpu.vector_store %arg8[%swap3A, %swap3A_70], %swap3A_73 {strides = array<i32>} : memref<128x128xf32, #tpu.memory_space<vmem>>, vector<1x16xf32>,
      %get3A_74 = arith.index_cast %scan3A_57 : i32 to index
      %get3A_75 = arith.constant 16 : index
      %get3A_76 = tpu.vector_load %arg7[%get3A_74, %get3A_75] {strides = array<i32>} : memref<128x128xf32, #tpu.memory_space<vmem>>, vector<1x16xf32>,
      %get3A_77 = vector.shape_cast %get3A_76 : vector<1x16xf32> to vector<16xf32>
      %mul3A_78 = arith.mulf %get3A_77, %get3A_5 : vector<16xf32>
      %get3A_79 = arith.index_cast %scan3A_57 : i32 to index
      %get3A_80 = arith.constant 16 : index
      %get3A_81 = tpu.vector_load %arg8[%get3A_79, %get3A_80] {strides = array<i32>} : memref<128x128xf32, #tpu.memory_space<vmem>>, vector<1x16xf32>,
      %get3A_82 = vector.shape_cast %get3A_81 : vector<1x16xf32> to vector<16xf32>
      %add3A_83 = arith.addf %mul3A_78, %get3A_82 : vector<16xf32>
      %max3A_84 = arith.constant 0.000000e+00 : f32
      %max3A_85 = vector.broadcast %max3A_84 : f32 to vector<16xf32>
      %max3A_86 = arith.maximumf %add3A_83, %max3A_85 : vector<16xf32>
      %swap3A_87 = arith.index_cast %scan3A_57 : i32 to index
      %swap3A_88 = arith.constant 16 : index
      %swap3A_89 = tpu.vector_load %arg8[%swap3A_87, %swap3A_88] {strides = array<i32>} : memref<128x128xf32, #tpu.memory_space<vmem>>, vector<1x16xf32>,
      %swap3A_90 = vector.shape_cast %swap3A_89 : vector<1x16xf32> to vector<16xf32>
      %swap3A_91 = vector.shape_cast %max3A_86 : vector<16xf32> to vector<1x16xf32>
      tpu.vector_store %arg8[%swap3A_87, %swap3A_88], %swap3A_91 {strides = array<i32>} : memref<128x128xf32, #tpu.memory_space<vmem>>, vector<1x16xf32>,
      %get3A_92 = arith.index_cast %scan3A_57 : i32 to index
      %get3A_93 = arith.constant 32 : index
      %get3A_94 = tpu.vector_load %arg7[%get3A_92, %get3A_93] {strides = array<i32>} : memref<128x128xf32, #tpu.memory_space<vmem>>, vector<1x16xf32>,
      %get3A_95 = vector.shape_cast %get3A_94 : vector<1x16xf32> to vector<16xf32>
      %mul3A_96 = arith.mulf %get3A_95, %get3A_8 : vector<16xf32>
      %get3A_97 = arith.index_cast %scan3A_57 : i32 to index
      %get3A_98 = arith.constant 32 : index
      %get3A_99 = tpu.vector_load %arg8[%get3A_97, %get3A_98] {strides = array<i32>} : memref<128x128xf32, #tpu.memory_space<vmem>>, vector<1x16xf32>,
      %get3A_100 = vector.shape_cast %get3A_99 : vector<1x16xf32> to vector<16xf32>
      %add3A_101 = arith.addf %mul3A_96, %get3A_100 : vector<16xf32>
      %max3A_102 = arith.constant 0.000000e+00 : f32
      %max3A_103 = vector.broadcast %max3A_102 : f32 to vector<16xf32>
      %max3A_104 = arith.maximumf %add3A_101, %max3A_103 : vector<16xf32>
      %swap3A_105 = arith.index_cast %scan3A_57 : i32 to index
      %swap3A_106 = arith.constant 32 : index
      %swap3A_107 = tpu.vector_load %arg8[%swap3A_105, %swap3A_106] {strides = array<i32>} : memref<128x128xf32, #tpu.memory_space<vmem>>, vector<1x16xf32>,
      %swap3A_108 = vector.shape_cast %swap3A_107 : vector<1x16xf32> to vector<16xf32>
      %swap3A_109 = vector.shape_cast %max3A_104 : vector<16xf32> to vector<1x16xf32>
      tpu.vector_store %arg8[%swap3A_105, %swap3A_106], %swap3A_109 {strides = array<i32>} : memref<128x128xf32, #tpu.memory_space<vmem>>, vector<1x16xf32>,
      %get3A_110 = arith.index_cast %scan3A_57 : i32 to index
      %get3A_111 = arith.constant 48 : index
      %get3A_112 = tpu.vector_load %arg7[%get3A_110, %get3A_111] {strides = array<i32>} : memref<128x128xf32, #tpu.memory_space<vmem>>, vector<1x16xf32>,
      %get3A_113 = vector.shape_cast %get3A_112 : vector<1x16xf32> to vector<16xf32>
      %mul3A_114 = arith.mulf %get3A_113, %get3A_11 : vector<16xf32>
      %get3A_115 = arith.index_cast %scan3A_57 : i32 to index
      %get3A_116 = arith.constant 48 : index
      %get3A_117 = tpu.vector_load %arg8[%get3A_115, %get3A_116] {strides = array<i32>} : memref<128x128xf32, #tpu.memory_space<vmem>>, vector<1x16xf32>,
      %get3A_118 = vector.shape_cast %get3A_117 : vector<1x16xf32> to vector<16xf32>
      %add3A_119 = arith.addf %mul3A_114, %get3A_118 : vector<16xf32>
      %max3A_120 = arith.constant 0.000000e+00 : f32
      %max3A_121 = vector.broadcast %max3A_120 : f32 to vector<16xf32>
      %max3A_122 = arith.maximumf %add3A_119, %max3A_121 : vector<16xf32>
      %swap3A_123 = arith.index_cast %scan3A_57 : i32 to index
      %swap3A_124 = arith.constant 48 : index
      %swap3A_125 = tpu.vector_load %arg8[%swap3A_123, %swap3A_124] {strides = array<i32>} : memref<128x128xf32, #tpu.memory_space<vmem>>, vector<1x16xf32>,
      %swap3A_126 = vector.shape_cast %swap3A_125 : vector<1x16xf32> to vector<16xf32>
      %swap3A_127 = vector.shape_cast %max3A_122 : vector<16xf32> to vector<1x16xf32>
      tpu.vector_store %arg8[%swap3A_123, %swap3A_124], %swap3A_127 {strides = array<i32>} : memref<128x128xf32, #tpu.memory_space<vmem>>, vector<1x16xf32>,
      %get3A_128 = arith.index_cast %scan3A_57 : i32 to index
      %get3A_129 = arith.constant 64 : index
      %get3A_130 = tpu.vector_load %arg7[%get3A_128, %get3A_129] {strides = array<i32>} : memref<128x128xf32, #tpu.memory_space<vmem>>, vector<1x16xf32>,
      %get3A_131 = vector.shape_cast %get3A_130 : vector<1x16xf32> to vector<16xf32>
      %mul3A_132 = arith.mulf %get3A_131, %get3A_14 : vector<16xf32>
      %get3A_133 = arith.index_cast %scan3A_57 : i32 to index
      %get3A_134 = arith.constant 64 : index
      %get3A_135 = tpu.vector_load %arg8[%get3A_133, %get3A_134] {strides = array<i32>} : memref<128x128xf32, #tpu.memory_space<vmem>>, vector<1x16xf32>,
      %get3A_136 = vector.shape_cast %get3A_135 : vector<1x16xf32> to vector<16xf32>
      %add3A_137 = arith.addf %mul3A_132, %get3A_136 : vector<16xf32>
      %max3A_138 = arith.constant 0.000000e+00 : f32
      %max3A_139 = vector.broadcast %max3A_138 : f32 to vector<16xf32>
      %max3A_140 = arith.maximumf %add3A_137, %max3A_139 : vector<16xf32>
      %swap3A_141 = arith.index_cast %scan3A_57 : i32 to index
      %swap3A_142 = arith.constant 64 : index
      %swap3A_143 = tpu.vector_load %arg8[%swap3A_141, %swap3A_142] {strides = array<i32>} : memref<128x128xf32, #tpu.memory_space<vmem>>, vector<1x16xf32>,
      %swap3A_144 = vector.shape_cast %swap3A_143 : vector<1x16xf32> to vector<16xf32>
      %swap3A_145 = vector.shape_cast %max3A_140 : vector<16xf32> to vector<1x16xf32>
      tpu.vector_store %arg8[%swap3A_141, %swap3A_142], %swap3A_145 {strides = array<i32>} : memref<128x128xf32, #tpu.memory_space<vmem>>, vector<1x16xf32>,
      %get3A_146 = arith.index_cast %scan3A_57 : i32 to index
      %get3A_147 = arith.constant 80 : index
      %get3A_148 = tpu.vector_load %arg7[%get3A_146, %get3A_147] {strides = array<i32>} : memref<128x128xf32, #tpu.memory_space<vmem>>, vector<1x16xf32>,
      %get3A_149 = vector.shape_cast %get3A_148 : vector<1x16xf32> to vector<16xf32>
      %mul3A_150 = arith.mulf %get3A_149, %get3A_17 : vector<16xf32>
      %get3A_151 = arith.index_cast %scan3A_57 : i32 to index
      %get3A_152 = arith.constant 80 : index
      %get3A_153 = tpu.vector_load %arg8[%get3A_151, %get3A_152] {strides = array<i32>} : memref<128x128xf32, #tpu.memory_space<vmem>>, vector<1x16xf32>,
      %get3A_154 = vector.shape_cast %get3A_153 : vector<1x16xf32> to vector<16xf32>
      %add3A_155 = arith.addf %mul3A_150, %get3A_154 : vector<16xf32>
      %max3A_156 = arith.constant 0.000000e+00 : f32
      %max3A_157 = vector.broadcast %max3A_156 : f32 to vector<16xf32>
      %max3A_158 = arith.maximumf %add3A_155, %max3A_157 : vector<16xf32>
      %swap3A_159 = arith.index_cast %scan3A_57 : i32 to index
      %swap3A_160 = arith.constant 80 : index
      %swap3A_161 = tpu.vector_load %arg8[%swap3A_159, %swap3A_160] {strides = array<i32>} : memref<128x128xf32, #tpu.memory_space<vmem>>, vector<1x16xf32>,
      %swap3A_162 = vector.shape_cast %swap3A_161 : vector<1x16xf32> to vector<16xf32>
      %swap3A_163 = vector.shape_cast %max3A_158 : vector<16xf32> to vector<1x16xf32>
      tpu.vector_store %arg8[%swap3A_159, %swap3A_160], %swap3A_163 {strides = array<i32>} : memref<128x128xf32, #tpu.memory_space<vmem>>, vector<1x16xf32>,
      %get3A_164 = arith.index_cast %scan3A_57 : i32 to index
      %get3A_165 = arith.constant 96 : index
      %get3A_166 = tpu.vector_load %arg7[%get3A_164, %get3A_165] {strides = array<i32>} : memref<128x128xf32, #tpu.memory_space<vmem>>, vector<1x16xf32>,
      %get3A_167 = vector.shape_cast %get3A_166 : vector<1x16xf32> to vector<16xf32>
      %mul3A_168 = arith.mulf %get3A_167, %get3A_20 : vector<16xf32>
      %get3A_169 = arith.index_cast %scan3A_57 : i32 to index
      %get3A_170 = arith.constant 96 : index
      %get3A_171 = tpu.vector_load %arg8[%get3A_169, %get3A_170] {strides = array<i32>} : memref<128x128xf32, #tpu.memory_space<vmem>>, vector<1x16xf32>,
      %get3A_172 = vector.shape_cast %get3A_171 : vector<1x16xf32> to vector<16xf32>
      %add3A_173 = arith.addf %mul3A_168, %get3A_172 : vector<16xf32>
      %max3A_174 = arith.constant 0.000000e+00 : f32
      %max3A_175 = vector.broadcast %max3A_174 : f32 to vector<16xf32>
      %max3A_176 = arith.maximumf %add3A_173, %max3A_175 : vector<16xf32>
      %swap3A_177 = arith.index_cast %scan3A_57 : i32 to index
      %swap3A_178 = arith.constant 96 : index
      %swap3A_179 = tpu.vector_load %arg8[%swap3A_177, %swap3A_178] {strides = array<i32>} : memref<128x128xf32, #tpu.memory_space<vmem>>, vector<1x16xf32>,
      %swap3A_180 = vector.shape_cast %swap3A_179 : vector<1x16xf32> to vector<16xf32>
      %swap3A_181 = vector.shape_cast %max3A_176 : vector<16xf32> to vector<1x16xf32>
      tpu.vector_store %arg8[%swap3A_177, %swap3A_178], %swap3A_181 {strides = array<i32>} : memref<128x128xf32, #tpu.memory_space<vmem>>, vector<1x16xf32>,
      %get3A_182 = arith.index_cast %scan3A_57 : i32 to index
      %get3A_183 = arith.constant 112 : index
      %get3A_184 = tpu.vector_load %arg7[%get3A_182, %get3A_183] {strides = array<i32>} : memref<128x128xf32, #tpu.memory_space<vmem>>, vector<1x16xf32>,
      %get3A_185 = vector.shape_cast %get3A_184 : vector<1x16xf32> to vector<16xf32>
      %mul3A_186 = arith.mulf %get3A_185, %get3A_23 : vector<16xf32>
      %get3A_187 = arith.index_cast %scan3A_57 : i32 to index
      %get3A_188 = arith.constant 112 : index
      %get3A_189 = tpu.vector_load %arg8[%get3A_187, %get3A_188] {strides = array<i32>} : memref<128x128xf32, #tpu.memory_space<vmem>>, vector<1x16xf32>,
      %get3A_190 = vector.shape_cast %get3A_189 : vector<1x16xf32> to vector<16xf32>
      %add3A_191 = arith.addf %mul3A_186, %get3A_190 : vector<16xf32>
      %max3A_192 = arith.constant 0.000000e+00 : f32
      %max3A_193 = vector.broadcast %max3A_192 : f32 to vector<16xf32>
      %max3A_194 = arith.maximumf %add3A_191, %max3A_193 : vector<16xf32>
      %swap3A_195 = arith.index_cast %scan3A_57 : i32 to index
      %swap3A_196 = arith.constant 112 : index
      %swap3A_197 = tpu.vector_load %arg8[%swap3A_195, %swap3A_196] {strides = array<i32>} : memref<128x128xf32, #tpu.memory_space<vmem>>, vector<1x16xf32>,
      %swap3A_198 = vector.shape_cast %swap3A_197 : vector<1x16xf32> to vector<16xf32>
      %swap3A_199 = vector.shape_cast %max3A_194 : vector<16xf32> to vector<1x16xf32>
      tpu.vector_store %arg8[%swap3A_195, %swap3A_196], %swap3A_199 {strides = array<i32>} : memref<128x128xf32, #tpu.memory_space<vmem>>, vector<1x16xf32>,
    }
    %scan3A_56 = arith.constant 16 : i32
    "tpu.region"() ({
      %run_scoped3A_57 = tpu.sem_alloc : memref<!tpu.dma_semaphore, #tpu.memory_space<semaphore_mem>>
      %dma_start3A_58 = arith.constant 0 : i32
      %dma_start3A_59 = arith.constant 0 : i32
      %dma_start3A_60 = tpu.memref_slice %arg8[%dma_start3A_58, %dma_start3A_59] : memref<128x128xf32, #tpu.memory_space<vmem>> -> memref<16x128xf32, #tpu.memory_space<vmem>>
      %dma_start3A_61 = arith.constant 0 : i32
      %dma_start3A_62 = tpu.memref_slice %arg6[%add3A_32, %dma_start3A_61] : memref<320000x128xf32, #tpu.memory_space<hbm>> -> memref<16x128xf32, #tpu.memory_space<hbm>>
      %dma_start3A_63 = arith.constant 0 : i32
      %dma_start3A_64 = tpu.memref_slice %arg6[%add3A_32, %dma_start3A_63] : memref<320000x128xf32, #tpu.memory_space<hbm>> -> memref<16x128xf32, #tpu.memory_space<hbm>>
      %dma_start3A_65 = arith.constant 0 : i32
      %dma_start3A_66 = arith.constant 0 : i32
      %dma_start3A_67 = tpu.memref_slice %arg8[%dma_start3A_65, %dma_start3A_66] : memref<128x128xf32, #tpu.memory_space<vmem>> -> memref<16x128xf32, #tpu.memory_space<vmem>>
      tpu.enqueue_dma source(%dma_start3A_67 : memref<16x128xf32, #tpu.memory_space<vmem>>) target(%dma_start3A_64 : memref<16x128xf32, #tpu.memory_space<hbm>>) target_semaphore(%run_scoped3A_57 : memref<!tpu.dma_semaphore, #tpu.memory_space<semaphore_mem>>)
      %dma_wait3A_68 = arith.constant 0 : i32
      %dma_wait3A_69 = arith.constant 0 : i32
      %dma_wait3A_70 = tpu.memref_slice %arg8[%dma_wait3A_68, %dma_wait3A_69] : memref<128x128xf32, #tpu.memory_space<vmem>> -> memref<16x128xf32, #tpu.memory_space<vmem>>
      %dma_wait3A_71 = arith.constant 0 : i32
      %dma_wait3A_72 = tpu.memref_slice %arg6[%add3A_32, %dma_wait3A_71] : memref<320000x128xf32, #tpu.memory_space<hbm>> -> memref<16x128xf32, #tpu.memory_space<hbm>>
      %dma_wait3A_73 = arith.constant 0 : i32
      %dma_wait3A_74 = tpu.memref_slice %arg6[%add3A_32, %dma_wait3A_73] : memref<320000x128xf32, #tpu.memory_space<hbm>> -> memref<16x128xf32, #tpu.memory_space<hbm>>
      %dma_wait3A_75 = arith.constant 0 : i32
      %dma_wait3A_76 = arith.constant 0 : i32
      %dma_wait3A_77 = tpu.memref_slice %arg8[%dma_wait3A_75, %dma_wait3A_76] : memref<128x128xf32, #tpu.memory_space<vmem>> -> memref<16x128xf32, #tpu.memory_space<vmem>>
      tpu.wait_dma2 semaphore(%run_scoped3A_57 : memref<!tpu.dma_semaphore, #tpu.memory_space<semaphore_mem>>) src(%dma_wait3A_77 : memref<16x128xf32, #tpu.memory_space<vmem>>) dst(%dma_wait3A_74 : memref<16x128xf32, #tpu.memory_space<hbm>>)
      tpu.yield
    }) : () -> ()
    return
  }
}

#map = affine_map<(d0, d1) -> (0, 0)>
#map1 = affine_map<(d0, d1) -> (0)>
module attributes {stable_mosaic.version = 14 : i64} {
  func.func @body(%arg0: i32, %arg1: i32, %arg2: memref<320000x128xf32, #tpu.memory_space<hbm>>, %arg3: memref<320000xi32, #tpu.memory_space<hbm>>, %arg4: memref<10000x128xf32, #tpu.memory_space<hbm>>, %arg5: memref<32x256xf32, #tpu.memory_space<hbm>>, %arg6: memref<128x128xf32, #tpu.memory_space<vmem>>, %arg7: memref<128x128xf32, #tpu.memory_space<vmem>>, %arg8: memref<2x128xi32, #tpu.memory_space<vmem>>, %arg9: memref<256xf32, #tpu.memory_space<vmem>>, %arg10: memref<!tpu.dma_semaphore, #tpu.memory_space<semaphore_mem>>) attributes {dimension_semantics = [#tpu.dimension_semantics<core_parallel>, #tpu.dimension_semantics<subcore_parallel>], iteration_bounds = array<i64: 2, 16>, scalar_prefetch = 0 : i64, scratch_operands = 5 : i64, tpu.core_type = #tpu.core_type<sc_vector_subcore>, window_params = [{transform_indices = #map}, {transform_indices = #map1}, {transform_indices = #map}, {transform_indices = #map}]} {
    %mul3A = arith.constant 16 : i32
    %mul3A_0 = arith.muli %arg0, %mul3A : i32
    %add3A = arith.addi %mul3A_0, %arg1 : i32
    %broadcast_in_dim3A = arith.constant 0.000000e+00 : f32
    %broadcast_in_dim3A_1 = vector.broadcast %broadcast_in_dim3A : f32 to vector<16xf32>
    %scan3A = arith.constant 0 : i32
    %scan3A_2 = arith.constant 78 : i32
    %scan3A_3 = arith.addi %scan3A, %scan3A_2 : i32
    %scan3A_4 = arith.constant 1 : i32
    %scan3A_5:16 = scf.for %scan3A_98 = %scan3A to %scan3A_3 step %scan3A_4 iter_args(%scan3A_99 = %broadcast_in_dim3A_1, %scan3A_100 = %broadcast_in_dim3A_1, %scan3A_101 = %broadcast_in_dim3A_1, %scan3A_102 = %broadcast_in_dim3A_1, %scan3A_103 = %broadcast_in_dim3A_1, %scan3A_104 = %broadcast_in_dim3A_1, %scan3A_105 = %broadcast_in_dim3A_1, %scan3A_106 = %broadcast_in_dim3A_1, %scan3A_107 = %broadcast_in_dim3A_1, %scan3A_108 = %broadcast_in_dim3A_1, %scan3A_109 = %broadcast_in_dim3A_1, %scan3A_110 = %broadcast_in_dim3A_1, %scan3A_111 = %broadcast_in_dim3A_1, %scan3A_112 = %broadcast_in_dim3A_1, %scan3A_113 = %broadcast_in_dim3A_1, %scan3A_114 = %broadcast_in_dim3A_1) -> (vector<16xf32>, vector<16xf32>, vector<16xf32>, vector<16xf32>, vector<16xf32>, vector<16xf32>, vector<16xf32>, vector<16xf32>, vector<16xf32>, vector<16xf32>, vector<16xf32>, vector<16xf32>, vector<16xf32>, vector<16xf32>, vector<16xf32>, vector<16xf32>)  : i32 {
      %mul3A_115 = arith.constant 10000 : i32
      %mul3A_116 = arith.muli %add3A, %mul3A_115 : i32
      %mul3A_117 = arith.constant 128 : i32
      %mul3A_118 = arith.muli %scan3A_98, %mul3A_117 : i32
      %add3A_119 = arith.addi %mul3A_116, %mul3A_118 : i32
      %run_scoped3A_120 = arith.constant 0 : i32
      "tpu.region"() ({
        %run_scoped3A_147 = tpu.sem_alloc : memref<!tpu.dma_semaphore, #tpu.memory_space<semaphore_mem>>
        %dma_start3A_148 = arith.constant 0 : i32
        %dma_start3A_149 = tpu.memref_slice %arg8[%run_scoped3A_120, %dma_start3A_148] : memref<2x128xi32, #tpu.memory_space<vmem>> -> memref<1x128xi32, #tpu.memory_space<vmem>>
        %dma_start3A_150 = tpu.memref_squeeze %dma_start3A_149 : memref<1x128xi32, #tpu.memory_space<vmem>> -> memref<128xi32, #tpu.memory_space<vmem>>
        %dma_start3A_151 = tpu.memref_slice %arg3[%add3A_119] : memref<320000xi32, #tpu.memory_space<hbm>> -> memref<128xi32, #tpu.memory_space<hbm>>
        %dma_start3A_152 = arith.constant 0 : i32
        %dma_start3A_153 = tpu.memref_slice %arg8[%run_scoped3A_120, %dma_start3A_152] : memref<2x128xi32, #tpu.memory_space<vmem>> -> memref<1x128xi32, #tpu.memory_space<vmem>>
        %dma_start3A_154 = tpu.memref_squeeze %dma_start3A_153 : memref<1x128xi32, #tpu.memory_space<vmem>> -> memref<128xi32, #tpu.memory_space<vmem>>
        %dma_start3A_155 = tpu.memref_slice %arg3[%add3A_119] : memref<320000xi32, #tpu.memory_space<hbm>> -> memref<128xi32, #tpu.memory_space<hbm>>
        tpu.enqueue_dma source(%dma_start3A_155 : memref<128xi32, #tpu.memory_space<hbm>>) target(%dma_start3A_154 : memref<128xi32, #tpu.memory_space<vmem>>) target_semaphore(%run_scoped3A_147 : memref<!tpu.dma_semaphore, #tpu.memory_space<semaphore_mem>>)
        %dma_wait3A_156 = arith.constant 0 : i32
        %dma_wait3A_157 = tpu.memref_slice %arg8[%run_scoped3A_120, %dma_wait3A_156] : memref<2x128xi32, #tpu.memory_space<vmem>> -> memref<1x128xi32, #tpu.memory_space<vmem>>
        %dma_wait3A_158 = tpu.memref_squeeze %dma_wait3A_157 : memref<1x128xi32, #tpu.memory_space<vmem>> -> memref<128xi32, #tpu.memory_space<vmem>>
        %dma_wait3A_159 = tpu.memref_slice %arg3[%add3A_119] : memref<320000xi32, #tpu.memory_space<hbm>> -> memref<128xi32, #tpu.memory_space<hbm>>
        %dma_wait3A_160 = arith.constant 0 : i32
        %dma_wait3A_161 = tpu.memref_slice %arg8[%run_scoped3A_120, %dma_wait3A_160] : memref<2x128xi32, #tpu.memory_space<vmem>> -> memref<1x128xi32, #tpu.memory_space<vmem>>
        %dma_wait3A_162 = tpu.memref_squeeze %dma_wait3A_161 : memref<1x128xi32, #tpu.memory_space<vmem>> -> memref<128xi32, #tpu.memory_space<vmem>>
        %dma_wait3A_163 = tpu.memref_slice %arg3[%add3A_119] : memref<320000xi32, #tpu.memory_space<hbm>> -> memref<128xi32, #tpu.memory_space<hbm>>
        tpu.wait_dma2 semaphore(%run_scoped3A_147 : memref<!tpu.dma_semaphore, #tpu.memory_space<semaphore_mem>>) src(%dma_wait3A_163 : memref<128xi32, #tpu.memory_space<hbm>>) dst(%dma_wait3A_162 : memref<128xi32, #tpu.memory_space<vmem>>)
        tpu.yield
      }) : () -> ()
      %dma_start3A_121 = arith.constant 0 : i32
      %dma_start3A_122 = arith.constant 0 : i32
      %dma_start3A_123 = arith.constant 0 : i32
      %dma_start3A_124 = tpu.memref_slice %arg7[%dma_start3A_122, %dma_start3A_123] : memref<128x128xf32, #tpu.memory_space<vmem>> -> memref<128x128xf32, #tpu.memory_space<vmem>>
      %dma_start3A_125 = arith.constant 0 : i32
      %dma_start3A_126 = tpu.memref_slice %arg8[%dma_start3A_121, %dma_start3A_125] : memref<2x128xi32, #tpu.memory_space<vmem>> -> memref<1x128xi32, #tpu.memory_space<vmem>>
      %dma_start3A_127 = tpu.memref_squeeze %dma_start3A_126 : memref<1x128xi32, #tpu.memory_space<vmem>> -> memref<128xi32, #tpu.memory_space<vmem>>
      %dma_start3A_128 = arith.constant 0 : i32
      %dma_start3A_129 = arith.constant 0 : i32
      %dma_start3A_130 = tpu.memref_slice %arg4[%dma_start3A_128, %dma_start3A_129] : memref<10000x128xf32, #tpu.memory_space<hbm>> -> memref<10000x128xf32, #tpu.memory_space<hbm>>
      tpu.enqueue_indirect_dma source(%dma_start3A_130 : memref<10000x128xf32, #tpu.memory_space<hbm>>) target(%dma_start3A_124 : memref<128x128xf32, #tpu.memory_space<vmem>>) offsets(%dma_start3A_127 : memref<128xi32, #tpu.memory_space<vmem>>) semaphore(%arg10 : memref<!tpu.dma_semaphore, #tpu.memory_space<semaphore_mem>>)
      "tpu.region"() ({
        %run_scoped3A_147 = tpu.sem_alloc : memref<!tpu.dma_semaphore, #tpu.memory_space<semaphore_mem>>
        %dma_start3A_148 = arith.constant 0 : i32
        %dma_start3A_149 = arith.constant 0 : i32
        %dma_start3A_150 = tpu.memref_slice %arg6[%dma_start3A_148, %dma_start3A_149] : memref<128x128xf32, #tpu.memory_space<vmem>> -> memref<128x128xf32, #tpu.memory_space<vmem>>
        %dma_start3A_151 = arith.constant 0 : i32
        %dma_start3A_152 = tpu.memref_slice %arg2[%add3A_119, %dma_start3A_151] : memref<320000x128xf32, #tpu.memory_space<hbm>> -> memref<128x128xf32, #tpu.memory_space<hbm>>
        %dma_start3A_153 = arith.constant 0 : i32
        %dma_start3A_154 = arith.constant 0 : i32
        %dma_start3A_155 = tpu.memref_slice %arg6[%dma_start3A_153, %dma_start3A_154] : memref<128x128xf32, #tpu.memory_space<vmem>> -> memref<128x128xf32, #tpu.memory_space<vmem>>
        %dma_start3A_156 = arith.constant 0 : i32
        %dma_start3A_157 = tpu.memref_slice %arg2[%add3A_119, %dma_start3A_156] : memref<320000x128xf32, #tpu.memory_space<hbm>> -> memref<128x128xf32, #tpu.memory_space<hbm>>
        tpu.enqueue_dma source(%dma_start3A_157 : memref<128x128xf32, #tpu.memory_space<hbm>>) target(%dma_start3A_155 : memref<128x128xf32, #tpu.memory_space<vmem>>) target_semaphore(%run_scoped3A_147 : memref<!tpu.dma_semaphore, #tpu.memory_space<semaphore_mem>>)
        %dma_wait3A_158 = arith.constant 0 : i32
        %dma_wait3A_159 = arith.constant 0 : i32
        %dma_wait3A_160 = tpu.memref_slice %arg6[%dma_wait3A_158, %dma_wait3A_159] : memref<128x128xf32, #tpu.memory_space<vmem>> -> memref<128x128xf32, #tpu.memory_space<vmem>>
        %dma_wait3A_161 = arith.constant 0 : i32
        %dma_wait3A_162 = tpu.memref_slice %arg2[%add3A_119, %dma_wait3A_161] : memref<320000x128xf32, #tpu.memory_space<hbm>> -> memref<128x128xf32, #tpu.memory_space<hbm>>
        %dma_wait3A_163 = arith.constant 0 : i32
        %dma_wait3A_164 = arith.constant 0 : i32
        %dma_wait3A_165 = tpu.memref_slice %arg6[%dma_wait3A_163, %dma_wait3A_164] : memref<128x128xf32, #tpu.memory_space<vmem>> -> memref<128x128xf32, #tpu.memory_space<vmem>>
        %dma_wait3A_166 = arith.constant 0 : i32
        %dma_wait3A_167 = tpu.memref_slice %arg2[%add3A_119, %dma_wait3A_166] : memref<320000x128xf32, #tpu.memory_space<hbm>> -> memref<128x128xf32, #tpu.memory_space<hbm>>
        tpu.wait_dma2 semaphore(%run_scoped3A_147 : memref<!tpu.dma_semaphore, #tpu.memory_space<semaphore_mem>>) src(%dma_wait3A_167 : memref<128x128xf32, #tpu.memory_space<hbm>>) dst(%dma_wait3A_165 : memref<128x128xf32, #tpu.memory_space<vmem>>)
        tpu.yield
      }) : () -> ()
      %dma_wait3A_131 = arith.constant 0 : i32
      %dma_wait3A_132 = arith.constant 0 : i32
      %dma_wait3A_133 = arith.constant 0 : i32
      %dma_wait3A_134 = tpu.memref_slice %arg7[%dma_wait3A_132, %dma_wait3A_133] : memref<128x128xf32, #tpu.memory_space<vmem>> -> memref<128x128xf32, #tpu.memory_space<vmem>>
      %dma_wait3A_135 = arith.constant 0 : i32
      %dma_wait3A_136 = tpu.memref_slice %arg8[%dma_wait3A_131, %dma_wait3A_135] : memref<2x128xi32, #tpu.memory_space<vmem>> -> memref<1x128xi32, #tpu.memory_space<vmem>>
      %dma_wait3A_137 = tpu.memref_squeeze %dma_wait3A_136 : memref<1x128xi32, #tpu.memory_space<vmem>> -> memref<128xi32, #tpu.memory_space<vmem>>
      %dma_wait3A_138 = arith.constant 0 : i32
      %dma_wait3A_139 = arith.constant 0 : i32
      %dma_wait3A_140 = tpu.memref_slice %arg4[%dma_wait3A_138, %dma_wait3A_139] : memref<10000x128xf32, #tpu.memory_space<hbm>> -> memref<10000x128xf32, #tpu.memory_space<hbm>>
      tpu.wait_indirect_dma semaphore(%arg10 : memref<!tpu.dma_semaphore, #tpu.memory_space<semaphore_mem>>) src(%dma_wait3A_140 : memref<10000x128xf32, #tpu.memory_space<hbm>>) dst(%dma_wait3A_134 : memref<128x128xf32, #tpu.memory_space<vmem>>)
      %scan3A_141 = arith.constant 0 : i32
      %scan3A_142 = arith.constant 128 : i32
      %scan3A_143 = arith.addi %scan3A_141, %scan3A_142 : i32
      %scan3A_144 = arith.constant 1 : i32
      %scan3A_145:16 = scf.for %scan3A_147 = %scan3A_141 to %scan3A_143 step %scan3A_144 iter_args(%scan3A_148 = %scan3A_99, %scan3A_149 = %scan3A_100, %scan3A_150 = %scan3A_101, %scan3A_151 = %scan3A_102, %scan3A_152 = %scan3A_103, %scan3A_153 = %scan3A_104, %scan3A_154 = %scan3A_105, %scan3A_155 = %scan3A_106, %scan3A_156 = %scan3A_107, %scan3A_157 = %scan3A_108, %scan3A_158 = %scan3A_109, %scan3A_159 = %scan3A_110, %scan3A_160 = %scan3A_111, %scan3A_161 = %scan3A_112, %scan3A_162 = %scan3A_113, %scan3A_163 = %scan3A_114) -> (vector<16xf32>, vector<16xf32>, vector<16xf32>, vector<16xf32>, vector<16xf32>, vector<16xf32>, vector<16xf32>, vector<16xf32>, vector<16xf32>, vector<16xf32>, vector<16xf32>, vector<16xf32>, vector<16xf32>, vector<16xf32>, vector<16xf32>, vector<16xf32>)  : i32 {
        %get3A = arith.index_cast %scan3A_147 : i32 to index
        %get3A_164 = arith.constant 0 : index
        %get3A_165 = tpu.vector_load %arg6[%get3A, %get3A_164] {strides = array<i32>} : memref<128x128xf32, #tpu.memory_space<vmem>>, vector<1x16xf32>,
        %get3A_166 = vector.shape_cast %get3A_165 : vector<1x16xf32> to vector<16xf32>
        %get3A_167 = arith.index_cast %scan3A_147 : i32 to index
        %get3A_168 = arith.constant 0 : index
        %get3A_169 = tpu.vector_load %arg7[%get3A_167, %get3A_168] {strides = array<i32>} : memref<128x128xf32, #tpu.memory_space<vmem>>, vector<1x16xf32>,
        %get3A_170 = vector.shape_cast %get3A_169 : vector<1x16xf32> to vector<16xf32>
        %add3A_171 = arith.addf %get3A_166, %get3A_170 : vector<16xf32>
        %add3A_172 = arith.addf %scan3A_148, %add3A_171 : vector<16xf32>
        %mul3A_173 = arith.mulf %add3A_171, %add3A_171 : vector<16xf32>
        %add3A_174 = arith.addf %scan3A_156, %mul3A_173 : vector<16xf32>
        %get3A_175 = arith.index_cast %scan3A_147 : i32 to index
        %get3A_176 = arith.constant 16 : index
        %get3A_177 = tpu.vector_load %arg6[%get3A_175, %get3A_176] {strides = array<i32>} : memref<128x128xf32, #tpu.memory_space<vmem>>, vector<1x16xf32>,
        %get3A_178 = vector.shape_cast %get3A_177 : vector<1x16xf32> to vector<16xf32>
        %get3A_179 = arith.index_cast %scan3A_147 : i32 to index
        %get3A_180 = arith.constant 16 : index
        %get3A_181 = tpu.vector_load %arg7[%get3A_179, %get3A_180] {strides = array<i32>} : memref<128x128xf32, #tpu.memory_space<vmem>>, vector<1x16xf32>,
        %get3A_182 = vector.shape_cast %get3A_181 : vector<1x16xf32> to vector<16xf32>
        %add3A_183 = arith.addf %get3A_178, %get3A_182 : vector<16xf32>
        %add3A_184 = arith.addf %scan3A_149, %add3A_183 : vector<16xf32>
        %mul3A_185 = arith.mulf %add3A_183, %add3A_183 : vector<16xf32>
        %add3A_186 = arith.addf %scan3A_157, %mul3A_185 : vector<16xf32>
        %get3A_187 = arith.index_cast %scan3A_147 : i32 to index
        %get3A_188 = arith.constant 32 : index
        %get3A_189 = tpu.vector_load %arg6[%get3A_187, %get3A_188] {strides = array<i32>} : memref<128x128xf32, #tpu.memory_space<vmem>>, vector<1x16xf32>,
        %get3A_190 = vector.shape_cast %get3A_189 : vector<1x16xf32> to vector<16xf32>
        %get3A_191 = arith.index_cast %scan3A_147 : i32 to index
        %get3A_192 = arith.constant 32 : index
        %get3A_193 = tpu.vector_load %arg7[%get3A_191, %get3A_192] {strides = array<i32>} : memref<128x128xf32, #tpu.memory_space<vmem>>, vector<1x16xf32>,
        %get3A_194 = vector.shape_cast %get3A_193 : vector<1x16xf32> to vector<16xf32>
        %add3A_195 = arith.addf %get3A_190, %get3A_194 : vector<16xf32>
        %add3A_196 = arith.addf %scan3A_150, %add3A_195 : vector<16xf32>
        %mul3A_197 = arith.mulf %add3A_195, %add3A_195 : vector<16xf32>
        %add3A_198 = arith.addf %scan3A_158, %mul3A_197 : vector<16xf32>
        %get3A_199 = arith.index_cast %scan3A_147 : i32 to index
        %get3A_200 = arith.constant 48 : index
        %get3A_201 = tpu.vector_load %arg6[%get3A_199, %get3A_200] {strides = array<i32>} : memref<128x128xf32, #tpu.memory_space<vmem>>, vector<1x16xf32>,
        %get3A_202 = vector.shape_cast %get3A_201 : vector<1x16xf32> to vector<16xf32>
        %get3A_203 = arith.index_cast %scan3A_147 : i32 to index
        %get3A_204 = arith.constant 48 : index
        %get3A_205 = tpu.vector_load %arg7[%get3A_203, %get3A_204] {strides = array<i32>} : memref<128x128xf32, #tpu.memory_space<vmem>>, vector<1x16xf32>,
        %get3A_206 = vector.shape_cast %get3A_205 : vector<1x16xf32> to vector<16xf32>
        %add3A_207 = arith.addf %get3A_202, %get3A_206 : vector<16xf32>
        %add3A_208 = arith.addf %scan3A_151, %add3A_207 : vector<16xf32>
        %mul3A_209 = arith.mulf %add3A_207, %add3A_207 : vector<16xf32>
        %add3A_210 = arith.addf %scan3A_159, %mul3A_209 : vector<16xf32>
        %get3A_211 = arith.index_cast %scan3A_147 : i32 to index
        %get3A_212 = arith.constant 64 : index
        %get3A_213 = tpu.vector_load %arg6[%get3A_211, %get3A_212] {strides = array<i32>} : memref<128x128xf32, #tpu.memory_space<vmem>>, vector<1x16xf32>,
        %get3A_214 = vector.shape_cast %get3A_213 : vector<1x16xf32> to vector<16xf32>
        %get3A_215 = arith.index_cast %scan3A_147 : i32 to index
        %get3A_216 = arith.constant 64 : index
        %get3A_217 = tpu.vector_load %arg7[%get3A_215, %get3A_216] {strides = array<i32>} : memref<128x128xf32, #tpu.memory_space<vmem>>, vector<1x16xf32>,
        %get3A_218 = vector.shape_cast %get3A_217 : vector<1x16xf32> to vector<16xf32>
        %add3A_219 = arith.addf %get3A_214, %get3A_218 : vector<16xf32>
        %add3A_220 = arith.addf %scan3A_152, %add3A_219 : vector<16xf32>
        %mul3A_221 = arith.mulf %add3A_219, %add3A_219 : vector<16xf32>
        %add3A_222 = arith.addf %scan3A_160, %mul3A_221 : vector<16xf32>
        %get3A_223 = arith.index_cast %scan3A_147 : i32 to index
        %get3A_224 = arith.constant 80 : index
        %get3A_225 = tpu.vector_load %arg6[%get3A_223, %get3A_224] {strides = array<i32>} : memref<128x128xf32, #tpu.memory_space<vmem>>, vector<1x16xf32>,
        %get3A_226 = vector.shape_cast %get3A_225 : vector<1x16xf32> to vector<16xf32>
        %get3A_227 = arith.index_cast %scan3A_147 : i32 to index
        %get3A_228 = arith.constant 80 : index
        %get3A_229 = tpu.vector_load %arg7[%get3A_227, %get3A_228] {strides = array<i32>} : memref<128x128xf32, #tpu.memory_space<vmem>>, vector<1x16xf32>,
        %get3A_230 = vector.shape_cast %get3A_229 : vector<1x16xf32> to vector<16xf32>
        %add3A_231 = arith.addf %get3A_226, %get3A_230 : vector<16xf32>
        %add3A_232 = arith.addf %scan3A_153, %add3A_231 : vector<16xf32>
        %mul3A_233 = arith.mulf %add3A_231, %add3A_231 : vector<16xf32>
        %add3A_234 = arith.addf %scan3A_161, %mul3A_233 : vector<16xf32>
        %get3A_235 = arith.index_cast %scan3A_147 : i32 to index
        %get3A_236 = arith.constant 96 : index
        %get3A_237 = tpu.vector_load %arg6[%get3A_235, %get3A_236] {strides = array<i32>} : memref<128x128xf32, #tpu.memory_space<vmem>>, vector<1x16xf32>,
        %get3A_238 = vector.shape_cast %get3A_237 : vector<1x16xf32> to vector<16xf32>
        %get3A_239 = arith.index_cast %scan3A_147 : i32 to index
        %get3A_240 = arith.constant 96 : index
        %get3A_241 = tpu.vector_load %arg7[%get3A_239, %get3A_240] {strides = array<i32>} : memref<128x128xf32, #tpu.memory_space<vmem>>, vector<1x16xf32>,
        %get3A_242 = vector.shape_cast %get3A_241 : vector<1x16xf32> to vector<16xf32>
        %add3A_243 = arith.addf %get3A_238, %get3A_242 : vector<16xf32>
        %add3A_244 = arith.addf %scan3A_154, %add3A_243 : vector<16xf32>
        %mul3A_245 = arith.mulf %add3A_243, %add3A_243 : vector<16xf32>
        %add3A_246 = arith.addf %scan3A_162, %mul3A_245 : vector<16xf32>
        %get3A_247 = arith.index_cast %scan3A_147 : i32 to index
        %get3A_248 = arith.constant 112 : index
        %get3A_249 = tpu.vector_load %arg6[%get3A_247, %get3A_248] {strides = array<i32>} : memref<128x128xf32, #tpu.memory_space<vmem>>, vector<1x16xf32>,
        %get3A_250 = vector.shape_cast %get3A_249 : vector<1x16xf32> to vector<16xf32>
        %get3A_251 = arith.index_cast %scan3A_147 : i32 to index
        %get3A_252 = arith.constant 112 : index
        %get3A_253 = tpu.vector_load %arg7[%get3A_251, %get3A_252] {strides = array<i32>} : memref<128x128xf32, #tpu.memory_space<vmem>>, vector<1x16xf32>,
        %get3A_254 = vector.shape_cast %get3A_253 : vector<1x16xf32> to vector<16xf32>
        %add3A_255 = arith.addf %get3A_250, %get3A_254 : vector<16xf32>
        %add3A_256 = arith.addf %scan3A_155, %add3A_255 : vector<16xf32>
        %mul3A_257 = arith.mulf %add3A_255, %add3A_255 : vector<16xf32>
        %add3A_258 = arith.addf %scan3A_163, %mul3A_257 : vector<16xf32>
        scf.yield %add3A_172, %add3A_184, %add3A_196, %add3A_208, %add3A_220, %add3A_232, %add3A_244, %add3A_256, %add3A_174, %add3A_186, %add3A_198, %add3A_210, %add3A_222, %add3A_234, %add3A_246, %add3A_258 : vector<16xf32>, vector<16xf32>, vector<16xf32>, vector<16xf32>, vector<16xf32>, vector<16xf32>, vector<16xf32>, vector<16xf32>, vector<16xf32>, vector<16xf32>, vector<16xf32>, vector<16xf32>, vector<16xf32>, vector<16xf32>, vector<16xf32>, vector<16xf32>
      }
      %scan3A_146 = arith.constant 128 : i32
      scf.yield %scan3A_145#0, %scan3A_145#1, %scan3A_145#2, %scan3A_145#3, %scan3A_145#4, %scan3A_145#5, %scan3A_145#6, %scan3A_145#7, %scan3A_145#8, %scan3A_145#9, %scan3A_145#10, %scan3A_145#11, %scan3A_145#12, %scan3A_145#13, %scan3A_145#14, %scan3A_145#15 : vector<16xf32>, vector<16xf32>, vector<16xf32>, vector<16xf32>, vector<16xf32>, vector<16xf32>, vector<16xf32>, vector<16xf32>, vector<16xf32>, vector<16xf32>, vector<16xf32>, vector<16xf32>, vector<16xf32>, vector<16xf32>, vector<16xf32>, vector<16xf32>
    }
    %scan3A_6 = arith.constant 78 : i32
    %mul3A_7 = arith.constant 10000 : i32
    %mul3A_8 = arith.muli %add3A, %mul3A_7 : i32
    %add3A_9 = arith.constant 9984 : i32
    %add3A_10 = arith.addi %mul3A_8, %add3A_9 : i32
    %run_scoped3A = arith.constant 0 : i32
    "tpu.region"() ({
      %run_scoped3A_98 = tpu.sem_alloc : memref<!tpu.dma_semaphore, #tpu.memory_space<semaphore_mem>>
      %dma_start3A_99 = arith.constant 0 : i32
      %dma_start3A_100 = tpu.memref_slice %arg8[%run_scoped3A, %dma_start3A_99] : memref<2x128xi32, #tpu.memory_space<vmem>> -> memref<1x16xi32, #tpu.memory_space<vmem>>
      %dma_start3A_101 = tpu.memref_squeeze %dma_start3A_100 : memref<1x16xi32, #tpu.memory_space<vmem>> -> memref<16xi32, #tpu.memory_space<vmem>>
      %dma_start3A_102 = tpu.memref_slice %arg3[%add3A_10] : memref<320000xi32, #tpu.memory_space<hbm>> -> memref<16xi32, #tpu.memory_space<hbm>>
      %dma_start3A_103 = arith.constant 0 : i32
      %dma_start3A_104 = tpu.memref_slice %arg8[%run_scoped3A, %dma_start3A_103] : memref<2x128xi32, #tpu.memory_space<vmem>> -> memref<1x16xi32, #tpu.memory_space<vmem>>
      %dma_start3A_105 = tpu.memref_squeeze %dma_start3A_104 : memref<1x16xi32, #tpu.memory_space<vmem>> -> memref<16xi32, #tpu.memory_space<vmem>>
      %dma_start3A_106 = tpu.memref_slice %arg3[%add3A_10] : memref<320000xi32, #tpu.memory_space<hbm>> -> memref<16xi32, #tpu.memory_space<hbm>>
      tpu.enqueue_dma source(%dma_start3A_106 : memref<16xi32, #tpu.memory_space<hbm>>) target(%dma_start3A_105 : memref<16xi32, #tpu.memory_space<vmem>>) target_semaphore(%run_scoped3A_98 : memref<!tpu.dma_semaphore, #tpu.memory_space<semaphore_mem>>)
      %dma_wait3A_107 = arith.constant 0 : i32
      %dma_wait3A_108 = tpu.memref_slice %arg8[%run_scoped3A, %dma_wait3A_107] : memref<2x128xi32, #tpu.memory_space<vmem>> -> memref<1x16xi32, #tpu.memory_space<vmem>>
      %dma_wait3A_109 = tpu.memref_squeeze %dma_wait3A_108 : memref<1x16xi32, #tpu.memory_space<vmem>> -> memref<16xi32, #tpu.memory_space<vmem>>
      %dma_wait3A_110 = tpu.memref_slice %arg3[%add3A_10] : memref<320000xi32, #tpu.memory_space<hbm>> -> memref<16xi32, #tpu.memory_space<hbm>>
      %dma_wait3A_111 = arith.constant 0 : i32
      %dma_wait3A_112 = tpu.memref_slice %arg8[%run_scoped3A, %dma_wait3A_111] : memref<2x128xi32, #tpu.memory_space<vmem>> -> memref<1x16xi32, #tpu.memory_space<vmem>>
      %dma_wait3A_113 = tpu.memref_squeeze %dma_wait3A_112 : memref<1x16xi32, #tpu.memory_space<vmem>> -> memref<16xi32, #tpu.memory_space<vmem>>
      %dma_wait3A_114 = tpu.memref_slice %arg3[%add3A_10] : memref<320000xi32, #tpu.memory_space<hbm>> -> memref<16xi32, #tpu.memory_space<hbm>>
      tpu.wait_dma2 semaphore(%run_scoped3A_98 : memref<!tpu.dma_semaphore, #tpu.memory_space<semaphore_mem>>) src(%dma_wait3A_114 : memref<16xi32, #tpu.memory_space<hbm>>) dst(%dma_wait3A_113 : memref<16xi32, #tpu.memory_space<vmem>>)
      tpu.yield
    }) : () -> ()
    %dma_start3A = arith.constant 0 : i32
    %dma_start3A_11 = arith.constant 0 : i32
    %dma_start3A_12 = arith.constant 0 : i32
    %dma_start3A_13 = tpu.memref_slice %arg7[%dma_start3A_11, %dma_start3A_12] : memref<128x128xf32, #tpu.memory_space<vmem>> -> memref<16x128xf32, #tpu.memory_space<vmem>>
    %dma_start3A_14 = arith.constant 0 : i32
    %dma_start3A_15 = tpu.memref_slice %arg8[%dma_start3A, %dma_start3A_14] : memref<2x128xi32, #tpu.memory_space<vmem>> -> memref<1x16xi32, #tpu.memory_space<vmem>>
    %dma_start3A_16 = tpu.memref_squeeze %dma_start3A_15 : memref<1x16xi32, #tpu.memory_space<vmem>> -> memref<16xi32, #tpu.memory_space<vmem>>
    %dma_start3A_17 = arith.constant 0 : i32
    %dma_start3A_18 = arith.constant 0 : i32
    %dma_start3A_19 = tpu.memref_slice %arg4[%dma_start3A_17, %dma_start3A_18] : memref<10000x128xf32, #tpu.memory_space<hbm>> -> memref<10000x128xf32, #tpu.memory_space<hbm>>
    tpu.enqueue_indirect_dma source(%dma_start3A_19 : memref<10000x128xf32, #tpu.memory_space<hbm>>) target(%dma_start3A_13 : memref<16x128xf32, #tpu.memory_space<vmem>>) offsets(%dma_start3A_16 : memref<16xi32, #tpu.memory_space<vmem>>) semaphore(%arg10 : memref<!tpu.dma_semaphore, #tpu.memory_space<semaphore_mem>>)
    "tpu.region"() ({
      %run_scoped3A_98 = tpu.sem_alloc : memref<!tpu.dma_semaphore, #tpu.memory_space<semaphore_mem>>
      %dma_start3A_99 = arith.constant 0 : i32
      %dma_start3A_100 = arith.constant 0 : i32
      %dma_start3A_101 = tpu.memref_slice %arg6[%dma_start3A_99, %dma_start3A_100] : memref<128x128xf32, #tpu.memory_space<vmem>> -> memref<16x128xf32, #tpu.memory_space<vmem>>
      %dma_start3A_102 = arith.constant 0 : i32
      %dma_start3A_103 = tpu.memref_slice %arg2[%add3A_10, %dma_start3A_102] : memref<320000x128xf32, #tpu.memory_space<hbm>> -> memref<16x128xf32, #tpu.memory_space<hbm>>
      %dma_start3A_104 = arith.constant 0 : i32
      %dma_start3A_105 = arith.constant 0 : i32
      %dma_start3A_106 = tpu.memref_slice %arg6[%dma_start3A_104, %dma_start3A_105] : memref<128x128xf32, #tpu.memory_space<vmem>> -> memref<16x128xf32, #tpu.memory_space<vmem>>
      %dma_start3A_107 = arith.constant 0 : i32
      %dma_start3A_108 = tpu.memref_slice %arg2[%add3A_10, %dma_start3A_107] : memref<320000x128xf32, #tpu.memory_space<hbm>> -> memref<16x128xf32, #tpu.memory_space<hbm>>
      tpu.enqueue_dma source(%dma_start3A_108 : memref<16x128xf32, #tpu.memory_space<hbm>>) target(%dma_start3A_106 : memref<16x128xf32, #tpu.memory_space<vmem>>) target_semaphore(%run_scoped3A_98 : memref<!tpu.dma_semaphore, #tpu.memory_space<semaphore_mem>>)
      %dma_wait3A_109 = arith.constant 0 : i32
      %dma_wait3A_110 = arith.constant 0 : i32
      %dma_wait3A_111 = tpu.memref_slice %arg6[%dma_wait3A_109, %dma_wait3A_110] : memref<128x128xf32, #tpu.memory_space<vmem>> -> memref<16x128xf32, #tpu.memory_space<vmem>>
      %dma_wait3A_112 = arith.constant 0 : i32
      %dma_wait3A_113 = tpu.memref_slice %arg2[%add3A_10, %dma_wait3A_112] : memref<320000x128xf32, #tpu.memory_space<hbm>> -> memref<16x128xf32, #tpu.memory_space<hbm>>
      %dma_wait3A_114 = arith.constant 0 : i32
      %dma_wait3A_115 = arith.constant 0 : i32
      %dma_wait3A_116 = tpu.memref_slice %arg6[%dma_wait3A_114, %dma_wait3A_115] : memref<128x128xf32, #tpu.memory_space<vmem>> -> memref<16x128xf32, #tpu.memory_space<vmem>>
      %dma_wait3A_117 = arith.constant 0 : i32
      %dma_wait3A_118 = tpu.memref_slice %arg2[%add3A_10, %dma_wait3A_117] : memref<320000x128xf32, #tpu.memory_space<hbm>> -> memref<16x128xf32, #tpu.memory_space<hbm>>
      tpu.wait_dma2 semaphore(%run_scoped3A_98 : memref<!tpu.dma_semaphore, #tpu.memory_space<semaphore_mem>>) src(%dma_wait3A_118 : memref<16x128xf32, #tpu.memory_space<hbm>>) dst(%dma_wait3A_116 : memref<16x128xf32, #tpu.memory_space<vmem>>)
      tpu.yield
    }) : () -> ()
    %dma_wait3A = arith.constant 0 : i32
    %dma_wait3A_20 = arith.constant 0 : i32
    %dma_wait3A_21 = arith.constant 0 : i32
    %dma_wait3A_22 = tpu.memref_slice %arg7[%dma_wait3A_20, %dma_wait3A_21] : memref<128x128xf32, #tpu.memory_space<vmem>> -> memref<16x128xf32, #tpu.memory_space<vmem>>
    %dma_wait3A_23 = arith.constant 0 : i32
    %dma_wait3A_24 = tpu.memref_slice %arg8[%dma_wait3A, %dma_wait3A_23] : memref<2x128xi32, #tpu.memory_space<vmem>> -> memref<1x16xi32, #tpu.memory_space<vmem>>
    %dma_wait3A_25 = tpu.memref_squeeze %dma_wait3A_24 : memref<1x16xi32, #tpu.memory_space<vmem>> -> memref<16xi32, #tpu.memory_space<vmem>>
    %dma_wait3A_26 = arith.constant 0 : i32
    %dma_wait3A_27 = arith.constant 0 : i32
    %dma_wait3A_28 = tpu.memref_slice %arg4[%dma_wait3A_26, %dma_wait3A_27] : memref<10000x128xf32, #tpu.memory_space<hbm>> -> memref<10000x128xf32, #tpu.memory_space<hbm>>
    tpu.wait_indirect_dma semaphore(%arg10 : memref<!tpu.dma_semaphore, #tpu.memory_space<semaphore_mem>>) src(%dma_wait3A_28 : memref<10000x128xf32, #tpu.memory_space<hbm>>) dst(%dma_wait3A_22 : memref<16x128xf32, #tpu.memory_space<vmem>>)
    %scan3A_29 = arith.constant 0 : i32
    %scan3A_30 = arith.constant 16 : i32
    %scan3A_31 = arith.addi %scan3A_29, %scan3A_30 : i32
    %scan3A_32 = arith.constant 1 : i32
    %scan3A_33:16 = scf.for %scan3A_98 = %scan3A_29 to %scan3A_31 step %scan3A_32 iter_args(%scan3A_99 = %scan3A_5#0, %scan3A_100 = %scan3A_5#1, %scan3A_101 = %scan3A_5#2, %scan3A_102 = %scan3A_5#3, %scan3A_103 = %scan3A_5#4, %scan3A_104 = %scan3A_5#5, %scan3A_105 = %scan3A_5#6, %scan3A_106 = %scan3A_5#7, %scan3A_107 = %scan3A_5#8, %scan3A_108 = %scan3A_5#9, %scan3A_109 = %scan3A_5#10, %scan3A_110 = %scan3A_5#11, %scan3A_111 = %scan3A_5#12, %scan3A_112 = %scan3A_5#13, %scan3A_113 = %scan3A_5#14, %scan3A_114 = %scan3A_5#15) -> (vector<16xf32>, vector<16xf32>, vector<16xf32>, vector<16xf32>, vector<16xf32>, vector<16xf32>, vector<16xf32>, vector<16xf32>, vector<16xf32>, vector<16xf32>, vector<16xf32>, vector<16xf32>, vector<16xf32>, vector<16xf32>, vector<16xf32>, vector<16xf32>)  : i32 {
      %get3A = arith.index_cast %scan3A_98 : i32 to index
      %get3A_115 = arith.constant 0 : index
      %get3A_116 = tpu.vector_load %arg6[%get3A, %get3A_115] {strides = array<i32>} : memref<128x128xf32, #tpu.memory_space<vmem>>, vector<1x16xf32>,
      %get3A_117 = vector.shape_cast %get3A_116 : vector<1x16xf32> to vector<16xf32>
      %get3A_118 = arith.index_cast %scan3A_98 : i32 to index
      %get3A_119 = arith.constant 0 : index
      %get3A_120 = tpu.vector_load %arg7[%get3A_118, %get3A_119] {strides = array<i32>} : memref<128x128xf32, #tpu.memory_space<vmem>>, vector<1x16xf32>,
      %get3A_121 = vector.shape_cast %get3A_120 : vector<1x16xf32> to vector<16xf32>
      %add3A_122 = arith.addf %get3A_117, %get3A_121 : vector<16xf32>
      %add3A_123 = arith.addf %scan3A_99, %add3A_122 : vector<16xf32>
      %mul3A_124 = arith.mulf %add3A_122, %add3A_122 : vector<16xf32>
      %add3A_125 = arith.addf %scan3A_107, %mul3A_124 : vector<16xf32>
      %get3A_126 = arith.index_cast %scan3A_98 : i32 to index
      %get3A_127 = arith.constant 16 : index
      %get3A_128 = tpu.vector_load %arg6[%get3A_126, %get3A_127] {strides = array<i32>} : memref<128x128xf32, #tpu.memory_space<vmem>>, vector<1x16xf32>,
      %get3A_129 = vector.shape_cast %get3A_128 : vector<1x16xf32> to vector<16xf32>
      %get3A_130 = arith.index_cast %scan3A_98 : i32 to index
      %get3A_131 = arith.constant 16 : index
      %get3A_132 = tpu.vector_load %arg7[%get3A_130, %get3A_131] {strides = array<i32>} : memref<128x128xf32, #tpu.memory_space<vmem>>, vector<1x16xf32>,
      %get3A_133 = vector.shape_cast %get3A_132 : vector<1x16xf32> to vector<16xf32>
      %add3A_134 = arith.addf %get3A_129, %get3A_133 : vector<16xf32>
      %add3A_135 = arith.addf %scan3A_100, %add3A_134 : vector<16xf32>
      %mul3A_136 = arith.mulf %add3A_134, %add3A_134 : vector<16xf32>
      %add3A_137 = arith.addf %scan3A_108, %mul3A_136 : vector<16xf32>
      %get3A_138 = arith.index_cast %scan3A_98 : i32 to index
      %get3A_139 = arith.constant 32 : index
      %get3A_140 = tpu.vector_load %arg6[%get3A_138, %get3A_139] {strides = array<i32>} : memref<128x128xf32, #tpu.memory_space<vmem>>, vector<1x16xf32>,
      %get3A_141 = vector.shape_cast %get3A_140 : vector<1x16xf32> to vector<16xf32>
      %get3A_142 = arith.index_cast %scan3A_98 : i32 to index
      %get3A_143 = arith.constant 32 : index
      %get3A_144 = tpu.vector_load %arg7[%get3A_142, %get3A_143] {strides = array<i32>} : memref<128x128xf32, #tpu.memory_space<vmem>>, vector<1x16xf32>,
      %get3A_145 = vector.shape_cast %get3A_144 : vector<1x16xf32> to vector<16xf32>
      %add3A_146 = arith.addf %get3A_141, %get3A_145 : vector<16xf32>
      %add3A_147 = arith.addf %scan3A_101, %add3A_146 : vector<16xf32>
      %mul3A_148 = arith.mulf %add3A_146, %add3A_146 : vector<16xf32>
      %add3A_149 = arith.addf %scan3A_109, %mul3A_148 : vector<16xf32>
      %get3A_150 = arith.index_cast %scan3A_98 : i32 to index
      %get3A_151 = arith.constant 48 : index
      %get3A_152 = tpu.vector_load %arg6[%get3A_150, %get3A_151] {strides = array<i32>} : memref<128x128xf32, #tpu.memory_space<vmem>>, vector<1x16xf32>,
      %get3A_153 = vector.shape_cast %get3A_152 : vector<1x16xf32> to vector<16xf32>
      %get3A_154 = arith.index_cast %scan3A_98 : i32 to index
      %get3A_155 = arith.constant 48 : index
      %get3A_156 = tpu.vector_load %arg7[%get3A_154, %get3A_155] {strides = array<i32>} : memref<128x128xf32, #tpu.memory_space<vmem>>, vector<1x16xf32>,
      %get3A_157 = vector.shape_cast %get3A_156 : vector<1x16xf32> to vector<16xf32>
      %add3A_158 = arith.addf %get3A_153, %get3A_157 : vector<16xf32>
      %add3A_159 = arith.addf %scan3A_102, %add3A_158 : vector<16xf32>
      %mul3A_160 = arith.mulf %add3A_158, %add3A_158 : vector<16xf32>
      %add3A_161 = arith.addf %scan3A_110, %mul3A_160 : vector<16xf32>
      %get3A_162 = arith.index_cast %scan3A_98 : i32 to index
      %get3A_163 = arith.constant 64 : index
      %get3A_164 = tpu.vector_load %arg6[%get3A_162, %get3A_163] {strides = array<i32>} : memref<128x128xf32, #tpu.memory_space<vmem>>, vector<1x16xf32>,
      %get3A_165 = vector.shape_cast %get3A_164 : vector<1x16xf32> to vector<16xf32>
      %get3A_166 = arith.index_cast %scan3A_98 : i32 to index
      %get3A_167 = arith.constant 64 : index
      %get3A_168 = tpu.vector_load %arg7[%get3A_166, %get3A_167] {strides = array<i32>} : memref<128x128xf32, #tpu.memory_space<vmem>>, vector<1x16xf32>,
      %get3A_169 = vector.shape_cast %get3A_168 : vector<1x16xf32> to vector<16xf32>
      %add3A_170 = arith.addf %get3A_165, %get3A_169 : vector<16xf32>
      %add3A_171 = arith.addf %scan3A_103, %add3A_170 : vector<16xf32>
      %mul3A_172 = arith.mulf %add3A_170, %add3A_170 : vector<16xf32>
      %add3A_173 = arith.addf %scan3A_111, %mul3A_172 : vector<16xf32>
      %get3A_174 = arith.index_cast %scan3A_98 : i32 to index
      %get3A_175 = arith.constant 80 : index
      %get3A_176 = tpu.vector_load %arg6[%get3A_174, %get3A_175] {strides = array<i32>} : memref<128x128xf32, #tpu.memory_space<vmem>>, vector<1x16xf32>,
      %get3A_177 = vector.shape_cast %get3A_176 : vector<1x16xf32> to vector<16xf32>
      %get3A_178 = arith.index_cast %scan3A_98 : i32 to index
      %get3A_179 = arith.constant 80 : index
      %get3A_180 = tpu.vector_load %arg7[%get3A_178, %get3A_179] {strides = array<i32>} : memref<128x128xf32, #tpu.memory_space<vmem>>, vector<1x16xf32>,
      %get3A_181 = vector.shape_cast %get3A_180 : vector<1x16xf32> to vector<16xf32>
      %add3A_182 = arith.addf %get3A_177, %get3A_181 : vector<16xf32>
      %add3A_183 = arith.addf %scan3A_104, %add3A_182 : vector<16xf32>
      %mul3A_184 = arith.mulf %add3A_182, %add3A_182 : vector<16xf32>
      %add3A_185 = arith.addf %scan3A_112, %mul3A_184 : vector<16xf32>
      %get3A_186 = arith.index_cast %scan3A_98 : i32 to index
      %get3A_187 = arith.constant 96 : index
      %get3A_188 = tpu.vector_load %arg6[%get3A_186, %get3A_187] {strides = array<i32>} : memref<128x128xf32, #tpu.memory_space<vmem>>, vector<1x16xf32>,
      %get3A_189 = vector.shape_cast %get3A_188 : vector<1x16xf32> to vector<16xf32>
      %get3A_190 = arith.index_cast %scan3A_98 : i32 to index
      %get3A_191 = arith.constant 96 : index
      %get3A_192 = tpu.vector_load %arg7[%get3A_190, %get3A_191] {strides = array<i32>} : memref<128x128xf32, #tpu.memory_space<vmem>>, vector<1x16xf32>,
      %get3A_193 = vector.shape_cast %get3A_192 : vector<1x16xf32> to vector<16xf32>
      %add3A_194 = arith.addf %get3A_189, %get3A_193 : vector<16xf32>
      %add3A_195 = arith.addf %scan3A_105, %add3A_194 : vector<16xf32>
      %mul3A_196 = arith.mulf %add3A_194, %add3A_194 : vector<16xf32>
      %add3A_197 = arith.addf %scan3A_113, %mul3A_196 : vector<16xf32>
      %get3A_198 = arith.index_cast %scan3A_98 : i32 to index
      %get3A_199 = arith.constant 112 : index
      %get3A_200 = tpu.vector_load %arg6[%get3A_198, %get3A_199] {strides = array<i32>} : memref<128x128xf32, #tpu.memory_space<vmem>>, vector<1x16xf32>,
      %get3A_201 = vector.shape_cast %get3A_200 : vector<1x16xf32> to vector<16xf32>
      %get3A_202 = arith.index_cast %scan3A_98 : i32 to index
      %get3A_203 = arith.constant 112 : index
      %get3A_204 = tpu.vector_load %arg7[%get3A_202, %get3A_203] {strides = array<i32>} : memref<128x128xf32, #tpu.memory_space<vmem>>, vector<1x16xf32>,
      %get3A_205 = vector.shape_cast %get3A_204 : vector<1x16xf32> to vector<16xf32>
      %add3A_206 = arith.addf %get3A_201, %get3A_205 : vector<16xf32>
      %add3A_207 = arith.addf %scan3A_106, %add3A_206 : vector<16xf32>
      %mul3A_208 = arith.mulf %add3A_206, %add3A_206 : vector<16xf32>
      %add3A_209 = arith.addf %scan3A_114, %mul3A_208 : vector<16xf32>
      scf.yield %add3A_123, %add3A_135, %add3A_147, %add3A_159, %add3A_171, %add3A_183, %add3A_195, %add3A_207, %add3A_125, %add3A_137, %add3A_149, %add3A_161, %add3A_173, %add3A_185, %add3A_197, %add3A_209 : vector<16xf32>, vector<16xf32>, vector<16xf32>, vector<16xf32>, vector<16xf32>, vector<16xf32>, vector<16xf32>, vector<16xf32>, vector<16xf32>, vector<16xf32>, vector<16xf32>, vector<16xf32>, vector<16xf32>, vector<16xf32>, vector<16xf32>, vector<16xf32>
    }
    %scan3A_34 = arith.constant 16 : i32
    %swap3A = arith.constant 0 : index
    %swap3A_35 = tpu.vector_load %arg9[%swap3A] {strides = array<i32>} : memref<256xf32, #tpu.memory_space<vmem>>, vector<16xf32>,
    %swap3A_36 = vector.shape_cast %swap3A_35 : vector<16xf32> to vector<16xf32>
    %swap3A_37 = vector.shape_cast %scan3A_33#0 : vector<16xf32> to vector<16xf32>
    tpu.vector_store %arg9[%swap3A], %swap3A_37 {strides = array<i32>} : memref<256xf32, #tpu.memory_space<vmem>>, vector<16xf32>,
    %swap3A_38 = arith.constant 128 : index
    %swap3A_39 = tpu.vector_load %arg9[%swap3A_38] {strides = array<i32>} : memref<256xf32, #tpu.memory_space<vmem>>, vector<16xf32>,
    %swap3A_40 = vector.shape_cast %swap3A_39 : vector<16xf32> to vector<16xf32>
    %swap3A_41 = vector.shape_cast %scan3A_33#8 : vector<16xf32> to vector<16xf32>
    tpu.vector_store %arg9[%swap3A_38], %swap3A_41 {strides = array<i32>} : memref<256xf32, #tpu.memory_space<vmem>>, vector<16xf32>,
    %swap3A_42 = arith.constant 16 : index
    %swap3A_43 = tpu.vector_load %arg9[%swap3A_42] {strides = array<i32>} : memref<256xf32, #tpu.memory_space<vmem>>, vector<16xf32>,
    %swap3A_44 = vector.shape_cast %swap3A_43 : vector<16xf32> to vector<16xf32>
    %swap3A_45 = vector.shape_cast %scan3A_33#1 : vector<16xf32> to vector<16xf32>
    tpu.vector_store %arg9[%swap3A_42], %swap3A_45 {strides = array<i32>} : memref<256xf32, #tpu.memory_space<vmem>>, vector<16xf32>,
    %swap3A_46 = arith.constant 144 : index
    %swap3A_47 = tpu.vector_load %arg9[%swap3A_46] {strides = array<i32>} : memref<256xf32, #tpu.memory_space<vmem>>, vector<16xf32>,
    %swap3A_48 = vector.shape_cast %swap3A_47 : vector<16xf32> to vector<16xf32>
    %swap3A_49 = vector.shape_cast %scan3A_33#9 : vector<16xf32> to vector<16xf32>
    tpu.vector_store %arg9[%swap3A_46], %swap3A_49 {strides = array<i32>} : memref<256xf32, #tpu.memory_space<vmem>>, vector<16xf32>,
    %swap3A_50 = arith.constant 32 : index
    %swap3A_51 = tpu.vector_load %arg9[%swap3A_50] {strides = array<i32>} : memref<256xf32, #tpu.memory_space<vmem>>, vector<16xf32>,
    %swap3A_52 = vector.shape_cast %swap3A_51 : vector<16xf32> to vector<16xf32>
    %swap3A_53 = vector.shape_cast %scan3A_33#2 : vector<16xf32> to vector<16xf32>
    tpu.vector_store %arg9[%swap3A_50], %swap3A_53 {strides = array<i32>} : memref<256xf32, #tpu.memory_space<vmem>>, vector<16xf32>,
    %swap3A_54 = arith.constant 160 : index
    %swap3A_55 = tpu.vector_load %arg9[%swap3A_54] {strides = array<i32>} : memref<256xf32, #tpu.memory_space<vmem>>, vector<16xf32>,
    %swap3A_56 = vector.shape_cast %swap3A_55 : vector<16xf32> to vector<16xf32>
    %swap3A_57 = vector.shape_cast %scan3A_33#10 : vector<16xf32> to vector<16xf32>
    tpu.vector_store %arg9[%swap3A_54], %swap3A_57 {strides = array<i32>} : memref<256xf32, #tpu.memory_space<vmem>>, vector<16xf32>,
    %swap3A_58 = arith.constant 48 : index
    %swap3A_59 = tpu.vector_load %arg9[%swap3A_58] {strides = array<i32>} : memref<256xf32, #tpu.memory_space<vmem>>, vector<16xf32>,
    %swap3A_60 = vector.shape_cast %swap3A_59 : vector<16xf32> to vector<16xf32>
    %swap3A_61 = vector.shape_cast %scan3A_33#3 : vector<16xf32> to vector<16xf32>
    tpu.vector_store %arg9[%swap3A_58], %swap3A_61 {strides = array<i32>} : memref<256xf32, #tpu.memory_space<vmem>>, vector<16xf32>,
    %swap3A_62 = arith.constant 176 : index
    %swap3A_63 = tpu.vector_load %arg9[%swap3A_62] {strides = array<i32>} : memref<256xf32, #tpu.memory_space<vmem>>, vector<16xf32>,
    %swap3A_64 = vector.shape_cast %swap3A_63 : vector<16xf32> to vector<16xf32>
    %swap3A_65 = vector.shape_cast %scan3A_33#11 : vector<16xf32> to vector<16xf32>
    tpu.vector_store %arg9[%swap3A_62], %swap3A_65 {strides = array<i32>} : memref<256xf32, #tpu.memory_space<vmem>>, vector<16xf32>,
    %swap3A_66 = arith.constant 64 : index
    %swap3A_67 = tpu.vector_load %arg9[%swap3A_66] {strides = array<i32>} : memref<256xf32, #tpu.memory_space<vmem>>, vector<16xf32>,
    %swap3A_68 = vector.shape_cast %swap3A_67 : vector<16xf32> to vector<16xf32>
    %swap3A_69 = vector.shape_cast %scan3A_33#4 : vector<16xf32> to vector<16xf32>
    tpu.vector_store %arg9[%swap3A_66], %swap3A_69 {strides = array<i32>} : memref<256xf32, #tpu.memory_space<vmem>>, vector<16xf32>,
    %swap3A_70 = arith.constant 192 : index
    %swap3A_71 = tpu.vector_load %arg9[%swap3A_70] {strides = array<i32>} : memref<256xf32, #tpu.memory_space<vmem>>, vector<16xf32>,
    %swap3A_72 = vector.shape_cast %swap3A_71 : vector<16xf32> to vector<16xf32>
    %swap3A_73 = vector.shape_cast %scan3A_33#12 : vector<16xf32> to vector<16xf32>
    tpu.vector_store %arg9[%swap3A_70], %swap3A_73 {strides = array<i32>} : memref<256xf32, #tpu.memory_space<vmem>>, vector<16xf32>,
    %swap3A_74 = arith.constant 80 : index
    %swap3A_75 = tpu.vector_load %arg9[%swap3A_74] {strides = array<i32>} : memref<256xf32, #tpu.memory_space<vmem>>, vector<16xf32>,
    %swap3A_76 = vector.shape_cast %swap3A_75 : vector<16xf32> to vector<16xf32>
    %swap3A_77 = vector.shape_cast %scan3A_33#5 : vector<16xf32> to vector<16xf32>
    tpu.vector_store %arg9[%swap3A_74], %swap3A_77 {strides = array<i32>} : memref<256xf32, #tpu.memory_space<vmem>>, vector<16xf32>,
    %swap3A_78 = arith.constant 208 : index
    %swap3A_79 = tpu.vector_load %arg9[%swap3A_78] {strides = array<i32>} : memref<256xf32, #tpu.memory_space<vmem>>, vector<16xf32>,
    %swap3A_80 = vector.shape_cast %swap3A_79 : vector<16xf32> to vector<16xf32>
    %swap3A_81 = vector.shape_cast %scan3A_33#13 : vector<16xf32> to vector<16xf32>
    tpu.vector_store %arg9[%swap3A_78], %swap3A_81 {strides = array<i32>} : memref<256xf32, #tpu.memory_space<vmem>>, vector<16xf32>,
    %swap3A_82 = arith.constant 96 : index
    %swap3A_83 = tpu.vector_load %arg9[%swap3A_82] {strides = array<i32>} : memref<256xf32, #tpu.memory_space<vmem>>, vector<16xf32>,
    %swap3A_84 = vector.shape_cast %swap3A_83 : vector<16xf32> to vector<16xf32>
    %swap3A_85 = vector.shape_cast %scan3A_33#6 : vector<16xf32> to vector<16xf32>
    tpu.vector_store %arg9[%swap3A_82], %swap3A_85 {strides = array<i32>} : memref<256xf32, #tpu.memory_space<vmem>>, vector<16xf32>,
    %swap3A_86 = arith.constant 224 : index
    %swap3A_87 = tpu.vector_load %arg9[%swap3A_86] {strides = array<i32>} : memref<256xf32, #tpu.memory_space<vmem>>, vector<16xf32>,
    %swap3A_88 = vector.shape_cast %swap3A_87 : vector<16xf32> to vector<16xf32>
    %swap3A_89 = vector.shape_cast %scan3A_33#14 : vector<16xf32> to vector<16xf32>
    tpu.vector_store %arg9[%swap3A_86], %swap3A_89 {strides = array<i32>} : memref<256xf32, #tpu.memory_space<vmem>>, vector<16xf32>,
    %swap3A_90 = arith.constant 112 : index
    %swap3A_91 = tpu.vector_load %arg9[%swap3A_90] {strides = array<i32>} : memref<256xf32, #tpu.memory_space<vmem>>, vector<16xf32>,
    %swap3A_92 = vector.shape_cast %swap3A_91 : vector<16xf32> to vector<16xf32>
    %swap3A_93 = vector.shape_cast %scan3A_33#7 : vector<16xf32> to vector<16xf32>
    tpu.vector_store %arg9[%swap3A_90], %swap3A_93 {strides = array<i32>} : memref<256xf32, #tpu.memory_space<vmem>>, vector<16xf32>,
    %swap3A_94 = arith.constant 240 : index
    %swap3A_95 = tpu.vector_load %arg9[%swap3A_94] {strides = array<i32>} : memref<256xf32, #tpu.memory_space<vmem>>, vector<16xf32>,
    %swap3A_96 = vector.shape_cast %swap3A_95 : vector<16xf32> to vector<16xf32>
    %swap3A_97 = vector.shape_cast %scan3A_33#15 : vector<16xf32> to vector<16xf32>
    tpu.vector_store %arg9[%swap3A_94], %swap3A_97 {strides = array<i32>} : memref<256xf32, #tpu.memory_space<vmem>>, vector<16xf32>,
    "tpu.region"() ({
      %run_scoped3A_98 = tpu.sem_alloc : memref<!tpu.dma_semaphore, #tpu.memory_space<semaphore_mem>>
      %dma_start3A_99 = arith.constant 0 : i32
      %dma_start3A_100 = tpu.memref_slice %arg5[%add3A, %dma_start3A_99] : memref<32x256xf32, #tpu.memory_space<hbm>> -> memref<1x256xf32, #tpu.memory_space<hbm>>
      %dma_start3A_101 = tpu.memref_squeeze %dma_start3A_100 : memref<1x256xf32, #tpu.memory_space<hbm>> -> memref<256xf32, #tpu.memory_space<hbm>>
      %dma_start3A_102 = arith.constant 0 : i32
      %dma_start3A_103 = tpu.memref_slice %arg5[%add3A, %dma_start3A_102] : memref<32x256xf32, #tpu.memory_space<hbm>> -> memref<1x256xf32, #tpu.memory_space<hbm>>
      %dma_start3A_104 = tpu.memref_squeeze %dma_start3A_103 : memref<1x256xf32, #tpu.memory_space<hbm>> -> memref<256xf32, #tpu.memory_space<hbm>>
      tpu.enqueue_dma source(%arg9 : memref<256xf32, #tpu.memory_space<vmem>>) target(%dma_start3A_104 : memref<256xf32, #tpu.memory_space<hbm>>) target_semaphore(%run_scoped3A_98 : memref<!tpu.dma_semaphore, #tpu.memory_space<semaphore_mem>>)
      %dma_wait3A_105 = arith.constant 0 : i32
      %dma_wait3A_106 = tpu.memref_slice %arg5[%add3A, %dma_wait3A_105] : memref<32x256xf32, #tpu.memory_space<hbm>> -> memref<1x256xf32, #tpu.memory_space<hbm>>
      %dma_wait3A_107 = tpu.memref_squeeze %dma_wait3A_106 : memref<1x256xf32, #tpu.memory_space<hbm>> -> memref<256xf32, #tpu.memory_space<hbm>>
      %dma_wait3A_108 = arith.constant 0 : i32
      %dma_wait3A_109 = tpu.memref_slice %arg5[%add3A, %dma_wait3A_108] : memref<32x256xf32, #tpu.memory_space<hbm>> -> memref<1x256xf32, #tpu.memory_space<hbm>>
      %dma_wait3A_110 = tpu.memref_squeeze %dma_wait3A_109 : memref<1x256xf32, #tpu.memory_space<hbm>> -> memref<256xf32, #tpu.memory_space<hbm>>
      tpu.wait_dma2 semaphore(%run_scoped3A_98 : memref<!tpu.dma_semaphore, #tpu.memory_space<semaphore_mem>>) src(%arg9 : memref<256xf32, #tpu.memory_space<vmem>>) dst(%dma_wait3A_110 : memref<256xf32, #tpu.memory_space<hbm>>)
      tpu.yield
    }) : () -> ()
    return
  }
}

module attributes {stable_mosaic.version = 14 : i64} {
  func.func @_t_body(%arg0: i32, %arg1: memref<2000x128xf32, #tpu.memory_space<vmem>>, %arg2: memref<128x128xf32, #tpu.memory_space<vmem>>, %arg3: memref<1x128xf32, #tpu.memory_space<vmem>>, %arg4: memref<2000x128xf32, #tpu.memory_space<vmem>>) attributes {dimension_semantics = [#tpu.dimension_semantics<arbitrary>], iteration_bounds = array<i64: 160>, scalar_prefetch = 0 : i64, scratch_operands = 0 : i64, tpu.core_type = #tpu.core_type<tc>, window_params = [{transform_indices = @transform_0, window_bounds = array<i64: 2000, 128>}, {pipeline_mode = #tpu.pipeline_mode<synchronous>, transform_indices = @transform_1, window_bounds = array<i64: 128, 128>}, {pipeline_mode = #tpu.pipeline_mode<synchronous>, transform_indices = @transform_2, window_bounds = array<i64: 1, 128>}, {transform_indices = @transform_3, window_bounds = array<i64: 2000, 128>}]} {
    %get3A = arith.constant 0 : index
    %get3A_0 = arith.constant 0 : index
    %get3A_1 = vector.load %arg1[%get3A, %get3A_0] : memref<2000x128xf32, #tpu.memory_space<vmem>>, vector<2000x128xf32>
    %get3A_2 = arith.constant 0 : index
    %get3A_3 = arith.constant 0 : index
    %get3A_4 = vector.load %arg2[%get3A_2, %get3A_3] : memref<128x128xf32, #tpu.memory_space<vmem>>, vector<128x128xf32>
    %dot_general3A = arith.constant dense<0.000000e+00> : vector<2000x128xf32>
    %dot_general3A_5 = tpu.matmul %get3A_1, %get3A_4, %dot_general3A {dimension_numbers = #tpu.dot_dimension_numbers<[1], [0], [0], [1], [0, 0, 1, 1], [], []>, transpose_lhs_hint = false} : vector<2000x128xf32>, vector<128x128xf32>, vector<2000x128xf32> -> vector<2000x128xf32>
    %get3A_6 = arith.constant 0 : index
    %get3A_7 = arith.constant 0 : index
    %get3A_8 = vector.load %arg3[%get3A_6, %get3A_7] : memref<1x128xf32, #tpu.memory_space<vmem>>, vector<1x128xf32>
    %add3A = vector.broadcast %get3A_8 : vector<1x128xf32> to vector<2000x128xf32>
    %add3A_9 = arith.addf %dot_general3A_5, %add3A : vector<2000x128xf32>
    %swap3A = arith.constant 0 : index
    %swap3A_10 = arith.constant 0 : index
    %swap3A_11 = vector.load %arg4[%swap3A, %swap3A_10] : memref<2000x128xf32, #tpu.memory_space<vmem>>, vector<2000x128xf32>
    tpu.vector_store %arg4[%swap3A, %swap3A_10], %add3A_9 {strides = array<i32>} : memref<2000x128xf32, #tpu.memory_space<vmem>>, vector<2000x128xf32>,
    return
  }
  func.func @transform_0(%arg0: i32) -> (i32, i32) {
    %c0_i32 = arith.constant 0 : i32
    %c0_i32_0 = arith.constant 0 : i32
    return %arg0, %c0_i32 : i32, i32
  }
  func.func @transform_1(%arg0: i32) -> (i32, i32) {
    %c0_i32 = arith.constant 0 : i32
    %c0_i32_0 = arith.constant 0 : i32
    %c0_i32_1 = arith.constant 0 : i32
    return %c0_i32, %c0_i32_0 : i32, i32
  }
  func.func @transform_2(%arg0: i32) -> (i32, i32) {
    %c0_i32 = arith.constant 0 : i32
    %c0_i32_0 = arith.constant 0 : i32
    %c0_i32_1 = arith.constant 0 : i32
    return %c0_i32, %c0_i32_0 : i32, i32
  }
  func.func @transform_3(%arg0: i32) -> (i32, i32) {
    %c0_i32 = arith.constant 0 : i32
    %c0_i32_0 = arith.constant 0 : i32
    return %arg0, %c0_i32 : i32, i32
  }
}

module attributes {stable_mosaic.version = 14 : i64} {
  func.func @_pmat_body(%arg0: memref<10000x128xf32, #tpu.memory_space<vmem>>, %arg1: memref<128x128xf32, #tpu.memory_space<vmem>>, %arg2: memref<10000x128xf32, #tpu.memory_space<vmem>>) attributes {dimension_semantics = [], scalar_prefetch = 0 : i64, scratch_operands = 0 : i64, tpu.core_type = #tpu.core_type<tc>} {
    %get3A = arith.constant 0 : index
    %get3A_0 = arith.constant 0 : index
    %get3A_1 = vector.load %arg0[%get3A, %get3A_0] : memref<10000x128xf32, #tpu.memory_space<vmem>>, vector<10000x128xf32>
    %get3A_2 = arith.constant 0 : index
    %get3A_3 = arith.constant 0 : index
    %get3A_4 = vector.load %arg1[%get3A_2, %get3A_3] : memref<128x128xf32, #tpu.memory_space<vmem>>, vector<128x128xf32>
    %dot_general3A = arith.constant dense<0.000000e+00> : vector<10000x128xf32>
    %dot_general3A_5 = tpu.matmul %get3A_1, %get3A_4, %dot_general3A {dimension_numbers = #tpu.dot_dimension_numbers<[1], [0], [0], [1], [0, 0, 1, 1], [], []>, transpose_lhs_hint = false} : vector<10000x128xf32>, vector<128x128xf32>, vector<10000x128xf32> -> vector<10000x128xf32>
    %swap3A = arith.constant 0 : index
    %swap3A_6 = arith.constant 0 : index
    %swap3A_7 = vector.load %arg2[%swap3A, %swap3A_6] : memref<10000x128xf32, #tpu.memory_space<vmem>>, vector<10000x128xf32>
    tpu.vector_store %arg2[%swap3A, %swap3A_6], %dot_general3A_5 {strides = array<i32>} : memref<10000x128xf32, #tpu.memory_space<vmem>>, vector<10000x128xf32>,
    return
  }
}

module attributes {stable_mosaic.version = 14 : i64} {
  func.func @_stats_body(%arg0: memref<10000x128xf32, #tpu.memory_space<vmem>>, %arg1: memref<1x128xf32, #tpu.memory_space<vmem>>, %arg2: memref<1x128xf32, #tpu.memory_space<vmem>>, %arg3: memref<32x256xf32, #tpu.memory_space<vmem>>, %arg4: memref<10000x128xf32, #tpu.memory_space<vmem>>, %arg5: memref<1x128xf32, #tpu.memory_space<vmem>>) attributes {dimension_semantics = [], scalar_prefetch = 0 : i64, scratch_operands = 0 : i64, tpu.core_type = #tpu.core_type<tc>} {
    %get3A = arith.constant 0 : index
    %get3A_0 = arith.constant 0 : index
    %get3A_1 = vector.load %arg3[%get3A, %get3A_0] : memref<32x256xf32, #tpu.memory_space<vmem>>, vector<32x128xf32>
    %reduce_sum3A = arith.constant dense<0.000000e+00> : vector<128xf32>
    %reduce_sum3A_2 = vector.multi_reduction <add>, %get3A_1, %reduce_sum3A [0] : vector<32x128xf32> to vector<128xf32>
    %broadcast_in_dim3A = vector.shape_cast %reduce_sum3A_2 : vector<128xf32> to vector<1x128xf32>
    %get3A_3 = arith.constant 0 : index
    %get3A_4 = arith.constant 128 : index
    %get3A_5 = vector.load %arg3[%get3A_3, %get3A_4] : memref<32x256xf32, #tpu.memory_space<vmem>>, vector<32x128xf32>
    %reduce_sum3A_6 = arith.constant dense<0.000000e+00> : vector<128xf32>
    %reduce_sum3A_7 = vector.multi_reduction <add>, %get3A_5, %reduce_sum3A_6 [0] : vector<32x128xf32> to vector<128xf32>
    %broadcast_in_dim3A_8 = vector.shape_cast %reduce_sum3A_7 : vector<128xf32> to vector<1x128xf32>
    %mul3A = arith.constant 3.125000e-06 : f32
    %mul3A_9 = vector.broadcast %mul3A : f32 to vector<1x128xf32>
    %mul3A_10 = arith.mulf %broadcast_in_dim3A, %mul3A_9 : vector<1x128xf32>
    %mul3A_11 = arith.constant 3.125000e-06 : f32
    %mul3A_12 = vector.broadcast %mul3A_11 : f32 to vector<1x128xf32>
    %mul3A_13 = arith.mulf %broadcast_in_dim3A_8, %mul3A_12 : vector<1x128xf32>
    %mul3A_14 = arith.mulf %mul3A_10, %mul3A_10 : vector<1x128xf32>
    %sub3A = arith.subf %mul3A_13, %mul3A_14 : vector<1x128xf32>
    %get3A_15 = arith.constant 0 : index
    %get3A_16 = arith.constant 0 : index
    %get3A_17 = vector.load %arg1[%get3A_15, %get3A_16] : memref<1x128xf32, #tpu.memory_space<vmem>>, vector<1x128xf32>
    %add3A = arith.constant 9.99999974E-6 : f32
    %add3A_18 = vector.broadcast %add3A : f32 to vector<1x128xf32>
    %add3A_19 = arith.addf %sub3A, %add3A_18 : vector<1x128xf32>
    %rsqrt3A = math.rsqrt %add3A_19 : vector<1x128xf32>
    %mul3A_20 = arith.mulf %get3A_17, %rsqrt3A : vector<1x128xf32>
    %get3A_21 = arith.constant 0 : index
    %get3A_22 = arith.constant 0 : index
    %get3A_23 = vector.load %arg2[%get3A_21, %get3A_22] : memref<1x128xf32, #tpu.memory_space<vmem>>, vector<1x128xf32>
    %mul3A_24 = arith.mulf %mul3A_10, %mul3A_20 : vector<1x128xf32>
    %sub3A_25 = arith.subf %get3A_23, %mul3A_24 : vector<1x128xf32>
    %get3A_26 = arith.constant 0 : index
    %get3A_27 = arith.constant 0 : index
    %get3A_28 = vector.load %arg0[%get3A_26, %get3A_27] : memref<10000x128xf32, #tpu.memory_space<vmem>>, vector<10000x128xf32>
    %mul3A_29 = vector.broadcast %mul3A_20 : vector<1x128xf32> to vector<10000x128xf32>
    %mul3A_30 = arith.mulf %get3A_28, %mul3A_29 : vector<10000x128xf32>
    %add3A_31 = vector.broadcast %sub3A_25 : vector<1x128xf32> to vector<10000x128xf32>
    %add3A_32 = arith.addf %mul3A_30, %add3A_31 : vector<10000x128xf32>
    %swap3A = arith.constant 0 : index
    %swap3A_33 = arith.constant 0 : index
    %swap3A_34 = vector.load %arg4[%swap3A, %swap3A_33] : memref<10000x128xf32, #tpu.memory_space<vmem>>, vector<10000x128xf32>
    tpu.vector_store %arg4[%swap3A, %swap3A_33], %add3A_32 {strides = array<i32>} : memref<10000x128xf32, #tpu.memory_space<vmem>>, vector<10000x128xf32>,
    %swap3A_35 = arith.constant 0 : index
    %swap3A_36 = arith.constant 0 : index
    %swap3A_37 = vector.load %arg5[%swap3A_35, %swap3A_36] : memref<1x128xf32, #tpu.memory_space<vmem>>, vector<1x128xf32>
    tpu.vector_store %arg5[%swap3A_35, %swap3A_36], %mul3A_20 {strides = array<i32>} : memref<1x128xf32, #tpu.memory_space<vmem>>, vector<1x128xf32>,
    return
  }
}

module attributes {stable_mosaic.version = 14 : i64} {
  func.func @_final_body(%arg0: memref<10000x128xf32, #tpu.memory_space<vmem>>, %arg1: memref<10000x1xf32, #tpu.memory_space<vmem>>, %arg2: memref<10000x128xf32, #tpu.memory_space<vmem>>, %arg3: memref<128x128xf32, #tpu.memory_space<vmem>>, %arg4: memref<1x128xf32, #tpu.memory_space<vmem>>, %arg5: memref<256x128xf32, #tpu.memory_space<vmem>>, %arg6: memref<1x128xf32, #tpu.memory_space<vmem>>, %arg7: memref<1x128xf32, #tpu.memory_space<vmem>>, %arg8: memref<1x128xf32, #tpu.memory_space<vmem>>, %arg9: memref<128x128xf32, #tpu.memory_space<vmem>>, %arg10: memref<1x128xf32, #tpu.memory_space<vmem>>, %arg11: memref<10000x128xf32, #tpu.memory_space<vmem>>) attributes {dimension_semantics = [], scalar_prefetch = 0 : i64, scratch_operands = 0 : i64, tpu.core_type = #tpu.core_type<tc>} {
    %get3A = arith.constant 0 : index
    %get3A_0 = arith.constant 0 : index
    %get3A_1 = vector.load %arg0[%get3A, %get3A_0] : memref<10000x128xf32, #tpu.memory_space<vmem>>, vector<10000x128xf32>
    %get3A_2 = arith.constant 0 : index
    %get3A_3 = arith.constant 0 : index
    %get3A_4 = vector.load %arg1[%get3A_2, %get3A_3] : memref<10000x1xf32, #tpu.memory_space<vmem>>, vector<10000x1xf32>
    %max3A = arith.constant 1.000000e+00 : f32
    %max3A_5 = vector.broadcast %max3A : f32 to vector<10000x1xf32>
    %max3A_6 = arith.maximumf %get3A_4, %max3A_5 : vector<10000x1xf32>
    %div3A = vector.broadcast %max3A_6 : vector<10000x1xf32> to vector<10000x128xf32>
    %div3A_7 = arith.divf %get3A_1, %div3A : vector<10000x128xf32>
    %get3A_8 = arith.constant 0 : index
    %get3A_9 = arith.constant 0 : index
    %get3A_10 = vector.load %arg3[%get3A_8, %get3A_9] : memref<128x128xf32, #tpu.memory_space<vmem>>, vector<128x128xf32>
    %dot_general3A = arith.constant dense<0.000000e+00> : vector<10000x128xf32>
    %dot_general3A_11 = tpu.matmul %div3A_7, %get3A_10, %dot_general3A {dimension_numbers = #tpu.dot_dimension_numbers<[1], [0], [0], [1], [0, 0, 1, 1], [], []>, transpose_lhs_hint = false} : vector<10000x128xf32>, vector<128x128xf32>, vector<10000x128xf32> -> vector<10000x128xf32>
    %get3A_12 = arith.constant 0 : index
    %get3A_13 = arith.constant 0 : index
    %get3A_14 = vector.load %arg4[%get3A_12, %get3A_13] : memref<1x128xf32, #tpu.memory_space<vmem>>, vector<1x128xf32>
    %gt3A = arith.constant 0.000000e+00 : f32
    %gt3A_15 = vector.broadcast %gt3A : f32 to vector<10000x1xf32>
    %gt3A_16 = arith.cmpf ogt, %get3A_4, %gt3A_15 : vector<10000x1xf32>
    %convert_element_type3A = arith.extui %gt3A_16 : vector<10000x1xi1> to vector<10000x1xi32>
    %convert_element_type3A_17 = arith.sitofp %convert_element_type3A : vector<10000x1xi32> to vector<10000x1xf32>
    %mul3A = vector.broadcast %get3A_14 : vector<1x128xf32> to vector<10000x128xf32>
    %mul3A_18 = vector.broadcast %convert_element_type3A_17 : vector<10000x1xf32> to vector<10000x128xf32>
    %mul3A_19 = arith.mulf %mul3A, %mul3A_18 : vector<10000x128xf32>
    %add3A = arith.addf %dot_general3A_11, %mul3A_19 : vector<10000x128xf32>
    %get3A_20 = arith.constant 0 : index
    %get3A_21 = arith.constant 0 : index
    %get3A_22 = vector.load %arg2[%get3A_20, %get3A_21] : memref<10000x128xf32, #tpu.memory_space<vmem>>, vector<10000x128xf32>
    %get3A_23 = arith.constant 0 : index
    %get3A_24 = arith.constant 0 : index
    %get3A_25 = vector.load %arg5[%get3A_23, %get3A_24] : memref<256x128xf32, #tpu.memory_space<vmem>>, vector<128x128xf32>
    %dot_general3A_26 = arith.constant dense<0.000000e+00> : vector<10000x128xf32>
    %dot_general3A_27 = tpu.matmul %get3A_22, %get3A_25, %dot_general3A_26 {dimension_numbers = #tpu.dot_dimension_numbers<[1], [0], [0], [1], [0, 0, 1, 1], [], []>, transpose_lhs_hint = false} : vector<10000x128xf32>, vector<128x128xf32>, vector<10000x128xf32> -> vector<10000x128xf32>
    %get3A_28 = arith.constant 128 : index
    %get3A_29 = arith.constant 0 : index
    %get3A_30 = vector.load %arg5[%get3A_28, %get3A_29] : memref<256x128xf32, #tpu.memory_space<vmem>>, vector<128x128xf32>
    %dot_general3A_31 = arith.constant dense<0.000000e+00> : vector<10000x128xf32>
    %dot_general3A_32 = tpu.matmul %add3A, %get3A_30, %dot_general3A_31 {dimension_numbers = #tpu.dot_dimension_numbers<[1], [0], [0], [1], [0, 0, 1, 1], [], []>, transpose_lhs_hint = false} : vector<10000x128xf32>, vector<128x128xf32>, vector<10000x128xf32> -> vector<10000x128xf32>
    %add3A_33 = arith.addf %dot_general3A_27, %dot_general3A_32 : vector<10000x128xf32>
    %get3A_34 = arith.constant 0 : index
    %get3A_35 = arith.constant 0 : index
    %get3A_36 = vector.load %arg6[%get3A_34, %get3A_35] : memref<1x128xf32, #tpu.memory_space<vmem>>, vector<1x128xf32>
    %add3A_37 = vector.broadcast %get3A_36 : vector<1x128xf32> to vector<10000x128xf32>
    %add3A_38 = arith.addf %add3A_33, %add3A_37 : vector<10000x128xf32>
    %reduce_sum3A = arith.constant dense<0.000000e+00> : vector<128xf32>
    %reduce_sum3A_39 = vector.multi_reduction <add>, %add3A_38, %reduce_sum3A [0] : vector<10000x128xf32> to vector<128xf32>
    %broadcast_in_dim3A = vector.shape_cast %reduce_sum3A_39 : vector<128xf32> to vector<1x128xf32>
    %div3A_40 = arith.constant 1.000000e+04 : f32
    %div3A_41 = vector.broadcast %div3A_40 : f32 to vector<1x128xf32>
    %div3A_42 = arith.divf %broadcast_in_dim3A, %div3A_41 : vector<1x128xf32>
    %mul3A_43 = arith.mulf %add3A_38, %add3A_38 : vector<10000x128xf32>
    %reduce_sum3A_44 = arith.constant dense<0.000000e+00> : vector<128xf32>
    %reduce_sum3A_45 = vector.multi_reduction <add>, %mul3A_43, %reduce_sum3A_44 [0] : vector<10000x128xf32> to vector<128xf32>
    %broadcast_in_dim3A_46 = vector.shape_cast %reduce_sum3A_45 : vector<128xf32> to vector<1x128xf32>
    %div3A_47 = arith.constant 1.000000e+04 : f32
    %div3A_48 = vector.broadcast %div3A_47 : f32 to vector<1x128xf32>
    %div3A_49 = arith.divf %broadcast_in_dim3A_46, %div3A_48 : vector<1x128xf32>
    %mul3A_50 = arith.mulf %div3A_42, %div3A_42 : vector<1x128xf32>
    %sub3A = arith.subf %div3A_49, %mul3A_50 : vector<1x128xf32>
    %sub3A_51 = vector.broadcast %div3A_42 : vector<1x128xf32> to vector<10000x128xf32>
    %sub3A_52 = arith.subf %add3A_38, %sub3A_51 : vector<10000x128xf32>
    %add3A_53 = arith.constant 9.99999974E-6 : f32
    %add3A_54 = vector.broadcast %add3A_53 : f32 to vector<1x128xf32>
    %add3A_55 = arith.addf %sub3A, %add3A_54 : vector<1x128xf32>
    %rsqrt3A = math.rsqrt %add3A_55 : vector<1x128xf32>
    %mul3A_56 = vector.broadcast %rsqrt3A : vector<1x128xf32> to vector<10000x128xf32>
    %mul3A_57 = arith.mulf %sub3A_52, %mul3A_56 : vector<10000x128xf32>
    %get3A_58 = arith.constant 0 : index
    %get3A_59 = arith.constant 0 : index
    %get3A_60 = vector.load %arg7[%get3A_58, %get3A_59] : memref<1x128xf32, #tpu.memory_space<vmem>>, vector<1x128xf32>
    %mul3A_61 = vector.broadcast %get3A_60 : vector<1x128xf32> to vector<10000x128xf32>
    %mul3A_62 = arith.mulf %mul3A_57, %mul3A_61 : vector<10000x128xf32>
    %get3A_63 = arith.constant 0 : index
    %get3A_64 = arith.constant 0 : index
    %get3A_65 = vector.load %arg8[%get3A_63, %get3A_64] : memref<1x128xf32, #tpu.memory_space<vmem>>, vector<1x128xf32>
    %add3A_66 = vector.broadcast %get3A_65 : vector<1x128xf32> to vector<10000x128xf32>
    %add3A_67 = arith.addf %mul3A_62, %add3A_66 : vector<10000x128xf32>
    %max3A_68 = arith.constant 0.000000e+00 : f32
    %max3A_69 = vector.broadcast %max3A_68 : f32 to vector<10000x128xf32>
    %max3A_70 = arith.maximumf %add3A_67, %max3A_69 : vector<10000x128xf32>
    %get3A_71 = arith.constant 0 : index
    %get3A_72 = arith.constant 0 : index
    %get3A_73 = vector.load %arg9[%get3A_71, %get3A_72] : memref<128x128xf32, #tpu.memory_space<vmem>>, vector<128x128xf32>
    %dot_general3A_74 = arith.constant dense<0.000000e+00> : vector<10000x128xf32>
    %dot_general3A_75 = tpu.matmul %max3A_70, %get3A_73, %dot_general3A_74 {dimension_numbers = #tpu.dot_dimension_numbers<[1], [0], [0], [1], [0, 0, 1, 1], [], []>, transpose_lhs_hint = false} : vector<10000x128xf32>, vector<128x128xf32>, vector<10000x128xf32> -> vector<10000x128xf32>
    %get3A_76 = arith.constant 0 : index
    %get3A_77 = arith.constant 0 : index
    %get3A_78 = vector.load %arg10[%get3A_76, %get3A_77] : memref<1x128xf32, #tpu.memory_space<vmem>>, vector<1x128xf32>
    %add3A_79 = vector.broadcast %get3A_78 : vector<1x128xf32> to vector<10000x128xf32>
    %add3A_80 = arith.addf %dot_general3A_75, %add3A_79 : vector<10000x128xf32>
    %swap3A = arith.constant 0 : index
    %swap3A_81 = arith.constant 0 : index
    %swap3A_82 = vector.load %arg11[%swap3A, %swap3A_81] : memref<10000x128xf32, #tpu.memory_space<vmem>>, vector<10000x128xf32>
    tpu.vector_store %arg11[%swap3A, %swap3A_81], %add3A_80 {strides = array<i32>} : memref<10000x128xf32, #tpu.memory_space<vmem>>, vector<10000x128xf32>,
    return
  }
}

</mosaic_0001>

<sc_bundles>
// kernel: kernel.11.cloned.1.call-start
scs
__scs_entry_jumppad:
0x0: {  	(pc) =	sbr.rel $0x88, $3  }
0x1: {  	(tag) =	ssettag $0x0;
	lr =	simm.s32 $0x1  }
0x2: {  	[smem:$0x3F92] =	sst lr;
	_ =	strace $0xD0000000  }
0x3: {  	_ = 	snop  }
0x4: {  	_ = 	snop  }
0x5: {  	_ = 	snop  }
0x6: {  	_ = 	snop  }
0x7: {  	_ = 	snop  }
__scs_overlays_trampoline_lowered:
0x8: {  	[smem:$0x3FA1] =	sst s0  }
0x9: {  	[smem:$0x3FA2] =	sst s1  }
0xa: {  	[smem:$0x3FA3] =	sst s2  }
0xb: {  	[smem:$0x3FA4] =	sst s3  }
0xc: {  	[smem:$0x3FA5] =	sst s4  }
0xd: {  	[smem:$0x3FA6] =	sst s5  }
0xe: {  	[smem:$0x3FA7] =	sst s6  }
0xf: {  	[smem:$0x3FA8] =	sst s7  }
0x10: {  	[smem:$0x3FA9] =	sst s8  }
0x11: {  	[smem:$0x3FAA] =	sst s9;
	s0 =	simm.s32 @!p0 $0x0  }
0x12: {  	s1 =	sld [smem:$0x3F90];
	s0 =	simm.s32 @p0 $0x1  }
0x13: {  	[smem:$0x3FAB] =	sst s0;
	s0 =	simm.s32 @!p1 $0x0  }
0x14: {  	s2 =	sld [smem:$0x3F8F];
	s0 =	simm.s32 @p1 $0x1  }
0x15: {  	[smem:$0x3FAC] =	sst s0;
	s0 =	simm.s32 @!p2 $0x0  }
0x16: {  	s3 =	sld [smem:$0x3FDB];
	s0 =	simm.s32 @p2 $0x1  }
0x17: {  	s4 =	simm.s32 $0x1BF5;
	[smem:$0x3FAE] =	sst s0  }
0x18: {  	s0 =	sld [smem:$0x3F91];
	_ =	swait.ge [sflag:s4], $0x0  }
0x19: {  	s7 =	sld [smem:$0x3F92]  }
0x1a: {  	s8 =	sadd.s32 $0xFFFFE003, lr  }
0x1b: {  	s9 =	sadd.s32 $0xFFFFFEF7, lr;
	s5 =	simm.s32 $0xFFFFFFFF;
	p2 =	slt.u32 s8, $0xFFFFF086  }
0x1c: {  	p1 =	slt.u32 s9, $0xF7A;
	s5 =	simm.s32 @!p2 $0x0  }
0x1d: {  	s5 =	simm.s32 @p1 $0x1;
	p0 =	seq.s32 s7, s2  }
0x1e: {  	s7 =	smul.u32 @!p0 $0xF7A, s2;
	p2 =	seq.s32 @!p0 s5, $0x0  }
0x1f: {  	s9 =	smul.u32 $0xF7A, s1;
	s8 =	simm.s32 @!p0 $0x1BF5;
	p2 =	por !p2, p0  }
0x20: {  	[sflag:s8] =	ssyncset.s32 @!p0 $0xFFFFF086;
	s6 =	sadd.s32 @!p0 s3, s7;
	s7 =	simm.s32 @!p0 $0x108  }
0x21: {  	s3 =	sadd.s32 s3, s9;
	s6 =	sadd.s32 @!p0 $0x88, s6;
	s7 =	simm.s32 @p2 $0x1082  }
0x22: {  	[simem:s7], [sflag:s8] =	dma.local @!p0 [hbm:s6], $0xF7A  }
0x23: {  	s9 =	sor.u32 $0xD0000000, s2;
	s6 =	simm.s32 $0x108;
	_ =	swait.ge @!p0 [sflag:s8], $0x0  }
0x24: {  	s3 =	sadd.s32 $0x88, s3;
	s6 =	simm.s32 @!p1 $0x1082;
	[sflag:s4] =	ssyncset.s32 $0xFFFFF086  }
0x25: {  	[simem:s6], [sflag:s4] =	dma.local [hbm:s3], $0xF7A  }
0x26: {  	[smem:$0x3F92] =	sst s1;
	(tag) =	ssettag s2;
	_ =	strace s9  }
0x27: {  	s1 =	sld [smem:$0x3FA2]  }
0x28: {  	s2 =	sld [smem:$0x3FA3]  }
0x29: {  	s4 =	sld [smem:$0x3FA5]  }
0x2a: {  	p0 =	seq.s32 s5, $0x0;
	s5 =	sld [smem:$0x3FA6]  }
0x2b: {  	s6 =	sld [smem:$0x3FA7]  }
0x2c: {  	s7 =	sld [smem:$0x3FA8]  }
0x2d: {  	s3 =	simm.s32 $0x108;
	s8 =	sld [smem:$0x3FA9]  }
0x2e: {  	s3 =	simm.s32 @!p0 $0x1082;
	s9 =	sld [smem:$0x3FAA]  }
0x2f: {  	lr =	sadd.s32 s0, s3;
	s0 =	sld [smem:$0x3FA1]  }
0x30: {  	s3 =	sld [smem:$0x3FA4]  }
0x31: {  	[smem:$0x3FAD] =	sst s10  }
0x32: {  	s10 =	sld [smem:$0x3FAB];
	_ =	sdelay $0x3  }
0x33: {  	p0 =	seq.s32 s10, $0x1;
	s10 =	sld [smem:$0x3FAD];
	_ =	sdelay $0x3  }
0x34: {  	[smem:$0x3FAD] =	sst s10  }
0x35: {  	s10 =	sld [smem:$0x3FAC];
	_ =	sdelay $0x3  }
0x36: {  	p1 =	seq.s32 s10, $0x1;
	s10 =	sld [smem:$0x3FAD];
	_ =	sdelay $0x3  }
0x37: {  	[smem:$0x3FAD] =	sst s10  }
0x38: {  	s10 =	sld [smem:$0x3FAE]  }
0x39: {  	_ = 	snop;
	(pc) =	sbr.ind lr, $3  }
0x3a: {  	_ = 	snop  }
0x3b: {  	_ = 	snop  }
0x3c: {  	p2 =	seq.s32 s10, $0x1;
	s10 =	sld [smem:$0x3FAD]  }
0x3d: {  	_ =	shalt  }
0x3e: {  	_ =	shalt  }
0x3f: {  	_ =	shalt  }
0x40: {  	_ =	shalt  }
0x41: {  	_ =	shalt  }
0x42: {  	_ =	shalt  }
0x43: {  	_ =	shalt  }
0x44: {  	_ =	shalt  }
0x45: {  	_ =	shalt  }
0x46: {  	_ =	shalt  }
0x47: {  	_ =	shalt  }
0x48: {  	_ =	shalt  }
0x49: {  	_ =	shalt  }
0x4a: {  	_ =	shalt  }
0x4b: {  	_ =	shalt  }
0x4c: {  	_ =	shalt  }
0x4d: {  	_ =	shalt  }
0x4e: {  	_ =	shalt  }
0x4f: {  	_ =	shalt  }
0x50: {  	_ =	shalt  }
0x51: {  	_ =	shalt  }
0x52: {  	_ =	shalt  }
0x53: {  	_ =	shalt  }
0x54: {  	_ =	shalt  }
0x55: {  	_ =	shalt  }
0x56: {  	_ =	shalt  }
0x57: {  	_ =	shalt  }
0x58: {  	_ =	shalt  }
0x59: {  	_ =	shalt  }
0x5a: {  	_ =	shalt  }
0x5b: {  	_ =	shalt  }
0x5c: {  	_ =	shalt  }
0x5d: {  	_ =	shalt  }
0x5e: {  	_ =	shalt  }
0x5f: {  	_ =	shalt  }
0x60: {  	_ =	shalt  }
0x61: {  	_ =	shalt  }
0x62: {  	_ =	shalt  }
0x63: {  	_ =	shalt  }
0x64: {  	_ =	shalt  }
0x65: {  	_ =	shalt  }
0x66: {  	_ =	shalt  }
0x67: {  	_ =	shalt  }
0x68: {  	_ =	shalt  }
0x69: {  	_ =	shalt  }
0x6a: {  	_ =	shalt  }
0x6b: {  	_ =	shalt  }
0x6c: {  	_ =	shalt  }
0x6d: {  	_ =	shalt  }
0x6e: {  	_ =	shalt  }
0x6f: {  	_ =	shalt  }
0x70: {  	_ =	shalt  }
0x71: {  	_ =	shalt  }
0x72: {  	_ =	shalt  }
0x73: {  	_ =	shalt  }
0x74: {  	_ =	shalt  }
0x75: {  	_ =	shalt  }
0x76: {  	_ =	shalt  }
0x77: {  	_ =	shalt  }
0x78: {  	_ =	shalt  }
0x79: {  	_ =	shalt  }
0x7a: {  	_ =	shalt  }
0x7b: {  	_ =	shalt  }
0x7c: {  	_ =	shalt  }
0x7d: {  	_ =	shalt  }
0x7e: {  	_ =	shalt  }
0x7f: {  	_ =	shalt  }
0x80: {  	_ =	shalt  }
0x81: {  	_ =	shalt  }
0x82: {  	_ =	shalt  }
0x83: {  	_ =	shalt  }
0x84: {  	_ =	shalt  }
0x85: {  	_ =	shalt  }
0x86: {  	_ =	shalt  }
0x87: {  	_ =	shalt  }
.Lfunc_end0:
.L_simem_size_0:
called_computation.3_lowered:
.L_overlay_start_0:
0x88: {  	s2 =	sld [smem:$0x3FD9]  }
0x89: {  	s3 =	sld [smem:$0x3FFE];
	_ =	sdelay $0x1  }
0x8a: {  	s1 =	srdreg.scid  }
0x8b: {  	s0 =	sand.u32 $0x1, s1  }
0x8c: {  	s17 =	sshll.u32 s0, $0xA;
	s2 =	sadd.s32 s3, s2  }
0x8d: {  	s2 =	sadd.s32 s2, s17  }
0x8e: {  	[smem:$0x3FB9] =	sst s2  }
0x8f: {  	_ = 	snop  }
0x90: {  	s2 =	sld [smem:$0x3FD0];
	(tm) =	ssettm $0x1  }
0x91: {  	s18 =	sld [smem:$0x3FFB];
	_ =	sdelay $0x3  }
0x92: {  	_ =	strace s18  }
0x93: {  	s3 =	sld [smem:$0x3FFC];
	_ =	sdelay $0x3  }
0x94: {  	_ =	strace s3  }
0x95: {  	s3 =	sld [smem:$0x3FFD];
	_ =	sdelay $0x3  }
0x96: {  	_ =	strace s3  }
0x97: {  	_ =	strace $0x8FFFFFFF  }
0x98: {  	s19 =	sld [smem:$0x3FDB];
	_ =	sdelay $0x1  }
0x99: {  	s4 =	simm.s32 $_scs_section_size  }
0x9a: {  	s5 =	simm.s32 $_size__tile_overlayer_lowered;
	s6 =	simm.s32 $_tile_overlayer_lowered  }
0x9b: {  	s22 =	simm.s32 $0x1BFF;
	s21 =	sshll.u32 s6, $0x1;
	s3 =	sadd.s32 s4, s19  }
0x9c: {  	s7 =	simm.s32 $0x0;
	s20 =	sshll.u32 s5, $0x1;
	s5 =	sadd.s32 s21, s3  }
0x9d: {  	[timem:s7], [sflag:s22] =	dma.local [hbm:s5], s20  }
0x9e: {  	_ =	swait.ge [sflag:s22], s20  }
0x9f: {  	s4 =	ssub.s32 $0x0, s20;
	[sflag:s22] =	ssyncset.done $0x0  }
0xa0: {  	[sflag:s22] =	ssyncadd.s32 s4;
	_ =	sdelay $0x1  }
0xa1: {  	s23 =	simm.s32 $0x1B8B  }
0xa2: {  	_ =	swait.ge [sflag:s23], $0x1  }
0xa3: {  	[sflag:s23] =	ssyncset.done $0x0  }
0xa4: {  	s25 =	simm.s32 $0x1B8E;
	s24 =	sld [smem:$0x3FFE];
	[sflag:s23] =	ssyncadd.s32 $0xFFFFFFFF  }
0xa5: {  	s26 =	simm.s32 $execute0_lowered;
	[smem:$0x3FD2] =	sst s25  }
0xa6: {  	s5 =	sshll.u32 s26, $0x1;
	_ =	strace $0x80000049;
	[dreg:$0x1] =	wrdreg $0xFFFFFFFF  }
0xa7: {  	s28 =	simm.s32 $_size_execute0_lowered;
	s3 =	sadd.s32 s3, s5;
	[dreg:$0x0] =	wrdreg $0x0  }
0xa8: {  	s5 =	sshll.u32 s28, $0x1;
	[dreg:$0x2] =	wrdreg s3  }
0xa9: {  	[dreg:$0x3] =	wrdreg s5  }
0xaa: {  	[dreg:$0x4] =	wrdreg $0xC0  }
0xab: {  	_ =	task [dreg:s7], $0x5FFFF  }
0xac: {  	[dreg:$0x1] =	wrdreg $0xFFFFFFFF  }
0xad: {  	[dreg:$0x0] =	wrdreg $0x60  }
0xae: {  	[dreg:$0x2] =	wrdreg s24  }
0xaf: {  	[dreg:$0x3] =	wrdreg s2  }
0xb0: {  	[dreg:$0x4] =	wrdreg $0xA  }
0xb1: {  	_ =	task.clear_ibuf [dreg:s7], $0x5FFFF;
	_ =	strace $0x90000049  }
0xb2: {  	s29 =	simm.s32 $0xA;
	_ =	strace $0x8000004B  }
0xb3: {  	_ =	swait.ge [sflag:s29], $0x1  }
0xb4: {  	[sflag:s29] =	ssyncadd.s32 $0xFFFFFFFF  }
0xb5: {  	_ =	strace $0x9000004B  }
0xb6: {  	_ =	sfence  }
0xb7: {  	s30 =	sld [smem:$0x0];
	_ =	sdelay $0x2  }
0xb8: {  	s31 =	sshll.u32 s1, $0xD;
	s1 =	sshrl.u32 s1, $0x2  }
0xb9: {  	s3 =	sand.u32 $0x4000, s31;
	s1 =	sadd.s32 s1, s30  }
0xba: {  	s0 =	sor.u32 s3, s0;
	s1 =	sshll.u32 s1, $0x11  }
0xbb: {  	s0 =	sor.u32 s1, s0  }
0xbc: {  	s0 =	sadd.s32 $0x8F2B, s0  }
0xbd: {  	[sflag:s0] =	ssyncadd.remote.s32 $0x1  }
0xbe: {  	_ =	sfence.sel $0xFFFF  }
0xbf: {  	[dreg:$0x0] =	wrdreg $0xFFFFFFFF;
	(pc) =	sbr.abs _section_cstart, $3  }
0xc0: {  	[dreg:$0x1] =	wrdreg $0xFFFFFFFF  }
0xc1: {  	_ =	task.clear_ibuf [dreg:s7], $0x2FFFF;
	_ =	strace $0x9FFFFFFF  }
0xc2: {  	(tm) =	ssettm $0x7FFFFFFF  }
0xc3: {  	_ =	shalt  }
tec
execute0_lowered:
.L_overlay_start_1:
0x0: {  	(tag) =	ssettag $0x1  }
0x1: {  	s8 =	rddreg [dreg:$0x0]  }
0x2: {  	s1 =	rddreg [dreg:$0x1]  }
0x3: {  	s2 =	srdreg.scid;
	s0 =	rddreg [dreg:$0x2]  }
0x4: {  	s3 =	simm.s32 $0x0;
	s13 =	simm.s32 $0x8100;
	s14 =	simm.s32 $0x2  }
0x5: {  	s15 =	simm.s32 $0x8000;
	s16 =	simm.s32 $0x80;
	s17 =	simm.s32 $0x4000  }
0x6: {  	s18 =	simm.s32 $0x1;
	s19 =	simm.s32 $0x10;
	s9 =	sand.u32 $0x1, s2  }
0x7: {  	s20 =	simm.s32 $0x0;
	s2 =	stileid.u32;
	s4 =	sshll.u32 s9, $0x4  }
0x8: {  	[smem:$0x7FF] =	sst s3;
	s6 =	sadd.s32 $0xB600, s8;
	s5 =	sor.u32 s2, s4  }
0x9: {  	s7 =	sadd.s32 $0x4F7400, s8;
	s9 =	ssub.s32 $0x2, s9;
	s5 =	smul.u32 $0x2710, s5  }
0xa: {  	_ =	strace $0x8000004A;
	s4 =	sadd.s32 $0x15400, s8;
	s10 =	sshrl.u32 s9, $0x1  }
0xb: {  	s8 =	sadd.s32 $0x4F7600, s8;
	s12 =	ssub.s32 s9, s10;
	s11 =	sadd.s32 $0x2700, s5  }
0xc: {  	s12 =	smax.u32 s12, $0x1;
	s31 =	sshrl.u32 s11, $0x3;
	s11 =	sshll.u32 s11, $0x4  }
0xd: {  	s9 =	sadd.s32 s6, s31;
	s10 =	sadd.s32 s4, s11;
	s11 =	sadd.s32 s8, s11  }
.LBB2_1:
0xe: {  	[tilespmem:s13], [sflag:$0x2] =	stream.linear.gather [hbm4b:s7+s3], $0x80, $0x38;
	[tilespmem:$0x8180] =	vst v63  }
0xf: {  	_ =	swait.ge [sflag:s14], $0x80  }
0x10: {  	[sflag:s14] =	ssyncset.done $0x0  }
0x11: {  	[sflag:s14] =	ssyncadd.s32 $0xFFFFFF80  }
0x12: {  	v6 =	vld [tilespmem:$0x8100]  }
0x13: {  	v7 =	vld [tilespmem:$0x8110]  }
0x14: {  	v5 =	vld [tilespmem:$0x8120]  }
0x15: {  	v4 =	vld [tilespmem:$0x8130]  }
0x16: {  	v3 =	vld [tilespmem:$0x8140]  }
0x17: {  	v2 =	vld [tilespmem:$0x8150]  }
0x18: {  	v1 =	vld [tilespmem:$0x8160]  }
0x19: {  	s21 =	simm.s32 $0x0;
	v0 =	vld [tilespmem:$0x8170]  }
.LBB2_2:
0x1a: {  	s22 =	sshll.u32 s21, $0x7  }
0x1b: {  	s22 =	sadd.s32 s5, s22  }
0x1c: {  	s23 =	sshrl.u32 s22, $0x3  }
0x1d: {  	s24 =	simm.s32 $0x0;
	s23 =	sadd.s32 s6, s23  }
0x1e: {  	[tilespmem:s15], [sflag:$0x2] =	stream.linear.gather [hbm4b:s23+s24], $0x80, $0x38;
	[tilespmem:$0x8180] =	vst v63  }
0x1f: {  	_ =	swait.ge [sflag:s14], $0x80  }
0x20: {  	[sflag:s14] =	ssyncset.done $0x0  }
0x21: {  	s22 =	sshll.u32 s22, $0x4;
	[sflag:s14] =	ssyncadd.s32 $0xFFFFFF80  }
0x22: {  	[tilespmem:s17], [sflag:$0x1] =	stream.indirect.gather [hbm4b:s1+s16], $0x80, s15, s16, $0xb8;
	[tilespmem:$0x8180] =	vst v63  }
0x23: {  	s31 =	sadd.s32 s4, s22  }
0x24: {  	[tilespmem:s24], [sflag:$0x2] =	stream.linear.gather [hbm4b:s31+s24], $0x4000, $0x38;
	[tilespmem:$0x8180] =	vst v63  }
0x25: {  	_ =	swait.ge [sflag:s14], $0x4000  }
0x26: {  	[sflag:s14] =	ssyncset.done $0x0  }
0x27: {  	[sflag:s14] =	ssyncadd.s32 $0xFFFFC000  }
0x28: {  	_ =	swait.ge [sflag:s18], $0x4000  }
0x29: {  	[sflag:s18] =	ssyncset.done $0x0  }
0x2a: {  	s23 =	simm.s32 $0x0;
	[sflag:s18] =	ssyncadd.s32 $0xFFFFC000  }
0x2b: {  	v14 =	vld [tilespmem:s23+$0x0]  }
0x2c: {  	v19 =	vld [tilespmem:s23+$0x10]  }
0x2d: {  	v12 =	vld [tilespmem:s23+$0x20]  }
0x2e: {  	v13 =	vld [tilespmem:s23+$0x30]  }
0x2f: {  	v11 =	vld [tilespmem:s23+$0x40]  }
0x30: {  	v10 =	vld [tilespmem:s23+$0x50]  }
0x31: {  	v9 =	vld [tilespmem:s23+$0x60]  }
0x32: {  	v8 =	vld [tilespmem:s23+$0x70]  }
0x33: {  	v18 =	vld [tilespmem:s23+$0x4000]  }
0x34: {  	v17 =	vld [tilespmem:s23+$0x4010]  }
0x35: {  	v16 =	vld [tilespmem:s23+$0x4020]  }
0x36: {  	v15 =	vld [tilespmem:s23+$0x4030];
	v20 =	vmul.f32 v14, v6  }
0x37: {  	s24 =	simm.s32 $0x200;
	v19 =	vmul.f32 v19, v7;
	v14 =	vld [tilespmem:s23+$0x4040]  }
.LBB2_3:
0x38: {  	p0 =	sne.s32 s24, $0xFE00;
	v18 =	vadd.f32 v18, v20;
	v12 =	vmul.f32 v12, v5;
	v20 =	vld [tilespmem:s23+$0x4050]  }
0x39: {  	v13 =	vmul.f32 v13, v4;
	v17 =	vadd.f32 v17, v19;
	v19 =	vld [tilespmem:s23+$0x4060]  }
0x3a: {  	s25 =	sshra.s32 s24, $0x2;
	v11 =	vmul.f32 v11, v3;
	v18 =	vmax.f32 v18, $0.0e+00;
	v12 =	vadd.f32 v16, v12;
	v16 =	vld [tilespmem:s23+$0x4070]  }
0x3b: {  	v10 =	vmul.f32 v10, v2;
	v21 =	vld [tilespmem:s25+$0x0];
	[tilespmem:s23+$0x4000] =	vst v18;
	v17 =	vmax.f32 v17, $0.0e+00;
	v13 =	vadd.f32 v15, v13  }
0x3c: {  	v9 =	vmul.f32 v9, v1;
	v22 =	vld [tilespmem:s25+$0x10];
	[tilespmem:s23+$0x4010] =	vst v17;
	v15 =	vmax.f32 v12, $0.0e+00;
	v11 =	vadd.f32 v14, v11  }
0x3d: {  	v8 =	vmul.f32 v8, v0;
	v12 =	vld [tilespmem:s25+$0x20];
	[tilespmem:s23+$0x4020] =	vst v15;
	v14 =	vmax.f32 v13, $0.0e+00;
	v10 =	vadd.f32 v20, v10  }
0x3e: {  	v13 =	vld [tilespmem:s25+$0x30];
	[tilespmem:s23+$0x4030] =	vst v14;
	v14 =	vmax.f32 v11, $0.0e+00;
	v9 =	vadd.f32 v19, v9  }
0x3f: {  	v11 =	vld [tilespmem:s25+$0x40];
	[tilespmem:s23+$0x4040] =	vst v14;
	v14 =	vmax.f32 v10, $0.0e+00;
	v8 =	vadd.f32 v16, v8  }
0x40: {  	v10 =	vld [tilespmem:s25+$0x50];
	[tilespmem:s23+$0x4050] =	vst v14;
	v14 =	vmax.f32 v9, $0.0e+00  }
0x41: {  	v9 =	vld [tilespmem:s25+$0x60];
	[tilespmem:s23+$0x4060] =	vst v14;
	v14 =	vmax.f32 v8, $0.0e+00  }
0x42: {  	v8 =	vld [tilespmem:s25+$0x70];
	[tilespmem:s23+$0x4070] =	vst v14;
	s23 =	smov.u32 s25  }
.Ltmp0:
0x43: {  	v18 =	vld [tilespmem:s23+$0x4000];
	(pc) =	sbr.rel @p0 .LBB2_3-.Ltmp0, $4  }
0x44: {  	v17 =	vld [tilespmem:s23+$0x4010]  }
0x45: {  	v16 =	vld [tilespmem:s23+$0x4020]  }
0x46: {  	v20 =	vmul.f32 v21, v6;
	v15 =	vld [tilespmem:s23+$0x4030]  }
0x47: {  	s24 =	sadd.s32 $0x200, s24;
	v19 =	vmul.f32 v22, v7;
	v14 =	vld [tilespmem:s23+$0x4040]  }
0x48: {  	v18 =	vadd.f32 v18, v20;
	v12 =	vmul.f32 v12, v5;
	v60 =	vld [tilespmem:s23+$0x4050]  }
0x49: {  	v13 =	vmul.f32 v13, v4;
	v61 =	vld [tilespmem:s23+$0x4060];
	v17 =	vadd.f32 v17, v19  }
0x4a: {  	v11 =	vmul.f32 v11, v3;
	v62 =	vld [tilespmem:s23+$0x4070];
	v18 =	vmax.f32 v18, $0.0e+00;
	v12 =	vadd.f32 v16, v12  }
0x4b: {  	v10 =	vmul.f32 v10, v2;
	[tilespmem:s23+$0x4000] =	vst v18;
	v17 =	vmax.f32 v17, $0.0e+00;
	v13 =	vadd.f32 v15, v13  }
0x4c: {  	v9 =	vmul.f32 v9, v1;
	[tilespmem:s23+$0x4010] =	vst v17;
	v12 =	vmax.f32 v12, $0.0e+00;
	v11 =	vadd.f32 v14, v11  }
0x4d: {  	v8 =	vmul.f32 v8, v0;
	[tilespmem:s23+$0x4020] =	vst v12;
	v63 =	vmax.f32 v13, $0.0e+00;
	v10 =	vadd.f32 v60, v10  }
0x4e: {  	v9 =	vadd.f32 v61, v9;
	[tilespmem:s23+$0x4030] =	vst v63;
	v11 =	vmax.f32 v11, $0.0e+00  }
0x4f: {  	v8 =	vadd.f32 v62, v8;
	[tilespmem:s23+$0x4040] =	vst v11;
	v10 =	vmax.f32 v10, $0.0e+00  }
0x50: {  	s21 =	sadd.s32 $0x1, s21;
	v9 =	vmax.f32 v9, $0.0e+00;
	[tilespmem:s23+$0x4050] =	vst v10  }
0x51: {  	p0 =	sne.s32 s21, $0x4E;
	v8 =	vmax.f32 v8, $0.0e+00;
	[tilespmem:s23+$0x4060] =	vst v9  }
.Ltmp1:
0x52: {  	s22 =	sadd.s32 s8, s22;
	[tilespmem:s23+$0x4070] =	vst v8;
	(pc) =	sbr.rel @p0 .LBB2_2-.Ltmp1, $4  }
0x53: {  	[hbm4b:s22+s3] =	stream.linear.scatter [tilespmem:s17], [sflag:$0x2], $0x4000, $0x38;
	[tilespmem:$0x8180] =	vst v63  }
0x54: {  	_ =	swait.ge [sflag:s14], $0x4000  }
0x55: {  	[sflag:s14] =	ssyncset.done $0x0  }
0x56: {  	[sflag:s14] =	ssyncadd.s32 $0xFFFFC000  }
0x57: {  	s21 =	simm.s32 $0x0  }
0x58: {  	[tilespmem:s15], [sflag:$0x2] =	stream.linear.gather [hbm4b:s9+s21], $0x10, $0x38;
	[tilespmem:$0x8180] =	vst v63  }
0x59: {  	_ =	swait.ge [sflag:s14], $0x10  }
0x5a: {  	[sflag:s14] =	ssyncset.done $0x0  }
0x5b: {  	[sflag:s14] =	ssyncadd.s32 $0xFFFFFFF0  }
0x5c: {  	[tilespmem:s17], [sflag:$0x1] =	stream.indirect.gather [hbm4b:s1+s19], $0x80, s15, s19, $0xb8;
	[tilespmem:$0x8180] =	vst v63  }
0x5d: {  	_ = 	snop  }
0x5e: {  	[tilespmem:s21], [sflag:$0x2] =	stream.linear.gather [hbm4b:s10+s21], $0x800, $0x38;
	[tilespmem:$0x8180] =	vst v63  }
0x5f: {  	_ =	swait.ge [sflag:s14], $0x800  }
0x60: {  	[sflag:s14] =	ssyncset.done $0x0  }
0x61: {  	[sflag:s14] =	ssyncadd.s32 $0xFFFFF800  }
0x62: {  	_ =	swait.ge [sflag:s18], $0x800  }
0x63: {  	[sflag:s18] =	ssyncset.done $0x0  }
0x64: {  	s21 =	simm.s32 $0x0;
	[sflag:s18] =	ssyncadd.s32 $0xFFFFF800  }
0x65: {  	v14 =	vld [tilespmem:s21+$0x0]  }
0x66: {  	v19 =	vld [tilespmem:s21+$0x10]  }
0x67: {  	v12 =	vld [tilespmem:s21+$0x20]  }
0x68: {  	v13 =	vld [tilespmem:s21+$0x30]  }
0x69: {  	v11 =	vld [tilespmem:s21+$0x40]  }
0x6a: {  	v10 =	vld [tilespmem:s21+$0x50]  }
0x6b: {  	v9 =	vld [tilespmem:s21+$0x60]  }
0x6c: {  	v8 =	vld [tilespmem:s21+$0x70]  }
0x6d: {  	v18 =	vld [tilespmem:s21+$0x4000]  }
0x6e: {  	v17 =	vld [tilespmem:s21+$0x4010]  }
0x6f: {  	v16 =	vld [tilespmem:s21+$0x4020]  }
0x70: {  	v15 =	vld [tilespmem:s21+$0x4030];
	v20 =	vmul.f32 v14, v6  }
0x71: {  	s22 =	simm.s32 $0x200;
	v19 =	vmul.f32 v19, v7;
	v14 =	vld [tilespmem:s21+$0x4040]  }
.LBB2_6:
0x72: {  	p0 =	sne.s32 s22, $0x1E00;
	v18 =	vadd.f32 v18, v20;
	v12 =	vmul.f32 v12, v5;
	v20 =	vld [tilespmem:s21+$0x4050]  }
0x73: {  	v13 =	vmul.f32 v13, v4;
	v17 =	vadd.f32 v17, v19;
	v19 =	vld [tilespmem:s21+$0x4060]  }
0x74: {  	s23 =	sshra.s32 s22, $0x2;
	v11 =	vmul.f32 v11, v3;
	v18 =	vmax.f32 v18, $0.0e+00;
	v12 =	vadd.f32 v16, v12;
	v16 =	vld [tilespmem:s21+$0x4070]  }
0x75: {  	v10 =	vmul.f32 v10, v2;
	v21 =	vld [tilespmem:s23+$0x0];
	[tilespmem:s21+$0x4000] =	vst v18;
	v17 =	vmax.f32 v17, $0.0e+00;
	v13 =	vadd.f32 v15, v13  }
0x76: {  	v9 =	vmul.f32 v9, v1;
	v22 =	vld [tilespmem:s23+$0x10];
	[tilespmem:s21+$0x4010] =	vst v17;
	v15 =	vmax.f32 v12, $0.0e+00;
	v11 =	vadd.f32 v14, v11  }
0x77: {  	v8 =	vmul.f32 v8, v0;
	v12 =	vld [tilespmem:s23+$0x20];
	[tilespmem:s21+$0x4020] =	vst v15;
	v14 =	vmax.f32 v13, $0.0e+00;
	v10 =	vadd.f32 v20, v10  }
0x78: {  	v13 =	vld [tilespmem:s23+$0x30];
	[tilespmem:s21+$0x4030] =	vst v14;
	v14 =	vmax.f32 v11, $0.0e+00;
	v9 =	vadd.f32 v19, v9  }
0x79: {  	v11 =	vld [tilespmem:s23+$0x40];
	[tilespmem:s21+$0x4040] =	vst v14;
	v14 =	vmax.f32 v10, $0.0e+00;
	v8 =	vadd.f32 v16, v8  }
0x7a: {  	v10 =	vld [tilespmem:s23+$0x50];
	[tilespmem:s21+$0x4050] =	vst v14;
	v14 =	vmax.f32 v9, $0.0e+00  }
0x7b: {  	v9 =	vld [tilespmem:s23+$0x60];
	[tilespmem:s21+$0x4060] =	vst v14;
	v14 =	vmax.f32 v8, $0.0e+00  }
0x7c: {  	v8 =	vld [tilespmem:s23+$0x70];
	[tilespmem:s21+$0x4070] =	vst v14;
	s21 =	smov.u32 s23  }
.Ltmp2:
0x7d: {  	v18 =	vld [tilespmem:s21+$0x4000];
	(pc) =	sbr.rel @p0 .LBB2_6-.Ltmp2, $4  }
0x7e: {  	v17 =	vld [tilespmem:s21+$0x4010]  }
0x7f: {  	v16 =	vld [tilespmem:s21+$0x4020]  }
0x80: {  	v20 =	vmul.f32 v21, v6;
	v15 =	vld [tilespmem:s21+$0x4030]  }
0x81: {  	s22 =	sadd.s32 $0x200, s22;
	v19 =	vmul.f32 v22, v7;
	v14 =	vld [tilespmem:s21+$0x4040]  }
0x82: {  	v6 =	vadd.f32 v18, v20;
	v5 =	vmul.f32 v12, v5;
	v7 =	vld [tilespmem:s21+$0x4050]  }
0x83: {  	v4 =	vmul.f32 v13, v4;
	v61 =	vld [tilespmem:s21+$0x4060];
	v60 =	vadd.f32 v17, v19  }
0x84: {  	v3 =	vmul.f32 v11, v3;
	v62 =	vld [tilespmem:s21+$0x4070];
	v6 =	vmax.f32 v6, $0.0e+00;
	v5 =	vadd.f32 v16, v5  }
0x85: {  	v2 =	vmul.f32 v10, v2;
	[tilespmem:s21+$0x4000] =	vst v6;
	v63 =	vmax.f32 v60, $0.0e+00;
	v4 =	vadd.f32 v15, v4  }
0x86: {  	v1 =	vmul.f32 v9, v1;
	[tilespmem:s21+$0x4010] =	vst v63;
	v5 =	vmax.f32 v5, $0.0e+00;
	v3 =	vadd.f32 v14, v3  }
0x87: {  	v0 =	vmul.f32 v8, v0;
	[tilespmem:s21+$0x4020] =	vst v5;
	v4 =	vmax.f32 v4, $0.0e+00;
	v2 =	vadd.f32 v7, v2  }
0x88: {  	v1 =	vadd.f32 v61, v1;
	[tilespmem:s21+$0x4030] =	vst v4;
	v3 =	vmax.f32 v3, $0.0e+00  }
0x89: {  	v0 =	vadd.f32 v62, v0;
	[tilespmem:s21+$0x4040] =	vst v3;
	v2 =	vmax.f32 v2, $0.0e+00  }
0x8a: {  	s20 =	sadd.s32 $0x1, s20;
	v1 =	vmax.f32 v1, $0.0e+00;
	[tilespmem:s21+$0x4050] =	vst v2  }
0x8b: {  	p0 =	sne.s32 s20, s12;
	v0 =	vmax.f32 v0, $0.0e+00;
	[tilespmem:s21+$0x4060] =	vst v1  }
.Ltmp3:
0x8c: {  	[tilespmem:s21+$0x4070] =	vst v0;
	(pc) =	sbr.rel @p0 .LBB2_1-.Ltmp3, $4  }
0x8d: {  	[hbm4b:s11+s3] =	stream.linear.scatter [tilespmem:s17], [sflag:$0x2], $0x800, $0x38;
	[tilespmem:$0x8180] =	vst v63  }
0x8e: {  	_ =	swait.ge [sflag:s14], $0x800  }
0x8f: {  	[sflag:s14] =	ssyncset.done $0x0  }
0x90: {  	[sflag:s14] =	ssyncadd.s32 $0xFFFFF800  }
0x91: {  	_ =	sfence.sel $0x180000  }
0x92: {  	[bflag:$0x0] =	sbarrier.arrive $0xFFFF  }
0x93: {  	p0 =	sne.s32 s2, $0x0;
	_ =	strace $0x9000004A  }
0x94: {  	s0 =	sadd.s32 @!p0 $0x100000, s0;
	[bflag:$0x2] =	sbarrier.arrive $0xFFFF  }
0x95: {  	[sflag:s0] =	ssyncadd.tile.s32 @!p0 $0x1;
	_ =	shalt  }
.Lfunc_end2:
_tile_overlayer_lowered:
.L_overlay_start_2:
0x96: {  	(tag) =	ssettag $0x2  }
0x97: {  	s0 =	rddreg [dreg:$0x0];
	s2 =	stileid.u32  }
0x98: {  	s1 =	rddreg [dreg:$0x1];
	p0 =	sne.s32 s2, $0x0  }
0x99: {  	s3 =	rddreg [dreg:$0x2];
	[bflag:$0x3] =	sbarrier.arrive $0xFFFF;
	s2 =	simm.s32 @!p0 $0x1C02  }
0x9a: {  	[timem:s3], [sflag:s2] =	dma.local @!p0 [hbm:s0], s1  }
0x9b: {  	s0 =	simm.s32 @!p0 $0x2  }
0x9c: {  	_ =	swait.ge @!p0 [sflag:s0], s1  }
0x9d: {  	s1 =	ssub.s32 @!p0 $0x0, s1;
	[sflag:s0] =	ssyncset.done @!p0 $0x0  }
0x9e: {  	[sflag:s0] =	ssyncadd.s32 @!p0 s1  }
0x9f: {  	[bflag:$0x3] =	sbarrier.arrive $0xFFFF  }
0xa0: {  	_ =	shalt  }

// kernel: kernel.8.cloned.1.call-start
scs
__scs_entry_jumppad:
0x0: {  	(pc) =	sbr.rel $0x88, $3  }
0x1: {  	(tag) =	ssettag $0x0;
	lr =	simm.s32 $0x1  }
0x2: {  	[smem:$0x3F92] =	sst lr;
	_ =	strace $0xD0000000  }
0x3: {  	_ = 	snop  }
0x4: {  	_ = 	snop  }
0x5: {  	_ = 	snop  }
0x6: {  	_ = 	snop  }
0x7: {  	_ = 	snop  }
__scs_overlays_trampoline_lowered:
0x8: {  	[smem:$0x3FA1] =	sst s0  }
0x9: {  	[smem:$0x3FA2] =	sst s1  }
0xa: {  	[smem:$0x3FA3] =	sst s2  }
0xb: {  	[smem:$0x3FA4] =	sst s3  }
0xc: {  	[smem:$0x3FA5] =	sst s4  }
0xd: {  	[smem:$0x3FA6] =	sst s5  }
0xe: {  	[smem:$0x3FA7] =	sst s6  }
0xf: {  	[smem:$0x3FA8] =	sst s7  }
0x10: {  	[smem:$0x3FA9] =	sst s8  }
0x11: {  	[smem:$0x3FAA] =	sst s9;
	s0 =	simm.s32 @!p0 $0x0  }
0x12: {  	s1 =	sld [smem:$0x3F90];
	s0 =	simm.s32 @p0 $0x1  }
0x13: {  	[smem:$0x3FAB] =	sst s0;
	s0 =	simm.s32 @!p1 $0x0  }
0x14: {  	s2 =	sld [smem:$0x3F8F];
	s0 =	simm.s32 @p1 $0x1  }
0x15: {  	[smem:$0x3FAC] =	sst s0;
	s0 =	simm.s32 @!p2 $0x0  }
0x16: {  	s3 =	sld [smem:$0x3FDB];
	s0 =	simm.s32 @p2 $0x1  }
0x17: {  	s4 =	simm.s32 $0x1BF5;
	[smem:$0x3FAE] =	sst s0  }
0x18: {  	s0 =	sld [smem:$0x3F91];
	_ =	swait.ge [sflag:s4], $0x0  }
0x19: {  	s7 =	sld [smem:$0x3F92]  }
0x1a: {  	s8 =	sadd.s32 $0xFFFFE003, lr  }
0x1b: {  	s9 =	sadd.s32 $0xFFFFFEF7, lr;
	s5 =	simm.s32 $0xFFFFFFFF;
	p2 =	slt.u32 s8, $0xFFFFF086  }
0x1c: {  	p1 =	slt.u32 s9, $0xF7A;
	s5 =	simm.s32 @!p2 $0x0  }
0x1d: {  	s5 =	simm.s32 @p1 $0x1;
	p0 =	seq.s32 s7, s2  }
0x1e: {  	s7 =	smul.u32 @!p0 $0xF7A, s2;
	p2 =	seq.s32 @!p0 s5, $0x0  }
0x1f: {  	s9 =	smul.u32 $0xF7A, s1;
	s8 =	simm.s32 @!p0 $0x1BF5;
	p2 =	por !p2, p0  }
0x20: {  	[sflag:s8] =	ssyncset.s32 @!p0 $0xFFFFF086;
	s6 =	sadd.s32 @!p0 s3, s7;
	s7 =	simm.s32 @!p0 $0x108  }
0x21: {  	s3 =	sadd.s32 s3, s9;
	s6 =	sadd.s32 @!p0 $0x88, s6;
	s7 =	simm.s32 @p2 $0x1082  }
0x22: {  	[simem:s7], [sflag:s8] =	dma.local @!p0 [hbm:s6], $0xF7A  }
0x23: {  	s9 =	sor.u32 $0xD0000000, s2;
	s6 =	simm.s32 $0x108;
	_ =	swait.ge @!p0 [sflag:s8], $0x0  }
0x24: {  	s3 =	sadd.s32 $0x88, s3;
	s6 =	simm.s32 @!p1 $0x1082;
	[sflag:s4] =	ssyncset.s32 $0xFFFFF086  }
0x25: {  	[simem:s6], [sflag:s4] =	dma.local [hbm:s3], $0xF7A  }
0x26: {  	[smem:$0x3F92] =	sst s1;
	(tag) =	ssettag s2;
	_ =	strace s9  }
0x27: {  	s1 =	sld [smem:$0x3FA2]  }
0x28: {  	s2 =	sld [smem:$0x3FA3]  }
0x29: {  	s4 =	sld [smem:$0x3FA5]  }
0x2a: {  	p0 =	seq.s32 s5, $0x0;
	s5 =	sld [smem:$0x3FA6]  }
0x2b: {  	s6 =	sld [smem:$0x3FA7]  }
0x2c: {  	s7 =	sld [smem:$0x3FA8]  }
0x2d: {  	s3 =	simm.s32 $0x108;
	s8 =	sld [smem:$0x3FA9]  }
0x2e: {  	s3 =	simm.s32 @!p0 $0x1082;
	s9 =	sld [smem:$0x3FAA]  }
0x2f: {  	lr =	sadd.s32 s0, s3;
	s0 =	sld [smem:$0x3FA1]  }
0x30: {  	s3 =	sld [smem:$0x3FA4]  }
0x31: {  	[smem:$0x3FAD] =	sst s10  }
0x32: {  	s10 =	sld [smem:$0x3FAB];
	_ =	sdelay $0x3  }
0x33: {  	p0 =	seq.s32 s10, $0x1;
	s10 =	sld [smem:$0x3FAD];
	_ =	sdelay $0x3  }
0x34: {  	[smem:$0x3FAD] =	sst s10  }
0x35: {  	s10 =	sld [smem:$0x3FAC];
	_ =	sdelay $0x3  }
0x36: {  	p1 =	seq.s32 s10, $0x1;
	s10 =	sld [smem:$0x3FAD];
	_ =	sdelay $0x3  }
0x37: {  	[smem:$0x3FAD] =	sst s10  }
0x38: {  	s10 =	sld [smem:$0x3FAE]  }
0x39: {  	_ = 	snop;
	(pc) =	sbr.ind lr, $3  }
0x3a: {  	_ = 	snop  }
0x3b: {  	_ = 	snop  }
0x3c: {  	p2 =	seq.s32 s10, $0x1;
	s10 =	sld [smem:$0x3FAD]  }
0x3d: {  	_ =	shalt  }
0x3e: {  	_ =	shalt  }
0x3f: {  	_ =	shalt  }
0x40: {  	_ =	shalt  }
0x41: {  	_ =	shalt  }
0x42: {  	_ =	shalt  }
0x43: {  	_ =	shalt  }
0x44: {  	_ =	shalt  }
0x45: {  	_ =	shalt  }
0x46: {  	_ =	shalt  }
0x47: {  	_ =	shalt  }
0x48: {  	_ =	shalt  }
0x49: {  	_ =	shalt  }
0x4a: {  	_ =	shalt  }
0x4b: {  	_ =	shalt  }
0x4c: {  	_ =	shalt  }
0x4d: {  	_ =	shalt  }
0x4e: {  	_ =	shalt  }
0x4f: {  	_ =	shalt  }
0x50: {  	_ =	shalt  }
0x51: {  	_ =	shalt  }
0x52: {  	_ =	shalt  }
0x53: {  	_ =	shalt  }
0x54: {  	_ =	shalt  }
0x55: {  	_ =	shalt  }
0x56: {  	_ =	shalt  }
0x57: {  	_ =	shalt  }
0x58: {  	_ =	shalt  }
0x59: {  	_ =	shalt  }
0x5a: {  	_ =	shalt  }
0x5b: {  	_ =	shalt  }
0x5c: {  	_ =	shalt  }
0x5d: {  	_ =	shalt  }
0x5e: {  	_ =	shalt  }
0x5f: {  	_ =	shalt  }
0x60: {  	_ =	shalt  }
0x61: {  	_ =	shalt  }
0x62: {  	_ =	shalt  }
0x63: {  	_ =	shalt  }
0x64: {  	_ =	shalt  }
0x65: {  	_ =	shalt  }
0x66: {  	_ =	shalt  }
0x67: {  	_ =	shalt  }
0x68: {  	_ =	shalt  }
0x69: {  	_ =	shalt  }
0x6a: {  	_ =	shalt  }
0x6b: {  	_ =	shalt  }
0x6c: {  	_ =	shalt  }
0x6d: {  	_ =	shalt  }
0x6e: {  	_ =	shalt  }
0x6f: {  	_ =	shalt  }
0x70: {  	_ =	shalt  }
0x71: {  	_ =	shalt  }
0x72: {  	_ =	shalt  }
0x73: {  	_ =	shalt  }
0x74: {  	_ =	shalt  }
0x75: {  	_ =	shalt  }
0x76: {  	_ =	shalt  }
0x77: {  	_ =	shalt  }
0x78: {  	_ =	shalt  }
0x79: {  	_ =	shalt  }
0x7a: {  	_ =	shalt  }
0x7b: {  	_ =	shalt  }
0x7c: {  	_ =	shalt  }
0x7d: {  	_ =	shalt  }
0x7e: {  	_ =	shalt  }
0x7f: {  	_ =	shalt  }
0x80: {  	_ =	shalt  }
0x81: {  	_ =	shalt  }
0x82: {  	_ =	shalt  }
0x83: {  	_ =	shalt  }
0x84: {  	_ =	shalt  }
0x85: {  	_ =	shalt  }
0x86: {  	_ =	shalt  }
0x87: {  	_ =	shalt  }
.Lfunc_end0:
.L_simem_size_0:
called_computation.2_lowered:
.L_overlay_start_0:
0x88: {  	s2 =	sld [smem:$0x3FD9]  }
0x89: {  	s3 =	sld [smem:$0x3FFE];
	_ =	sdelay $0x1  }
0x8a: {  	s1 =	srdreg.scid  }
0x8b: {  	s0 =	sand.u32 $0x1, s1  }
0x8c: {  	s17 =	sshll.u32 s0, $0xA;
	s2 =	sadd.s32 s3, s2  }
0x8d: {  	s2 =	sadd.s32 s2, s17  }
0x8e: {  	[smem:$0x3FB9] =	sst s2  }
0x8f: {  	_ = 	snop  }
0x90: {  	s2 =	sld [smem:$0x3FD0];
	(tm) =	ssettm $0x1  }
0x91: {  	s18 =	sld [smem:$0x3FFB];
	_ =	sdelay $0x3  }
0x92: {  	_ =	strace s18  }
0x93: {  	s3 =	sld [smem:$0x3FFC];
	_ =	sdelay $0x3  }
0x94: {  	_ =	strace s3  }
0x95: {  	s3 =	sld [smem:$0x3FFD];
	_ =	sdelay $0x3  }
0x96: {  	_ =	strace s3  }
0x97: {  	_ =	strace $0x8FFFFFFF  }
0x98: {  	s19 =	sld [smem:$0x3FDB];
	_ =	sdelay $0x1  }
0x99: {  	s4 =	simm.s32 $_scs_section_size  }
0x9a: {  	s5 =	simm.s32 $_size__tile_overlayer_lowered;
	s6 =	simm.s32 $_tile_overlayer_lowered  }
0x9b: {  	s22 =	simm.s32 $0x1BFF;
	s21 =	sshll.u32 s6, $0x1;
	s3 =	sadd.s32 s4, s19  }
0x9c: {  	s7 =	simm.s32 $0x0;
	s20 =	sshll.u32 s5, $0x1;
	s5 =	sadd.s32 s21, s3  }
0x9d: {  	[timem:s7], [sflag:s22] =	dma.local [hbm:s5], s20  }
0x9e: {  	_ =	swait.ge [sflag:s22], s20  }
0x9f: {  	s4 =	ssub.s32 $0x0, s20;
	[sflag:s22] =	ssyncset.done $0x0  }
0xa0: {  	[sflag:s22] =	ssyncadd.s32 s4;
	_ =	sdelay $0x1  }
0xa1: {  	s23 =	simm.s32 $0x1B8B  }
0xa2: {  	_ =	swait.ge [sflag:s23], $0x1  }
0xa3: {  	[sflag:s23] =	ssyncset.done $0x0  }
0xa4: {  	s25 =	simm.s32 $0x1B8E;
	s24 =	sld [smem:$0x3FFE];
	[sflag:s23] =	ssyncadd.s32 $0xFFFFFFFF  }
0xa5: {  	s26 =	simm.s32 $execute0_lowered;
	[smem:$0x3FD2] =	sst s25  }
0xa6: {  	s5 =	sshll.u32 s26, $0x1;
	_ =	strace $0x80000046;
	[dreg:$0x1] =	wrdreg $0xFFFFFFFF  }
0xa7: {  	s28 =	simm.s32 $_size_execute0_lowered;
	s3 =	sadd.s32 s3, s5;
	[dreg:$0x0] =	wrdreg $0x0  }
0xa8: {  	s5 =	sshll.u32 s28, $0x1;
	[dreg:$0x2] =	wrdreg s3  }
0xa9: {  	[dreg:$0x3] =	wrdreg s5  }
0xaa: {  	[dreg:$0x4] =	wrdreg $0xC0  }
0xab: {  	_ =	task [dreg:s7], $0x5FFFF  }
0xac: {  	[dreg:$0x1] =	wrdreg $0xFFFFFFFF  }
0xad: {  	[dreg:$0x0] =	wrdreg $0x60  }
0xae: {  	[dreg:$0x2] =	wrdreg s24  }
0xaf: {  	[dreg:$0x3] =	wrdreg s2  }
0xb0: {  	[dreg:$0x4] =	wrdreg $0x9  }
0xb1: {  	_ =	task.clear_ibuf [dreg:s7], $0x5FFFF;
	_ =	strace $0x90000046  }
0xb2: {  	s29 =	simm.s32 $0x9;
	_ =	strace $0x80000048  }
0xb3: {  	_ =	swait.ge [sflag:s29], $0x1  }
0xb4: {  	[sflag:s29] =	ssyncadd.s32 $0xFFFFFFFF  }
0xb5: {  	_ =	strace $0x90000048  }
0xb6: {  	_ =	sfence  }
0xb7: {  	s30 =	sld [smem:$0x0];
	_ =	sdelay $0x2  }
0xb8: {  	s31 =	sshll.u32 s1, $0xD;
	s1 =	sshrl.u32 s1, $0x2  }
0xb9: {  	s3 =	sand.u32 $0x4000, s31;
	s1 =	sadd.s32 s1, s30  }
0xba: {  	s0 =	sor.u32 s3, s0;
	s1 =	sshll.u32 s1, $0x11  }
0xbb: {  	s0 =	sor.u32 s1, s0  }
0xbc: {  	s0 =	sadd.s32 $0x8F2B, s0  }
0xbd: {  	[sflag:s0] =	ssyncadd.remote.s32 $0x1  }
0xbe: {  	_ =	sfence.sel $0xFFFF  }
0xbf: {  	[dreg:$0x0] =	wrdreg $0xFFFFFFFF;
	(pc) =	sbr.abs _section_cstart, $3  }
0xc0: {  	[dreg:$0x1] =	wrdreg $0xFFFFFFFF  }
0xc1: {  	_ =	task.clear_ibuf [dreg:s7], $0x2FFFF;
	_ =	strace $0x9FFFFFFF  }
0xc2: {  	(tm) =	ssettm $0x7FFFFFFF  }
0xc3: {  	_ =	shalt  }
tec
execute0_lowered:
.L_overlay_start_1:
0x0: {  	(tag) =	ssettag $0x1  }
0x1: {  	s7 =	rddreg [dreg:$0x0]  }
0x2: {  	s1 =	rddreg [dreg:$0x1]  }
0x3: {  	s0 =	rddreg [dreg:$0x2]  }
0x4: {  	s2 =	simm.s32 $0x0;
	s3 =	srdreg.scid;
	s13 =	simm.s32 $0x80  }
0x5: {  	s14 =	simm.s32 $0x4000;
	s15 =	simm.s32 $0x1;
	s16 =	simm.s32 $0x10  }
0x6: {  	s17 =	simm.s32 $0x400;
	s18 =	simm.s32 $0x8100;
	s22 =	simm.s32 $0x0  }
0x7: {  	[smem:$0x7FF] =	sst s2;
	s6 =	sand.u32 $0x1, s3;
	s4 =	sadd.s32 $0x15400, s7  }
0x8: {  	s3 =	stileid.u32;
	s5 =	sadd.s32 $0xB600, s7;
	s8 =	sshll.u32 s6, $0x4  }
0x9: {  	_ =	strace $0x80000047;
	s9 =	sshll.u32 s3, $0x4;
	s8 =	sor.u32 s3, s8  }
0xa: {  	s10 =	ssub.s32 $0x2, s6;
	s9 =	sand.u32 $0x70, s9;
	s6 =	smul.u32 $0x2710, s8  }
0xb: {  	s30 =	sshrl.u32 s10, $0x1;
	s7 =	sadd.s32 s9, s7;
	s8 =	sshll.u32 s8, $0x5  }
0xc: {  	s10 =	ssub.s32 s10, s30;
	s8 =	sand.u32 $0x300, s8;
	s31 =	sadd.s32 $0x2700, s6  }
0xd: {  	s10 =	smax.u32 s10, $0x1;
	s11 =	sshrl.u32 s31, $0x3;
	s9 =	sshll.u32 s31, $0x4  }
0xe: {  	s12 =	sadd.s32 s8, s7;
	s7 =	sadd.s32 s5, s11;
	s8 =	sadd.s32 s4, s9  }
0xf: {  	s9 =	sadd.s32 $0x4F7400, s12;
	s11 =	simm.s32 $0x8000;
	s12 =	simm.s32 $0x2  }
.LBB2_1:
0x10: {  	v0 =	vimm.f32 $0.0e+00  }
0x11: {  	v9 =	vimm.f32 $0.0e+00;
	v2 =	vimm.f32 $0.0e+00;
	v4 =	vimm.f32 $0.0e+00  }
0x12: {  	v5 =	vimm.f32 $0.0e+00;
	v10 =	vimm.f32 $0.0e+00;
	v11 =	vimm.f32 $0.0e+00  }
0x13: {  	v12 =	vimm.f32 $0.0e+00;
	v8 =	vimm.f32 $0.0e+00;
	v1 =	vimm.f32 $0.0e+00  }
0x14: {  	v3 =	vimm.f32 $0.0e+00;
	v6 =	vimm.f32 $0.0e+00;
	v7 =	vimm.f32 $0.0e+00  }
0x15: {  	v14 =	vimm.f32 $0.0e+00;
	v13 =	vimm.f32 $0.0e+00;
	v15 =	vimm.f32 $0.0e+00;
	s19 =	simm.s32 $0x0  }
.LBB2_2:
0x16: {  	s20 =	sshll.u32 s19, $0x7  }
0x17: {  	s20 =	sadd.s32 s6, s20  }
0x18: {  	s21 =	sshrl.u32 s20, $0x3  }
0x19: {  	s21 =	sadd.s32 s5, s21  }
0x1a: {  	[tilespmem:s11], [sflag:$0x2] =	stream.linear.gather [hbm4b:s21+s22], $0x80, $0x38;
	[tilespmem:$0x8200] =	vst v63  }
0x1b: {  	_ =	swait.ge [sflag:s12], $0x80  }
0x1c: {  	[sflag:s12] =	ssyncset.done $0x0  }
0x1d: {  	s20 =	sshll.u32 s20, $0x4;
	[sflag:s12] =	ssyncadd.s32 $0xFFFFFF80  }
0x1e: {  	[tilespmem:s14], [sflag:$0x1] =	stream.indirect.gather [hbm4b:s1+s13], $0x80, s11, s13, $0xb8;
	[tilespmem:$0x8200] =	vst v63  }
0x1f: {  	s20 =	sadd.s32 s4, s20  }
0x20: {  	[tilespmem:s22], [sflag:$0x2] =	stream.linear.gather [hbm4b:s20+s22], $0x4000, $0x38;
	[tilespmem:$0x8200] =	vst v63  }
0x21: {  	_ =	swait.ge [sflag:s12], $0x4000  }
0x22: {  	[sflag:s12] =	ssyncset.done $0x0  }
0x23: {  	[sflag:s12] =	ssyncadd.s32 $0xFFFFC000  }
0x24: {  	_ =	swait.ge [sflag:s15], $0x4000  }
0x25: {  	[sflag:s15] =	ssyncset.done $0x0  }
0x26: {  	s31 =	simm.s32 $0x0;
	[sflag:s15] =	ssyncadd.s32 $0xFFFFC000  }
0x27: {  	v16 =	vld [tilespmem:s31+$0x70]  }
0x28: {  	v17 =	vld [tilespmem:s31+$0x4070]  }
0x29: {  	v18 =	vld [tilespmem:s31+$0x0]  }
0x2a: {  	v19 =	vld [tilespmem:s31+$0x4000]  }
0x2b: {  	v20 =	vld [tilespmem:s31+$0x10]  }
0x2c: {  	v21 =	vld [tilespmem:s31+$0x4010]  }
0x2d: {  	v22 =	vld [tilespmem:s31+$0x20]  }
0x2e: {  	v23 =	vld [tilespmem:s31+$0x4020]  }
0x2f: {  	v24 =	vld [tilespmem:s31+$0x4030]  }
0x30: {  	v25 =	vld [tilespmem:s31+$0x40]  }
0x31: {  	v16 =	vadd.f32 v17, v16;
	v17 =	vld [tilespmem:s31+$0x30]  }
0x32: {  	v27 =	vld [tilespmem:s31+$0x4040];
	v18 =	vadd.f32 v19, v18  }
0x33: {  	v20 =	vadd.f32 v21, v20;
	v22 =	vadd.f32 v23, v22;
	v19 =	vmul.f32 v16, v16  }
0x34: {  	v8 =	vadd.f32 v16, v8;
	v26 =	vmul.f32 v18, v18;
	v16 =	vld [tilespmem:s31+$0x50];
	v15 =	vadd.f32 v18, v15  }
0x35: {  	v23 =	vmul.f32 v20, v20;
	v13 =	vadd.f32 v20, v13;
	v9 =	vadd.f32 v19, v9;
	v19 =	vld [tilespmem:s31+$0x4050]  }
0x36: {  	v63 =	vmul.f32 v22, v22;
	v18 =	vld [tilespmem:s31+$0x60];
	v14 =	vadd.f32 v22, v14;
	v21 =	vadd.f32 v24, v17  }
0x37: {  	s20 =	simm.s32 $0x80;
	v20 =	vld [tilespmem:s31+$0x4060];
	v22 =	vadd.f32 v27, v25;
	v12 =	vadd.f32 v26, v12  }
0x38: {  	s21 =	simm.s32 $0x400;
	v11 =	vadd.f32 v23, v11;
	v10 =	vadd.f32 v63, v10;
	v17 =	vld [tilespmem:s20+$0x70];
	v23 =	vmul.f32 v21, v21  }
.LBB2_3:
0x39: {  	p0 =	sne.s32 s21, $0xFE00;
	v24 =	vld [tilespmem:s20+$0x4070];
	v7 =	vadd.f32 v21, v7  }
0x3a: {  	v21 =	vld [tilespmem:s20+$0x0];
	v5 =	vadd.f32 v23, v5;
	v23 =	vmul.f32 v22, v22;
	v16 =	vadd.f32 v19, v16  }
0x3b: {  	v6 =	vadd.f32 v22, v6;
	v19 =	vld [tilespmem:s20+$0x4000]  }
0x3c: {  	v22 =	vld [tilespmem:s20+$0x10];
	v4 =	vadd.f32 v23, v4;
	v23 =	vmul.f32 v16, v16;
	v18 =	vadd.f32 v20, v18  }
0x3d: {  	v3 =	vadd.f32 v16, v3;
	v20 =	vld [tilespmem:s20+$0x4010]  }
0x3e: {  	v16 =	vld [tilespmem:s20+$0x20];
	v17 =	vadd.f32 v24, v17;
	v2 =	vadd.f32 v23, v2;
	v23 =	vmul.f32 v18, v18  }
0x3f: {  	v1 =	vadd.f32 v18, v1;
	v24 =	vld [tilespmem:s20+$0x4020]  }
0x40: {  	v18 =	vadd.f32 v19, v21;
	v21 =	vld [tilespmem:s20+$0x30];
	v19 =	vmul.f32 v17, v17;
	v0 =	vadd.f32 v23, v0  }
0x41: {  	v8 =	vadd.f32 v17, v8;
	v23 =	vld [tilespmem:s20+$0x4030]  }
0x42: {  	v17 =	vmul.f32 v18, v18;
	v20 =	vadd.f32 v20, v22;
	v22 =	vld [tilespmem:s20+$0x40];
	v9 =	vadd.f32 v19, v9  }
0x43: {  	v15 =	vadd.f32 v18, v15;
	v25 =	vld [tilespmem:s20+$0x4040]  }
.Ltmp0:
0x44: {  	v12 =	vadd.f32 v17, v12;
	v17 =	vmul.f32 v20, v20;
	v24 =	vadd.f32 v24, v16;
	v16 =	vld [tilespmem:s20+$0x50];
	(pc) =	sbr.rel @p0 .LBB2_3-.Ltmp0, $4  }
0x45: {  	v13 =	vadd.f32 v20, v13;
	v19 =	vld [tilespmem:s20+$0x4050]  }
0x46: {  	v11 =	vadd.f32 v17, v11;
	v26 =	vmul.f32 v24, v24;
	v21 =	vadd.f32 v23, v21;
	v18 =	vld [tilespmem:s20+$0x60]  }
0x47: {  	v14 =	vadd.f32 v24, v14;
	v20 =	vld [tilespmem:s20+$0x4060];
	s20 =	sshra.s32 s21, $0x2  }
0x48: {  	s21 =	sadd.s32 $0x200, s21;
	v17 =	vld [tilespmem:s20+$0x70];
	v10 =	vadd.f32 v26, v10;
	v23 =	vmul.f32 v21, v21;
	v22 =	vadd.f32 v25, v22  }
0x49: {  	v24 =	vld [tilespmem:s20+$0x4070]  }
0x4a: {  	v25 =	vld [tilespmem:s20+$0x0]  }
0x4b: {  	v26 =	vld [tilespmem:s20+$0x4000]  }
0x4c: {  	v27 =	vld [tilespmem:s20+$0x10]  }
0x4d: {  	v28 =	vld [tilespmem:s20+$0x4010]  }
0x4e: {  	v29 =	vld [tilespmem:s20+$0x20]  }
0x4f: {  	v48 =	vld [tilespmem:s20+$0x30]  }
0x50: {  	v49 =	vld [tilespmem:s20+$0x4030]  }
0x51: {  	v7 =	vadd.f32 v21, v7;
	v51 =	vld [tilespmem:s20+$0x40];
	v47 =	vmul.f32 v22, v22;
	v16 =	vadd.f32 v19, v16  }
0x52: {  	v52 =	vld [tilespmem:s20+$0x4040];
	v5 =	vadd.f32 v23, v5;
	v6 =	vadd.f32 v22, v6  }
0x53: {  	v57 =	vld [tilespmem:s20+$0x60];
	v18 =	vadd.f32 v20, v18;
	v4 =	vadd.f32 v47, v4;
	v50 =	vmul.f32 v16, v16  }
0x54: {  	v58 =	vld [tilespmem:s20+$0x4060];
	v3 =	vadd.f32 v16, v3;
	v16 =	vadd.f32 v24, v17  }
0x55: {  	v30 =	vld [tilespmem:s20+$0x4020];
	v2 =	vadd.f32 v50, v2;
	v53 =	vadd.f32 v26, v25  }
0x56: {  	v17 =	vmul.f32 v18, v18;
	v1 =	vadd.f32 v18, v1;
	v56 =	vadd.f32 v28, v27  }
0x57: {  	v54 =	vld [tilespmem:s20+$0x50];
	v19 =	vadd.f32 v49, v48;
	v61 =	vadd.f32 v52, v51;
	v55 =	vmul.f32 v16, v16  }
0x58: {  	v0 =	vadd.f32 v17, v0;
	v17 =	vld [tilespmem:s20+$0x4050];
	v8 =	vadd.f32 v16, v8;
	v16 =	vmul.f32 v53, v53  }
0x59: {  	v18 =	vadd.f32 v58, v57;
	v15 =	vadd.f32 v53, v15  }
0x5a: {  	v59 =	vmul.f32 v56, v56;
	v12 =	vadd.f32 v16, v12;
	v16 =	vadd.f32 v30, v29  }
0x5b: {  	s19 =	sadd.s32 $0x1, s19;
	v13 =	vadd.f32 v56, v13;
	v62 =	vmul.f32 v61, v61;
	v7 =	vadd.f32 v19, v7  }
0x5c: {  	p0 =	sne.s32 s19, $0x4E;
	v6 =	vadd.f32 v61, v6;
	v1 =	vadd.f32 v18, v1;
	v60 =	vmul.f32 v16, v16  }
.Ltmp1:
0x5d: {  	v14 =	vadd.f32 v16, v14;
	v16 =	vmul.f32 v19, v19;
	v17 =	vadd.f32 v17, v54;
	(pc) =	sbr.rel @p0 .LBB2_2-.Ltmp1, $4  }
0x5e: {  	v63 =	vmul.f32 v18, v18;
	v9 =	vadd.f32 v55, v9;
	v11 =	vadd.f32 v59, v11  }
0x5f: {  	v4 =	vadd.f32 v62, v4;
	v5 =	vadd.f32 v16, v5;
	v16 =	vmul.f32 v17, v17  }
0x60: {  	v0 =	vadd.f32 v63, v0;
	v10 =	vadd.f32 v60, v10  }
0x61: {  	v3 =	vadd.f32 v17, v3;
	v2 =	vadd.f32 v16, v2  }
0x62: {  	s19 =	simm.s32 $0x0  }
0x63: {  	[tilespmem:s11], [sflag:$0x2] =	stream.linear.gather [hbm4b:s7+s19], $0x10, $0x38;
	[tilespmem:$0x8200] =	vst v63  }
0x64: {  	_ =	swait.ge [sflag:s12], $0x10  }
0x65: {  	[sflag:s12] =	ssyncset.done $0x0  }
0x66: {  	[sflag:s12] =	ssyncadd.s32 $0xFFFFFFF0  }
0x67: {  	[tilespmem:s14], [sflag:$0x1] =	stream.indirect.gather [hbm4b:s1+s16], $0x80, s11, s16, $0xb8;
	[tilespmem:$0x8200] =	vst v63  }
0x68: {  	_ = 	snop  }
0x69: {  	[tilespmem:s19], [sflag:$0x2] =	stream.linear.gather [hbm4b:s8+s19], $0x800, $0x38;
	[tilespmem:$0x8200] =	vst v63  }
0x6a: {  	_ =	swait.ge [sflag:s12], $0x800  }
0x6b: {  	[sflag:s12] =	ssyncset.done $0x0  }
0x6c: {  	[sflag:s12] =	ssyncadd.s32 $0xFFFFF800  }
0x6d: {  	_ =	swait.ge [sflag:s15], $0x800  }
0x6e: {  	[sflag:s15] =	ssyncset.done $0x0  }
0x6f: {  	s20 =	simm.s32 $0x0;
	[sflag:s15] =	ssyncadd.s32 $0xFFFFF800  }
0x70: {  	v16 =	vld [tilespmem:s20+$0x70]  }
0x71: {  	v17 =	vld [tilespmem:s20+$0x4070]  }
0x72: {  	v18 =	vld [tilespmem:s20+$0x0]  }
0x73: {  	v19 =	vld [tilespmem:s20+$0x4000]  }
0x74: {  	v20 =	vld [tilespmem:s20+$0x10]  }
0x75: {  	v21 =	vld [tilespmem:s20+$0x4010]  }
0x76: {  	v22 =	vld [tilespmem:s20+$0x20]  }
0x77: {  	v23 =	vld [tilespmem:s20+$0x4020];
	_ =	sdelay $0x1  }
0x78: {  	v24 =	vld [tilespmem:s20+$0x4030];
	v16 =	vadd.f32 v17, v16  }
0x79: {  	v17 =	vld [tilespmem:s20+$0x30];
	v19 =	vadd.f32 v19, v18  }
0x7a: {  	v25 =	vld [tilespmem:s20+$0x40];
	v21 =	vadd.f32 v21, v20;
	v18 =	vmul.f32 v16, v16  }
0x7b: {  	v27 =	vld [tilespmem:s20+$0x4040];
	v22 =	vadd.f32 v23, v22;
	v8 =	vadd.f32 v16, v8;
	v26 =	vmul.f32 v19, v19  }
0x7c: {  	v20 =	vld [tilespmem:s20+$0x4050];
	v16 =	vadd.f32 v19, v15;
	v19 =	vmul.f32 v21, v21;
	v9 =	vadd.f32 v18, v9  }
0x7d: {  	v18 =	vld [tilespmem:s20+$0x50];
	v15 =	vadd.f32 v26, v12;
	v12 =	vadd.f32 v21, v13  }
0x7e: {  	v23 =	vmul.f32 v22, v22;
	v13 =	vadd.f32 v19, v11;
	v19 =	vld [tilespmem:s20+$0x4060];
	v21 =	vadd.f32 v24, v17  }
0x7f: {  	s19 =	simm.s32 $0x80;
	v11 =	vadd.f32 v22, v14;
	v17 =	vld [tilespmem:s20+$0x60]  }
0x80: {  	v14 =	vld [tilespmem:s19+$0x70];
	v10 =	vadd.f32 v23, v10;
	v22 =	vadd.f32 v27, v25;
	s20 =	simm.s32 $0x400;
	v23 =	vmul.f32 v21, v21  }
.LBB2_6:
0x81: {  	p0 =	sne.s32 s20, $0x1E00;
	v24 =	vld [tilespmem:s19+$0x4070];
	v7 =	vadd.f32 v21, v7  }
0x82: {  	v21 =	vld [tilespmem:s19+$0x0];
	v5 =	vadd.f32 v23, v5;
	v23 =	vmul.f32 v22, v22;
	v18 =	vadd.f32 v20, v18  }
0x83: {  	v6 =	vadd.f32 v22, v6;
	v20 =	vld [tilespmem:s19+$0x4000]  }
0x84: {  	v22 =	vld [tilespmem:s19+$0x10];
	v4 =	vadd.f32 v23, v4;
	v23 =	vmul.f32 v18, v18;
	v17 =	vadd.f32 v19, v17  }
0x85: {  	v3 =	vadd.f32 v18, v3;
	v19 =	vld [tilespmem:s19+$0x4010]  }
0x86: {  	v18 =	vld [tilespmem:s19+$0x20];
	v14 =	vadd.f32 v24, v14;
	v2 =	vadd.f32 v23, v2;
	v23 =	vmul.f32 v17, v17  }
0x87: {  	v1 =	vadd.f32 v17, v1;
	v24 =	vld [tilespmem:s19+$0x4020]  }
0x88: {  	v17 =	vadd.f32 v20, v21;
	v21 =	vld [tilespmem:s19+$0x30];
	v20 =	vmul.f32 v14, v14;
	v0 =	vadd.f32 v23, v0  }
0x89: {  	v8 =	vadd.f32 v14, v8;
	v23 =	vld [tilespmem:s19+$0x4030]  }
0x8a: {  	v14 =	vmul.f32 v17, v17;
	v19 =	vadd.f32 v19, v22;
	v22 =	vld [tilespmem:s19+$0x40];
	v9 =	vadd.f32 v20, v9  }
0x8b: {  	v16 =	vadd.f32 v17, v16;
	v25 =	vld [tilespmem:s19+$0x4040]  }
.Ltmp2:
0x8c: {  	v15 =	vadd.f32 v14, v15;
	v14 =	vmul.f32 v19, v19;
	v24 =	vadd.f32 v24, v18;
	v18 =	vld [tilespmem:s19+$0x50];
	(pc) =	sbr.rel @p0 .LBB2_6-.Ltmp2, $4  }
0x8d: {  	v12 =	vadd.f32 v19, v12;
	v20 =	vld [tilespmem:s19+$0x4050]  }
0x8e: {  	v13 =	vadd.f32 v14, v13;
	v26 =	vmul.f32 v24, v24;
	v21 =	vadd.f32 v23, v21;
	v17 =	vld [tilespmem:s19+$0x60]  }
0x8f: {  	v11 =	vadd.f32 v24, v11;
	v19 =	vld [tilespmem:s19+$0x4060];
	s19 =	sshra.s32 s20, $0x2  }
0x90: {  	s20 =	sadd.s32 $0x200, s20;
	v14 =	vld [tilespmem:s19+$0x70];
	v10 =	vadd.f32 v26, v10;
	v23 =	vmul.f32 v21, v21;
	v22 =	vadd.f32 v25, v22  }
0x91: {  	v25 =	vld [tilespmem:s19+$0x0]  }
0x92: {  	v26 =	vld [tilespmem:s19+$0x4000]  }
0x93: {  	v27 =	vld [tilespmem:s19+$0x10]  }
0x94: {  	v28 =	vld [tilespmem:s19+$0x4010]  }
0x95: {  	v29 =	vld [tilespmem:s19+$0x20]  }
0x96: {  	v30 =	vld [tilespmem:s19+$0x4020]  }
0x97: {  	v31 =	vld [tilespmem:s19+$0x30]  }
0x98: {  	v32 =	vld [tilespmem:s19+$0x4030]  }
0x99: {  	v33 =	vld [tilespmem:s19+$0x40]  }
0x9a: {  	v40 =	vld [tilespmem:s19+$0x4040]  }
0x9b: {  	v42 =	vld [tilespmem:s19+$0x50]  }
0x9c: {  	v7 =	vadd.f32 v21, v7;
	v45 =	vld [tilespmem:s19+$0x4050];
	v18 =	vadd.f32 v20, v18  }
0x9d: {  	v46 =	vld [tilespmem:s19+$0x60];
	v6 =	vadd.f32 v22, v6;
	v17 =	vadd.f32 v19, v17  }
0x9e: {  	v49 =	vld [tilespmem:s19+$0x4060];
	v3 =	vadd.f32 v18, v3;
	v39 =	vadd.f32 v26, v25  }
0x9f: {  	v44 =	vadd.f32 v28, v27;
	v48 =	vadd.f32 v30, v29  }
0xa0: {  	v24 =	vld [tilespmem:s19+$0x4070];
	v50 =	vadd.f32 v32, v31;
	v16 =	vadd.f32 v39, v16  }
0xa1: {  	v53 =	vadd.f32 v40, v33;
	v12 =	vadd.f32 v44, v12  }
0xa2: {  	v56 =	vadd.f32 v45, v42;
	v11 =	vadd.f32 v48, v11;
	[tilespmem:$0x8100] =	vst v16  }
0xa3: {  	v59 =	vadd.f32 v49, v46;
	v7 =	vadd.f32 v50, v7;
	[tilespmem:$0x8110] =	vst v12  }
0xa4: {  	v1 =	vadd.f32 v17, v1;
	v6 =	vadd.f32 v53, v6;
	[tilespmem:$0x8120] =	vst v11  }
0xa5: {  	v14 =	vadd.f32 v24, v14;
	v3 =	vadd.f32 v56, v3;
	[tilespmem:$0x8130] =	vst v7  }
0xa6: {  	v41 =	vmul.f32 v22, v22;
	v43 =	vmul.f32 v39, v39;
	v1 =	vadd.f32 v59, v1;
	[tilespmem:$0x8140] =	vst v6  }
0xa7: {  	v5 =	vadd.f32 v23, v5;
	v47 =	vmul.f32 v44, v44;
	v62 =	vadd.f32 v14, v8;
	[tilespmem:$0x8150] =	vst v3  }
0xa8: {  	v4 =	vadd.f32 v41, v4;
	v51 =	vmul.f32 v48, v48;
	v15 =	vadd.f32 v43, v15;
	[tilespmem:$0x8160] =	vst v1  }
0xa9: {  	v54 =	vmul.f32 v18, v18;
	v52 =	vmul.f32 v50, v50;
	v13 =	vadd.f32 v47, v13;
	[tilespmem:$0x8170] =	vst v62  }
0xaa: {  	v57 =	vmul.f32 v17, v17;
	v55 =	vmul.f32 v53, v53;
	v10 =	vadd.f32 v51, v10;
	[tilespmem:$0x8180] =	vst v15  }
0xab: {  	v2 =	vadd.f32 v54, v2;
	v58 =	vmul.f32 v56, v56;
	v5 =	vadd.f32 v52, v5;
	[tilespmem:$0x8190] =	vst v13  }
0xac: {  	v0 =	vadd.f32 v57, v0;
	v60 =	vmul.f32 v59, v59;
	v4 =	vadd.f32 v55, v4;
	[tilespmem:$0x81A0] =	vst v10  }
0xad: {  	v61 =	vmul.f32 v14, v14;
	v2 =	vadd.f32 v58, v2;
	[tilespmem:$0x81B0] =	vst v5  }
0xae: {  	v0 =	vadd.f32 v60, v0;
	[tilespmem:$0x81C0] =	vst v4  }
0xaf: {  	s2 =	sadd.s32 $0x1, s2;
	v63 =	vadd.f32 v61, v9;
	[tilespmem:$0x81D0] =	vst v2  }
0xb0: {  	p0 =	sne.s32 s2, s10;
	[tilespmem:$0x81E0] =	vst v0  }
.Ltmp3:
0xb1: {  	[tilespmem:$0x81F0] =	vst v63;
	(pc) =	sbr.rel @p0 .LBB2_1-.Ltmp3, $4  }
0xb2: {  	[hbm4b:s9+s13] =	stream.strided.scatter [tilespmem:s18], [sflag:$0x2], $0x100, s17, s13, $0x38;
	[tilespmem:$0x8200] =	vst v63  }
0xb3: {  	_ =	swait.ge [sflag:s12], $0x100  }
0xb4: {  	[sflag:s12] =	ssyncset.done $0x0  }
0xb5: {  	[sflag:s12] =	ssyncadd.s32 $0xFFFFFF00  }
0xb6: {  	_ =	sfence.sel $0x180000  }
0xb7: {  	[bflag:$0x0] =	sbarrier.arrive $0xFFFF  }
0xb8: {  	p0 =	sne.s32 s3, $0x0;
	_ =	strace $0x90000047  }
0xb9: {  	s0 =	sadd.s32 @!p0 $0x100000, s0;
	[bflag:$0x2] =	sbarrier.arrive $0xFFFF  }
0xba: {  	[sflag:s0] =	ssyncadd.tile.s32 @!p0 $0x1;
	_ =	shalt  }
.Lfunc_end2:
_tile_overlayer_lowered:
.L_overlay_start_2:
0xbb: {  	(tag) =	ssettag $0x2  }
0xbc: {  	s0 =	rddreg [dreg:$0x0];
	s2 =	stileid.u32  }
0xbd: {  	s1 =	rddreg [dreg:$0x1];
	p0 =	sne.s32 s2, $0x0  }
0xbe: {  	s3 =	rddreg [dreg:$0x2];
	[bflag:$0x3] =	sbarrier.arrive $0xFFFF;
	s2 =	simm.s32 @!p0 $0x1C02  }
0xbf: {  	[timem:s3], [sflag:s2] =	dma.local @!p0 [hbm:s0], s1  }
0xc0: {  	s0 =	simm.s32 @!p0 $0x2  }
0xc1: {  	_ =	swait.ge @!p0 [sflag:s0], s1  }
0xc2: {  	s1 =	ssub.s32 @!p0 $0x0, s1;
	[sflag:s0] =	ssyncset.done @!p0 $0x0  }
0xc3: {  	[sflag:s0] =	ssyncadd.s32 @!p0 s1  }
0xc4: {  	[bflag:$0x3] =	sbarrier.arrive $0xFFFF  }
0xc5: {  	_ =	shalt  }

// kernel: scatter_offload_async_start.1
scs
__scs_entry_jumppad:
0x0: {  	(pc) =	sbr.rel $0x88, $3  }
0x1: {  	(tag) =	ssettag $0x0;
	lr =	simm.s32 $0x1  }
0x2: {  	[smem:$0x3F92] =	sst lr;
	_ =	strace $0xD0000000  }
0x3: {  	_ = 	snop  }
0x4: {  	_ = 	snop  }
0x5: {  	_ = 	snop  }
0x6: {  	_ = 	snop  }
0x7: {  	_ = 	snop  }
__scs_overlays_trampoline_lowered:
0x8: {  	[smem:$0x3FA1] =	sst s0  }
0x9: {  	[smem:$0x3FA2] =	sst s1  }
0xa: {  	[smem:$0x3FA3] =	sst s2  }
0xb: {  	[smem:$0x3FA4] =	sst s3  }
0xc: {  	[smem:$0x3FA5] =	sst s4  }
0xd: {  	[smem:$0x3FA6] =	sst s5  }
0xe: {  	[smem:$0x3FA7] =	sst s6  }
0xf: {  	[smem:$0x3FA8] =	sst s7  }
0x10: {  	[smem:$0x3FA9] =	sst s8  }
0x11: {  	[smem:$0x3FAA] =	sst s9;
	s0 =	simm.s32 @!p0 $0x0  }
0x12: {  	s1 =	sld [smem:$0x3F90];
	s0 =	simm.s32 @p0 $0x1  }
0x13: {  	[smem:$0x3FAB] =	sst s0;
	s0 =	simm.s32 @!p1 $0x0  }
0x14: {  	s2 =	sld [smem:$0x3F8F];
	s0 =	simm.s32 @p1 $0x1  }
0x15: {  	[smem:$0x3FAC] =	sst s0;
	s0 =	simm.s32 @!p2 $0x0  }
0x16: {  	s3 =	sld [smem:$0x3FDB];
	s0 =	simm.s32 @p2 $0x1  }
0x17: {  	s4 =	simm.s32 $0x1BF5;
	[smem:$0x3FAE] =	sst s0  }
0x18: {  	s0 =	sld [smem:$0x3F91];
	_ =	swait.ge [sflag:s4], $0x0  }
0x19: {  	s7 =	sld [smem:$0x3F92]  }
0x1a: {  	s8 =	sadd.s32 $0xFFFFE003, lr  }
0x1b: {  	s9 =	sadd.s32 $0xFFFFFEF7, lr;
	s5 =	simm.s32 $0xFFFFFFFF;
	p2 =	slt.u32 s8, $0xFFFFF086  }
0x1c: {  	p1 =	slt.u32 s9, $0xF7A;
	s5 =	simm.s32 @!p2 $0x0  }
0x1d: {  	s5 =	simm.s32 @p1 $0x1;
	p0 =	seq.s32 s7, s2  }
0x1e: {  	s7 =	smul.u32 @!p0 $0xF7A, s2;
	p2 =	seq.s32 @!p0 s5, $0x0  }
0x1f: {  	s9 =	smul.u32 $0xF7A, s1;
	s8 =	simm.s32 @!p0 $0x1BF5;
	p2 =	por !p2, p0  }
0x20: {  	[sflag:s8] =	ssyncset.s32 @!p0 $0xFFFFF086;
	s6 =	sadd.s32 @!p0 s3, s7;
	s7 =	simm.s32 @!p0 $0x108  }
0x21: {  	s3 =	sadd.s32 s3, s9;
	s6 =	sadd.s32 @!p0 $0x88, s6;
	s7 =	simm.s32 @p2 $0x1082  }
0x22: {  	[simem:s7], [sflag:s8] =	dma.local @!p0 [hbm:s6], $0xF7A  }
0x23: {  	s9 =	sor.u32 $0xD0000000, s2;
	s6 =	simm.s32 $0x108;
	_ =	swait.ge @!p0 [sflag:s8], $0x0  }
0x24: {  	s3 =	sadd.s32 $0x88, s3;
	s6 =	simm.s32 @!p1 $0x1082;
	[sflag:s4] =	ssyncset.s32 $0xFFFFF086  }
0x25: {  	[simem:s6], [sflag:s4] =	dma.local [hbm:s3], $0xF7A  }
0x26: {  	[smem:$0x3F92] =	sst s1;
	(tag) =	ssettag s2;
	_ =	strace s9  }
0x27: {  	s1 =	sld [smem:$0x3FA2]  }
0x28: {  	s2 =	sld [smem:$0x3FA3]  }
0x29: {  	s4 =	sld [smem:$0x3FA5]  }
0x2a: {  	p0 =	seq.s32 s5, $0x0;
	s5 =	sld [smem:$0x3FA6]  }
0x2b: {  	s6 =	sld [smem:$0x3FA7]  }
0x2c: {  	s7 =	sld [smem:$0x3FA8]  }
0x2d: {  	s3 =	simm.s32 $0x108;
	s8 =	sld [smem:$0x3FA9]  }
0x2e: {  	s3 =	simm.s32 @!p0 $0x1082;
	s9 =	sld [smem:$0x3FAA]  }
0x2f: {  	lr =	sadd.s32 s0, s3;
	s0 =	sld [smem:$0x3FA1]  }
0x30: {  	s3 =	sld [smem:$0x3FA4]  }
0x31: {  	[smem:$0x3FAD] =	sst s10  }
0x32: {  	s10 =	sld [smem:$0x3FAB];
	_ =	sdelay $0x3  }
0x33: {  	p0 =	seq.s32 s10, $0x1;
	s10 =	sld [smem:$0x3FAD];
	_ =	sdelay $0x3  }
0x34: {  	[smem:$0x3FAD] =	sst s10  }
0x35: {  	s10 =	sld [smem:$0x3FAC];
	_ =	sdelay $0x3  }
0x36: {  	p1 =	seq.s32 s10, $0x1;
	s10 =	sld [smem:$0x3FAD];
	_ =	sdelay $0x3  }
0x37: {  	[smem:$0x3FAD] =	sst s10  }
0x38: {  	s10 =	sld [smem:$0x3FAE]  }
0x39: {  	_ = 	snop;
	(pc) =	sbr.ind lr, $3  }
0x3a: {  	_ = 	snop  }
0x3b: {  	_ = 	snop  }
0x3c: {  	p2 =	seq.s32 s10, $0x1;
	s10 =	sld [smem:$0x3FAD]  }
0x3d: {  	_ =	shalt  }
0x3e: {  	_ =	shalt  }
0x3f: {  	_ =	shalt  }
0x40: {  	_ =	shalt  }
0x41: {  	_ =	shalt  }
0x42: {  	_ =	shalt  }
0x43: {  	_ =	shalt  }
0x44: {  	_ =	shalt  }
0x45: {  	_ =	shalt  }
0x46: {  	_ =	shalt  }
0x47: {  	_ =	shalt  }
0x48: {  	_ =	shalt  }
0x49: {  	_ =	shalt  }
0x4a: {  	_ =	shalt  }
0x4b: {  	_ =	shalt  }
0x4c: {  	_ =	shalt  }
0x4d: {  	_ =	shalt  }
0x4e: {  	_ =	shalt  }
0x4f: {  	_ =	shalt  }
0x50: {  	_ =	shalt  }
0x51: {  	_ =	shalt  }
0x52: {  	_ =	shalt  }
0x53: {  	_ =	shalt  }
0x54: {  	_ =	shalt  }
0x55: {  	_ =	shalt  }
0x56: {  	_ =	shalt  }
0x57: {  	_ =	shalt  }
0x58: {  	_ =	shalt  }
0x59: {  	_ =	shalt  }
0x5a: {  	_ =	shalt  }
0x5b: {  	_ =	shalt  }
0x5c: {  	_ =	shalt  }
0x5d: {  	_ =	shalt  }
0x5e: {  	_ =	shalt  }
0x5f: {  	_ =	shalt  }
0x60: {  	_ =	shalt  }
0x61: {  	_ =	shalt  }
0x62: {  	_ =	shalt  }
0x63: {  	_ =	shalt  }
0x64: {  	_ =	shalt  }
0x65: {  	_ =	shalt  }
0x66: {  	_ =	shalt  }
0x67: {  	_ =	shalt  }
0x68: {  	_ =	shalt  }
0x69: {  	_ =	shalt  }
0x6a: {  	_ =	shalt  }
0x6b: {  	_ =	shalt  }
0x6c: {  	_ =	shalt  }
0x6d: {  	_ =	shalt  }
0x6e: {  	_ =	shalt  }
0x6f: {  	_ =	shalt  }
0x70: {  	_ =	shalt  }
0x71: {  	_ =	shalt  }
0x72: {  	_ =	shalt  }
0x73: {  	_ =	shalt  }
0x74: {  	_ =	shalt  }
0x75: {  	_ =	shalt  }
0x76: {  	_ =	shalt  }
0x77: {  	_ =	shalt  }
0x78: {  	_ =	shalt  }
0x79: {  	_ =	shalt  }
0x7a: {  	_ =	shalt  }
0x7b: {  	_ =	shalt  }
0x7c: {  	_ =	shalt  }
0x7d: {  	_ =	shalt  }
0x7e: {  	_ =	shalt  }
0x7f: {  	_ =	shalt  }
0x80: {  	_ =	shalt  }
0x81: {  	_ =	shalt  }
0x82: {  	_ =	shalt  }
0x83: {  	_ =	shalt  }
0x84: {  	_ =	shalt  }
0x85: {  	_ =	shalt  }
0x86: {  	_ =	shalt  }
0x87: {  	_ =	shalt  }
.Lfunc_end0:
.L_simem_size_0:
called_computation.1_lowered:
.L_overlay_start_0:
0x88: {  	s2 =	sld [smem:$0x3FD9]  }
0x89: {  	s3 =	sld [smem:$0x3FFE];
	_ =	sdelay $0x1  }
0x8a: {  	s1 =	srdreg.scid  }
0x8b: {  	s0 =	sand.u32 $0x1, s1  }
0x8c: {  	s17 =	sshll.u32 s0, $0xA;
	s2 =	sadd.s32 s3, s2  }
0x8d: {  	s2 =	sadd.s32 s2, s17  }
0x8e: {  	[smem:$0x3FB9] =	sst s2  }
0x8f: {  	_ = 	snop  }
0x90: {  	s18 =	sld [smem:$0x3FD0];
	(tm) =	ssettm $0x1  }
0x91: {  	s19 =	sld [smem:$0x3FFB];
	_ =	sdelay $0x3  }
0x92: {  	_ =	strace s19  }
0x93: {  	s2 =	sld [smem:$0x3FFC];
	_ =	sdelay $0x3  }
0x94: {  	_ =	strace s2  }
0x95: {  	s2 =	sld [smem:$0x3FFD];
	_ =	sdelay $0x3  }
0x96: {  	_ =	strace s2  }
0x97: {  	_ =	strace $0x8FFFFFFF  }
0x98: {  	s20 =	sld [smem:$0x3FDB];
	_ =	sdelay $0x1  }
0x99: {  	s4 =	simm.s32 $_scs_section_size  }
0x9a: {  	s5 =	simm.s32 $_size__tile_overlayer_lowered;
	s6 =	simm.s32 $_tile_overlayer_lowered  }
0x9b: {  	s7 =	simm.s32 $0x1BFF;
	s21 =	sshll.u32 s6, $0x1;
	s4 =	sadd.s32 s4, s20  }
0x9c: {  	s22 =	simm.s32 $0x0;
	s5 =	sshll.u32 s5, $0x1;
	s6 =	sadd.s32 s21, s4  }
0x9d: {  	[timem:s22], [sflag:s7] =	dma.local [hbm:s6], s5  }
0x9e: {  	_ =	swait.ge [sflag:s7], s5  }
0x9f: {  	s5 =	ssub.s32 $0x0, s5;
	[sflag:s7] =	ssyncset.done $0x0  }
0xa0: {  	[sflag:s7] =	ssyncadd.s32 s5;
	_ =	sdelay $0x1  }
0xa1: {  	s23 =	simm.s32 $0x1B8B  }
0xa2: {  	_ =	swait.ge [sflag:s23], $0x1  }
0xa3: {  	[sflag:s23] =	ssyncset.done $0x0  }
0xa4: {  	[sflag:s23] =	ssyncadd.s32 $0xFFFFFFFF  }
0xa5: {  	s5 =	sld [smem:$0x0]  }
0xa6: {  	s6 =	sand.u32 $0xFFFFFFFE, s1  }
0xa7: {  	p0 =	sne.s32 s1, s6  }
0xa8: {  	s6 =	sshll.u32 @p0 s6, $0xE  }
0xa9: {  	s6 =	sadd.s32 @p0 $0x11B8D, s6;
	s7 =	sshll.u32 @p0 s5, $0x11  }
0xaa: {  	s6 =	sor.u32 @p0 s7, s6  }
0xab: {  	[sflag:s6] =	ssyncadd.remote.s32 @p0 $0x1;
	_ =	sdelay $0x1  }
0xac: {  	s6 =	simm.s32 @p0 $0x1B8D  }
0xad: {  	_ =	swait.eq @p0 [sflag:s6], $0x1  }
0xae: {  	[sflag:s6] =	ssyncadd.s32 @p0 $0xFFFFFFFF  }
0xaf: {  	s7 =	sshll.u32 @!p0 s1, $0xE  }
0xb0: {  	s7 =	sor.u32 @!p0 $0x4000, s7;
	s6 =	simm.s32 @!p0 $0x1B8D  }
0xb1: {  	s8 =	sshll.u32 @!p0 s5, $0x11;
	s7 =	sadd.s32 @!p0 $0x11B8D, s7;
	_ =	swait.eq @!p0 [sflag:s6], $0x1  }
0xb2: {  	[sflag:s6] =	ssyncadd.s32 @!p0 $0xFFFFFFFF;
	s6 =	sor.u32 @!p0 s8, s7  }
0xb3: {  	s25 =	simm.s32 $0x1B8E;
	s24 =	sld [smem:$0x3FFE];
	[sflag:s6] =	ssyncadd.remote.s32 @!p0 $0x1  }
0xb4: {  	s26 =	simm.s32 $execute0_lowered;
	[smem:$0x3FD2] =	sst s25  }
0xb5: {  	s7 =	sshll.u32 s26, $0x1;
	_ =	strace $0x8000004F;
	[dreg:$0x1] =	wrdreg $0xFFFFFFFF  }
0xb6: {  	s28 =	simm.s32 $_size_execute0_lowered;
	s4 =	sadd.s32 s4, s7;
	[dreg:$0x0] =	wrdreg $0x0  }
0xb7: {  	s7 =	sshll.u32 s28, $0x1;
	[dreg:$0x2] =	wrdreg s4  }
0xb8: {  	[dreg:$0x3] =	wrdreg s7  }
0xb9: {  	[dreg:$0x4] =	wrdreg $0xC0  }
0xba: {  	_ =	task [dreg:s22], $0x5FFFF  }
0xbb: {  	[dreg:$0x1] =	wrdreg $0xFFFFFFFF  }
0xbc: {  	[dreg:$0x0] =	wrdreg $0x60  }
0xbd: {  	[dreg:$0x2] =	wrdreg s18  }
0xbe: {  	[dreg:$0x3] =	wrdreg s24  }
0xbf: {  	[dreg:$0x4] =	wrdreg s1  }
0xc0: {  	[dreg:$0x5] =	wrdreg s5  }
0xc1: {  	[dreg:$0x6] =	wrdreg $0xA  }
0xc2: {  	_ =	task.clear_ibuf [dreg:s22], $0x7FFFF;
	_ =	strace $0x9000004F  }
0xc3: {  	s29 =	simm.s32 $0xA;
	_ =	strace $0x80000051  }
0xc4: {  	_ =	swait.ge [sflag:s29], $0x1  }
0xc5: {  	[sflag:s29] =	ssyncadd.s32 $0xFFFFFFFF  }
0xc6: {  	_ =	strace $0x90000051  }
0xc7: {  	_ =	sfence  }
0xc8: {  	s30 =	sld [smem:$0x0];
	_ =	sdelay $0x2  }
0xc9: {  	s31 =	sshll.u32 s1, $0xD;
	s1 =	sshrl.u32 s1, $0x2  }
0xca: {  	s4 =	sand.u32 $0x4000, s31;
	s1 =	sadd.s32 s1, s30  }
0xcb: {  	s0 =	sor.u32 s4, s0;
	s1 =	sshll.u32 s1, $0x11  }
0xcc: {  	s0 =	sor.u32 s1, s0  }
0xcd: {  	s0 =	sadd.s32 $0x8F2B, s0  }
0xce: {  	[sflag:s0] =	ssyncadd.remote.s32 $0x1  }
0xcf: {  	_ =	sfence.sel $0xFFFF  }
0xd0: {  	[dreg:$0x0] =	wrdreg $0xFFFFFFFF;
	(pc) =	sbr.abs _section_cstart, $3  }
0xd1: {  	[dreg:$0x1] =	wrdreg $0xFFFFFFFF  }
0xd2: {  	_ =	task.clear_ibuf [dreg:s22], $0x2FFFF;
	_ =	strace $0x9FFFFFFF  }
0xd3: {  	(tm) =	ssettm $0x7FFFFFFF  }
tec
execute0_lowered:
.L_overlay_start_1:
0x0: {  	(tag) =	ssettag $0x1  }
0x1: {  	s1 =	rddreg [dreg:$0x0]  }
0x2: {  	s2 =	rddreg [dreg:$0x1]  }
0x3: {  	s3 =	rddreg [dreg:$0x2];
	_ =	strace $0x80000050;
	s0 =	simm.s32 $0x1  }
0x4: {  	v0 =	vimm.s32 $0x0;
	[sflag:s0] =	ssyncpa.u1 $0x0;
	s0 =	simm.s32 $0x108  }
0x5: {  	[tilespmem:s0+$0x70] =	vst v0  }
0x6: {  	[tilespmem:s0+$0x60] =	vst v0  }
0x7: {  	[tilespmem:s0+$0x50] =	vst v0  }
0x8: {  	[tilespmem:s0+$0x40] =	vst v0  }
0x9: {  	[tilespmem:s0+$0x30] =	vst v0  }
0xa: {  	s15 =	sadd.s32 $0x1800, s2;
	s6 =	sadd.s32 $0x4F7600, s2;
	[tilespmem:s0+$0x20] =	vst v0  }
0xb: {  	s14 =	sadd.s32 $0x9D9600, s2;
	s5 =	sand.u32 $0x1, s3;
	s3 =	simm.s32 $0x40;
	[tilespmem:s0+$0x10] =	vst v0  }
.LBB2_1:
0xc: {  	s3 =	sadd.s32 $0x40, s3;
	[tilespmem:s0+$0x0] =	vst v0;
	s0 =	sadd.s32 $0x80, s0  }
0xd: {  	p0 =	slt.u32 s3, $0x3C40;
	[tilespmem:s0+$0x70] =	vst v0  }
0xe: {  	[tilespmem:s0+$0x60] =	vst v0  }
.Ltmp0:
0xf: {  	[tilespmem:s0+$0x50] =	vst v0;
	(pc) =	sbr.rel @p0 .LBB2_1-.Ltmp0, $4  }
0x10: {  	[tilespmem:s0+$0x40] =	vst v0  }
0x11: {  	[tilespmem:s0+$0x30] =	vst v0  }
0x12: {  	[tilespmem:s0+$0x20] =	vst v0  }
0x13: {  	[tilespmem:s0+$0x10] =	vst v0  }
0x14: {  	s9 =	stileid.u32  }
0x15: {  	s2 =	smul.u32 $0x29, s9  }
0x16: {  	s3 =	smin.u32 s9, $0xB  }
0x17: {  	s2 =	sadd.s32 s3, s2  }
0x18: {  	p0 =	slt.u32 s9, $0xB;
	s7 =	smul.u32 $0xF0, s2;
	s2 =	simm.s32 $0x2760  }
0x19: {  	s2 =	simm.s32 @!p0 $0x2670  }
0x1a: {  	s2 =	sadd.s32 s2, s7  }
0x1b: {  	s8 =	smin.u32 s2, $0x27100  }
0x1c: {  	s2 =	ssub.s32 s8, s7  }
0x1d: {  	p0 =	sgt.s32 s2, $0x0  }
0x1e: {  	s29 =	simm.s32 $0x2;
	s10 =	simm.s32 $0x9;
	s2 =	simm.s32 @!p0 $0x0  }
0x1f: {  	s4 =	simm.s32 $0xA;
	s11 =	simm.s32 $0xB;
	s28 =	smulhi.u32 $0x88888889, s2  }
0x20: {  	[dreg:$0x5] =	wrdreg s5;
	s31 =	smul.u32 $0x4E20, s5;
	s12 =	simm.s32 $0x1  }
0x21: {  	s22 =	simm.s32 $0x0;
	s18 =	simm.s32 $0xC;
	s30 =	sshrl.u32 s28, $0x7  }
0x22: {  	s20 =	simm.s32 $0x0;
	s21 =	simm.s32 $0x0;
	s3 =	smul.u32 $0xF0, s30  }
.Ltmp1:
0x23: {  	[tilespmem:s0+$0x0] =	vst v0;
	v0 =	vimm.s32 $0xFFFFFFFF;
	[sflag:s29] =	ssyncpa.u1 $0x0;
	s16 =	sshll.u32 s9, $0x8;
	(pc) =	sbr.rel .LBB2_3-.Ltmp1, $4  }
0x24: {  	[tilespmem:$0xF208] =	vst v0;
	[sflag:s10] =	ssyncpa.u1 $0x0;
	p0 =	sne.s32 s2, s3;
	s2 =	simm.s32 $0x1  }
0x25: {  	s14 =	sadd.s32 s31, s14;
	[sflag:s4] =	ssyncpa.u1 $0x0;
	s2 =	simm.s32 @!p0 $0x0  }
0x26: {  	s15 =	sadd.s32 s31, s15;
	[sflag:s11] =	ssyncpa.u1 $0x0;
	s13 =	sadd.s32 s2, s30  }
0x27: {  	v0 =	vlaneseq.u32;
	s19 =	smov.u32 s7;
	p0 =	por $0x0, $0x0;
	s17 =	sadd.s32 $0x1, s13  }
.LBB2_18:
0x28: {  	s0 =	sshrl.u32 s31, $0x2  }
.LBB2_20:
0x29: {  	_ =	swait.ge [sflag:s18], s0  }
0x2a: {  	s31 =	ssub.s32 $0x0, s0;
	v1 =	vmov s24;
	vm0 =	veq.s32 v0, $0x0;
	[sflag:s18] =	ssyncset.done $0x0  }
0x2b: {  	vm15 =	veq.s32 v0, $0x2;
	v1 =	vsel vm0, s30, v1;
	[sflag:s18] =	ssyncadd.s32 s31  }
0x2c: {  	v1 =	vsel vm15, s22, v1;
	[sflag:s18] =	ssyncpa.u1 $0x1  }
0x2d: {  	[tilespmem:$0xF208] =	vst v1  }
.LBB2_21:
0x2e: {  	s0 =	sadd.s32 $0xF0, s19  }
0x2f: {  	s2 =	smov.u32 s7;
	p1 =	slt.s32 s0, s8  }
0x30: {  	s2 =	smov.u32 @p1 s0;
	p1 =	sne.s32 s21, s17  }
.Ltmp2:
0x31: {  	_ = 	snop;
	(pc) =	sbr.rel @!p1 .LBB2_22-.Ltmp2, $3  }
0x32: {  	_ =	sdelay $0x1  }
0x33: {  	s22 =	smov.u32 s20;
	s31 =	sadd.s32 $0x1, s21;
	s20 =	smov.u32 s19  }
0x34: {  	p0 =	por !p0, !p0;
	s21 =	smov.u32 s31;
	s19 =	smov.u32 s2  }
.LBB2_3:
0x35: {  	p1 =	sge.u32 s21, s13  }
0x36: {  	s0 =	smulhi.u32 @!p1 $0xAAAAAAAB, s21  }
0x37: {  	s2 =	smov.u32 s19;
	p2 =	sgt.s32 @!p1 s19, $0x27010  }
0x38: {  	s3 =	sshra.s32 @!p1 s19, $0x1F;
	p2 =	por !p2, p1;
	s0 =	sshrl.u32 @!p1 s0, $0x1  }
0x39: {  	s3 =	sand.u32 @!p1 s3, s19;
	s2 =	simm.s32 @p2 $0x27010;
	s0 =	smul.u32 @!p1 $0x3, s0  }
0x3a: {  	s2 =	ssub.s32 @!p1 s2, s3  }
0x3b: {  	s2 =	sadd.s32 @!p1 $0xFFFD8FF0, s2;
	s0 =	ssub.s32 @!p1 s21, s0  }
0x3c: {  	s3 =	sshll.u32 @!p1 s2, $0x2;
	p2 =	sgt.s32 @!p1 s2, $0xEF;
	s0 =	smul.u32 @!p1 $0x3C0, s0  }
0x3d: {  	s4 =	sand.u32 @!p1 $0x7, s19;
	s2 =	ssub.s32 @!p1 $0x3C0, s3;
	p2 =	por !p2, p1  }
0x3e: {  	s3 =	sshrl.u32 @!p1 s19, $0x3;
	s2 =	sshrl.u32 @!p1 s2, $0x2;
	s0 =	sshrl.u32 @!p1 s0, $0x2  }
0x3f: {  	s3 =	sadd.s32 @!p1 s3, s14;
	s2 =	simm.s32 @!p2 $0x0;
	s0 =	sadd.s32 @!p1 $0x10248, s0  }
0x40: {  	[tilespmem:s0], [sflag:$0xA] =	stream.linear.gather @!p1 [hbm4b:s3+s4], s2, $0x38;
	[tilespmem:$0x1F6F8] =	vst v63  }
0x41: {  	s0 =	sadd.s32 $0xFFFFFFFF, s21  }
0x42: {  	p1 =	sge.u32 s0, s13  }
0x43: {  	p2 =	sgt.s32 @!p1 s20, $0x27010  }
0x44: {  	s2 =	smov.u32 s20;
	s3 =	sshra.s32 @!p1 s20, $0x1F;
	p2 =	por !p2, p1  }
0x45: {  	s3 =	sand.u32 @!p1 s3, s20;
	s2 =	simm.s32 @p2 $0x27010  }
0x46: {  	s2 =	ssub.s32 @!p1 s2, s3  }
0x47: {  	s2 =	sadd.s32 @!p1 $0xFFFD8FF0, s2  }
0x48: {  	s4 =	sand.u32 @!p1 $0x1, s0;
	s3 =	sshll.u32 @!p1 s2, $0x2  }
0x49: {  	p2 =	sgt.s32 @!p1 s2, $0xEF;
	s2 =	ssub.s32 @!p1 $0x3C0, s3;
	s3 =	smulhi.u32 @!p1 $0xAAAAAAAB, s0  }
0x4a: {  	s23 =	smul.u32 @!p1 $0x3C0, s4;
	p2 =	por !p2, p1;
	s2 =	sshrl.u32 @!p1 s2, $0x2  }
0x4b: {  	s5 =	simm.s32 @!p1 $0xA;
	s2 =	simm.s32 @!p2 $0x0;
	s3 =	sshrl.u32 @!p1 s3, $0x1  }
0x4c: {  	s23 =	sshrl.u32 @!p1 s23, $0x2;
	_ =	swait.ge @!p1 [sflag:s5], s2;
	s3 =	smul.u32 @!p1 $0x3, s3  }
0x4d: {  	s23 =	sadd.s32 @!p1 $0x10518, s23;
	s24 =	ssub.s32 @!p1 $0x0, s2;
	[sflag:s5] =	ssyncset.done @!p1 $0x0  }
0x4e: {  	[sflag:s5] =	ssyncadd.s32 @!p1 s24;
	s5 =	sshrl.u32 @!p1 s20, $0x3;
	s0 =	ssub.s32 @!p1 s0, s3  }
0x4f: {  	s24 =	sand.u32 @!p1 $0x7, s20;
	s5 =	sadd.s32 @!p1 s5, s15;
	s0 =	smul.u32 @!p1 $0x3C0, s0  }
0x50: {  	[tilespmem:s23], [sflag:$0xB] =	stream.linear.gather @!p1 [hbm4b:s5+s24], s2, $0x38;
	[tilespmem:$0x1F6F8] =	vst v63  }
0x51: {  	s3 =	ssub.s32 @!p1 $0x27100, s20;
	s2 =	smul.u32 @!p1 $0x1E000, s4  }
0x52: {  	p2 =	slt.s32 @!p1 s3, $0xF0  }
0x53: {  	p2 =	por !p2, p1;
	s0 =	sshrl.u32 @!p1 s0, $0x2;
	s2 =	sshrl.u32 @!p1 s2, $0x2  }
0x54: {  	s3 =	simm.s32 @p2 $0xF0;
	s0 =	sadd.s32 @!p1 $0x10248, s0;
	s2 =	sor.u32 @!p1 $0x106F8, s2  }
0x55: {  	[tilespmem:s2], [sflag:$0x9] =	stream.indirect.gather @!p1 [hbm4b:s6+s3], $0x80, s0, s3, $0xb8;
	[tilespmem:$0x1F6F8] =	vst v63  }
0x56: {  	p1 =	slt.u32 s21, $0x2  }
.Ltmp3:
0x57: {  	_ = 	snop;
	(pc) =	sbr.rel @p1 .LBB2_21-.Ltmp3, $1  }
0x58: {  	_ =	sdelay $0x3  }
0x59: {  	p1 =	sgt.s32 s22, $0x27010  }
0x5a: {  	s0 =	smov.u32 s22;
	s2 =	sshra.s32 s22, $0x1F;
	s3 =	ssub.s32 $0x27100, s22  }
0x5b: {  	s0 =	simm.s32 @!p1 $0x27010;
	s2 =	sand.u32 s2, s22;
	p1 =	slt.s32 s3, $0xF0  }
0x5c: {  	s0 =	ssub.s32 s0, s2;
	s3 =	simm.s32 @!p1 $0xF0  }
0x5d: {  	s0 =	sadd.s32 $0xFFFD8FF0, s0;
	s25 =	sshll.u32 s3, $0x7  }
0x5e: {  	s26 =	sshll.u32 s0, $0x2;
	s2 =	sand.u32 $0x3FFFFF80, s25  }
0x5f: {  	p1 =	sgt.s32 s0, $0xEF;
	s29 =	ssub.s32 $0x3C0, s26;
	_ =	swait.ge [sflag:s10], s2  }
0x60: {  	s2 =	ssub.s32 $0x0, s2;
	[sflag:s10] =	ssyncset.done $0x0;
	s0 =	sshrl.u32 s29, $0x2  }
0x61: {  	[sflag:s10] =	ssyncadd.s32 s2;
	s0 =	simm.s32 @p1 $0x0  }
0x62: {  	_ =	swait.ge [sflag:s11], s0  }
0x63: {  	s0 =	ssub.s32 $0x0, s0;
	[sflag:s11] =	ssyncset.done $0x0  }
0x64: {  	[sflag:s11] =	ssyncadd.s32 s0  }
0x65: {  	v1 =	vld [tilespmem:$0xF208];
	_ =	sdelay $0x4  }
0x66: {  	(v2sf) =	vpush v1, $0x0  }
0x67: {  	(v2sf) =	vpush v1, $0x1  }
0x68: {  	(v2sf) =	vpush v1, $0x2;
	_ =	sdelay $0x3  }
0x69: {  	s0 =	sadd.s32 $0xF0, s22  }
0x6a: {  	s2 =	ssub.s32 $0x4E200, s22;
	p1 =	slt.s32 s8, s0  }
0x6b: {  	s0 =	smov.u32 @p1 s8;
	p1 =	sgt.s32 s2, $0x0  }
0x6c: {  	s26 =	ssub.s32 s0, s22;
	s2 =	simm.s32 @!p1 $0x0  }
0x6d: {  	p1 =	slt.s32 s2, s26  }
0x6e: {  	s26 =	smov.u32 @p1 s2  }
0x6f: {  	s25 =	simm.s32 $0x1;
	p1 =	slt.s32 s26, $0x1  }
.Ltmp4:
0x70: {  	s25 =	simm.s32 @!p0 $0x0;
	(pc) =	sbr.rel @p1 .LBB2_8-.Ltmp4, $4  }
0x71: {  	s31 =	smul.u32 $0x3C0, s25  }
0x72: {  	s28 =	spop (v2sf)  }
0x73: {  	s0 =	sshrl.u32 s31, $0x2;
	s30 =	spop (v2sf)  }
0x74: {  	s23 =	sadd.s32 $0x10518, s0;
	s22 =	spop (v2sf)  }
0x75: {  	s0 =	smin.u32 s26, $0x10  }
0x76: {  	v1 =	vmov s0  }
0x77: {  	p2 =	sgt.s32 s26, $0x10;
	vm1 =	vgt.u32 v1, v0  }
.Ltmp5:
0x78: {  	_ = 	snop;
	(pc) =	sbr.rel @!p2 .LBB2_7-.Ltmp5, $2  }
0x79: {  	_ =	sdelay $0x2  }
0x7a: {  	s4 =	simm.s32 $0x10;
	s24 =	sadd.s32 $0xFFFFFFF0, s26;
	s0 =	smov.u32 s23;
	vm0 =	vmmov vm1  }
.LBB2_6:
0x7b: {  	s2 =	smin.u32 s24, $0x10;
	s4 =	sadd.s32 $0x10, s4;
	v1 =	vld.msk [tilespmem:s0+$0x0 ss:$0x1], vm1  }
0x7c: {  	v2 =	vmov s2;
	p2 =	slt.s32 s4, s26  }
0x7d: {  	vm1 =	vgt.u32 v2, v0  }
.Ltmp6:
0x7e: {  	(pc) =	sbr.rel @p2 .LBB2_6-.Ltmp6, $3  }
0x7f: {  	_ =	sdelay $0x1  }
0x80: {  	v1 =	vshll.u32 v1, $0x4  }
0x81: {  	s24 =	sadd.s32 $0xFFFFFFF0, s24;
	[tilespmem:s0+$0x0] =	vst.msk vm0, v1;
	s0 =	sadd.s32 $0x10, s0;
	vm0 =	vmmov vm1  }
.LBB2_7:
0x82: {  	_ =	sdelay $0x4  }
0x83: {  	v1 =	vld.msk [tilespmem:s0+$0x0 ss:$0x1], vm1;
	_ =	sdelay $0x4  }
0x84: {  	v1 =	vshll.u32 v1, $0x4  }
0x85: {  	[tilespmem:s0+$0x0] =	vst.msk vm0, v1  }
.LBB2_8:
0x86: {  	s0 =	sand.u32 $0x1, s21  }
0x87: {  	s0 =	smul.u32 $0xF0, s0  }
0x88: {  	p2 =	sne.s32 s30, $0xFFFFFFFF  }
0x89: {  	v1 =	vld.msk @!p2 [tilespmem:s0+$0x10518], $0x1;
	_ =	sdelay $0x4  }
0x8a: {  	(v2sf) =	vpush @!p2 v1, $0x0;
	_ =	sdelay $0xc  }
.Ltmp7:
0x8b: {  	_ = 	snop;
	(pc) =	sbr.rel @p1 .LBB2_19-.Ltmp7, $4  }
0x8c: {  	_ = 	snop  }
0x8d: {  	s29 =	spop @!p2 (v2sf)  }
0x8e: {  	s22 =	simm.s32 @!p2 $0x0;
	s24 =	smov.u32 s29  }
0x8f: {  	[sflag:s18] =	ssyncpa.u1 $0x0;
	s29 =	smov.u32 @p2 s28;
	s24 =	smov.u32 @p2 s30  }
0x90: {  	v1 =	vld.msk [tilespmem:s23+$0x0], $0x1;
	_ =	sdelay $0x4  }
0x91: {  	(v2sf) =	vpush v1, $0x0;
	_ =	sdelay $0xe  }
0x92: {  	s2 =	smul.u32 $0x1E000, s25;
	s0 =	spop (v2sf)  }
0x93: {  	s26 =	ssub.s32 $0x0, s26;
	p1 =	seq.s32 s29, s0  }
0x94: {  	s30 =	sadd.s32 $0x1, s26;
	s2 =	sshrl.u32 s2, $0x2;
	p2 =	sgt.s32 @!p1 s29, $0x0  }
0x95: {  	s25 =	sor.u32 $0x10738, s2;
	s2 =	smov.u32 s29;
	p2 =	por !p2, p1  }
0x96: {  	s2 =	simm.s32 @p2 $0x0;
	p2 =	seq.s32 s30, $0x0  }
.Ltmp8:
0x97: {  	_ = 	snop;
	(pc) =	sbr.rel @p2 .LBB2_11-.Ltmp8, $4  }
0x98: {  	_ = 	snop  }
0x99: {  	s28 =	simm.s32 $0x0;
	s31 =	sadd.s32 $0x1, s23;
	s2 =	smin.u32 @!p1 s2, $0x270F0  }
0x9a: {  	s4 =	simm.s32 @!p1 $0x1;
	s5 =	simm.s32 @!p1 $0x7988;
	s3 =	sand.u32 @!p1 $0x3FFF8, s2  }
0x9b: {  	s4 =	smov.u32 @p1 s28;
	s2 =	sand.u32 @!p1 $0x7, s2;
	s3 =	sadd.s32 @!p1 s1, s3  }
.LBB2_10:
0x9c: {  	s9 =	smov.u32 s4  }
0x9d: {  	[tilespmem:s5], [sflag:$0x2] =	stream.linear.gather @!p1 [hbm4b:s3+s2], $0x80, $0x38;
	[tilespmem:$0x1F6F8] =	vst v63  }
0x9e: {  	s30 =	sadd.s32 $0x1, s30;
	s2 =	smov.u32 s0;
	v1 =	vld.msk [tilespmem:s31+$0x0], $0x1  }
0x9f: {  	p2 =	seq.s32 s30, $0x0;
	_ =	sdelay $0x3  }
0xa0: {  	(v2sf) =	vpush v1, $0x0;
	_ =	sdelay $0xe  }
0xa1: {  	s0 =	spop (v2sf)  }
0xa2: {  	p1 =	seq.s32 s2, s0  }
0xa3: {  	p3 =	sgt.s32 @!p1 s2, $0x0;
	s3 =	sshll.u32 @!p1 s4, $0x9;
	s4 =	sadd.s32 @!p1 $0x1, s4  }
.Ltmp9:
0xa4: {  	p3 =	por !p3, p1;
	s3 =	sshra.s32 @!p1 s3, $0x2;
	(pc) =	sbr.rel @!p2 .LBB2_10-.Ltmp9, $4  }
0xa5: {  	s4 =	smov.u32 @p1 s9;
	s2 =	simm.s32 @p3 $0x0;
	s5 =	sadd.s32 @!p1 $0x7988, s3  }
0xa6: {  	s2 =	smin.u32 @!p1 s2, $0x270F0  }
0xa7: {  	s3 =	sand.u32 @!p1 $0x3FFF8, s2;
	s2 =	sand.u32 @!p1 $0x7, s2  }
0xa8: {  	s31 =	sadd.s32 $0x1, s31;
	s3 =	sadd.s32 @!p1 s1, s3  }
.LBB2_11:
0xa9: {  	[tilespmem:s5], [sflag:$0x2] =	stream.linear.gather @!p1 [hbm4b:s3+s2], $0x80, $0x38;
	[tilespmem:$0x1F6F8] =	vst v63  }
.Ltmp10:
0xaa: {  	s0 =	sshll.u32 s4, $0x7;
	(pc) =	sbr.rel .LBB2_12-.Ltmp10, $4  }
0xab: {  	s30 =	simm.s32 $0x2;
	s0 =	sand.u32 $0x3FFFFF80, s0  }
0xac: {  	_ =	swait.ge [sflag:s30], s0  }
0xad: {  	s0 =	ssub.s32 $0x0, s0;
	[sflag:s30] =	ssyncset.done $0x0  }
0xae: {  	s31 =	simm.s32 $0x0;
	[sflag:s30] =	ssyncadd.s32 s0  }
.LBB2_13:
0xaf: {  	v1 =	vld [tilespmem:s25+$0xFFFFFFC0];
	_ =	sdelay $0x3  }
0xb0: {  	s0 =	sshra.s32 s0, $0x2  }
0xb1: {  	[tilespmem:s0+$0x108] =	vst.add.f32.msk $0xffff, v1  }
0xb2: {  	v1 =	vld [tilespmem:s25+$0xFFFFFFD0];
	_ =	sdelay $0x4  }
0xb3: {  	[tilespmem:s0+$0x118] =	vst.add.f32.msk $0xffff, v1  }
0xb4: {  	v1 =	vld [tilespmem:s25+$0xFFFFFFE0];
	_ =	sdelay $0x4  }
0xb5: {  	[tilespmem:s0+$0x128] =	vst.add.f32.msk $0xffff, v1  }
0xb6: {  	v1 =	vld [tilespmem:s25+$0xFFFFFFF0];
	_ =	sdelay $0x4  }
0xb7: {  	[tilespmem:s0+$0x138] =	vst.add.f32.msk $0xffff, v1  }
0xb8: {  	v1 =	vld [tilespmem:s25+$0x0];
	_ =	sdelay $0x4  }
0xb9: {  	[tilespmem:s0+$0x148] =	vst.add.f32.msk $0xffff, v1  }
0xba: {  	v1 =	vld [tilespmem:s25+$0x10];
	_ =	sdelay $0x4  }
0xbb: {  	[tilespmem:s0+$0x158] =	vst.add.f32.msk $0xffff, v1  }
0xbc: {  	v1 =	vld [tilespmem:s25+$0x20];
	_ =	sdelay $0x4  }
0xbd: {  	[tilespmem:s0+$0x168] =	vst.add.f32.msk $0xffff, v1  }
0xbe: {  	v1 =	vld [tilespmem:s25+$0x30];
	_ =	sdelay $0x4  }
0xbf: {  	[tilespmem:s0+$0x178] =	vst.add.f32.msk $0xffff, v1  }
.LBB2_17:
0xc0: {  	s26 =	sadd.s32 $0x1, s26  }
0xc1: {  	p1 =	seq.s32 s26, $0x0  }
.Ltmp11:
0xc2: {  	_ = 	snop;
	(pc) =	sbr.rel @p1 .LBB2_18-.Ltmp11, $2  }
0xc3: {  	_ =	sdelay $0x2  }
0xc4: {  	s23 =	sadd.s32 $0x1, s23;
	s25 =	sadd.s32 $0x80, s25;
	s29 =	smov.u32 s30  }
.LBB2_12:
0xc5: {  	v1 =	vld.msk [tilespmem:s23+$0x0], $0x1;
	_ =	sdelay $0x4  }
0xc6: {  	(v2sf) =	vpush v1, $0x0;
	_ =	sdelay $0xe  }
0xc7: {  	s30 =	spop (v2sf)  }
0xc8: {  	p1 =	sne.s32 s29, s30  }
.Ltmp12:
0xc9: {  	_ = 	snop;
	(pc) =	sbr.rel @!p1 .LBB2_13-.Ltmp12, $2  }
0xca: {  	_ =	sdelay $0x2  }
0xcb: {  	s0 =	sshll.u32 s22, $0x9  }
0xcc: {  	p1 =	seq.s32 s29, s24  }
.Ltmp13:
0xcd: {  	_ = 	snop;
	(pc) =	sbr.rel @!p1 .LBB2_15-.Ltmp13, $1  }
0xce: {  	_ =	sdelay $0x3  }
0xcf: {  	s0 =	sshra.s32 s0, $0x2  }
.Ltmp14:
0xd0: {  	s0 =	sadd.s32 $0x108, s0;
	(pc) =	sbr.rel .LBB2_16-.Ltmp14, $4  }
0xd1: {  	[spmem:s16] =	stream.linear.scatter [tilespmem:s0], [sflag:$0x1], $0x80, $0x38;
	[tilespmem:$0x1F6F8] =	vst v63  }
0xd2: {  	_ =	swait.ge [sflag:s12], $0x80  }
0xd3: {  	[sflag:s12] =	ssyncset.done $0x0  }
0xd4: {  	[sflag:s12] =	ssyncadd.s32 $0xFFFFFF80  }
.LBB2_15:
0xd5: {  	s2 =	sshll.u32 s28, $0x9  }
0xd6: {  	s2 =	sshra.s32 s2, $0x2  }
0xd7: {  	v1 =	vld [tilespmem:s2+$0x7988];
	_ =	sdelay $0x3  }
0xd8: {  	s0 =	sshra.s32 s0, $0x2  }
0xd9: {  	[tilespmem:s0+$0x108] =	vst.add.f32.msk $0xffff, v1  }
0xda: {  	v1 =	vld [tilespmem:s2+$0x7998];
	_ =	sdelay $0x4  }
0xdb: {  	[tilespmem:s0+$0x118] =	vst.add.f32.msk $0xffff, v1  }
0xdc: {  	v1 =	vld [tilespmem:s2+$0x79A8];
	_ =	sdelay $0x4  }
0xdd: {  	[tilespmem:s0+$0x128] =	vst.add.f32.msk $0xffff, v1  }
0xde: {  	v1 =	vld [tilespmem:s2+$0x79B8];
	_ =	sdelay $0x4  }
0xdf: {  	[tilespmem:s0+$0x138] =	vst.add.f32.msk $0xffff, v1  }
0xe0: {  	v1 =	vld [tilespmem:s2+$0x79C8];
	_ =	sdelay $0x4  }
0xe1: {  	[tilespmem:s0+$0x148] =	vst.add.f32.msk $0xffff, v1  }
0xe2: {  	v1 =	vld [tilespmem:s2+$0x79D8];
	_ =	sdelay $0x4  }
0xe3: {  	[tilespmem:s0+$0x158] =	vst.add.f32.msk $0xffff, v1  }
0xe4: {  	v1 =	vld [tilespmem:s2+$0x79E8];
	_ =	sdelay $0x4  }
0xe5: {  	[tilespmem:s0+$0x168] =	vst.add.f32.msk $0xffff, v1  }
0xe6: {  	v1 =	vld [tilespmem:s2+$0x79F8];
	_ =	sdelay $0x2  }
0xe7: {  	p1 =	sgt.u32 s29, $0x270F0  }
0xe8: {  	s2 =	sand.u32 @!p1 $0x3FFF8, s29  }
0xe9: {  	s3 =	sadd.s32 $0x108, s0;
	[tilespmem:s0+$0x178] =	vst.add.f32.msk $0xffff, v1;
	s0 =	sadd.s32 @!p1 s1, s2;
	s2 =	sand.u32 @!p1 $0x7, s29  }
0xea: {  	[hbm4b:s0+s2] =	stream.linear.scatter @!p1 [tilespmem:s3], [sflag:$0xC], $0x80, $0x38;
	[tilespmem:$0x1F6F8] =	vst v63  }
0xeb: {  	s0 =	simm.s32 $0x0  }
0xec: {  	s0 =	simm.s32 @!p1 $0x200  }
0xed: {  	s31 =	sadd.s32 s0, s31  }
.LBB2_16:
0xee: {  	s0 =	sadd.s32 $0x1, s22  }
0xef: {  	s2 =	smulhi.u32 $0x88888889, s0;
	_ =	sdelay $0x1  }
0xf0: {  	v1 =	vld [tilespmem:s25+$0xFFFFFFC0];
	s2 =	sshrl.u32 s2, $0x7  }
0xf1: {  	s2 =	smul.u32 $0xF0, s2;
	_ =	sdelay $0x1  }
0xf2: {  	s22 =	ssub.s32 s0, s2  }
0xf3: {  	s0 =	sshll.u32 s22, $0x7  }
0xf4: {  	[tilespmem:s0+$0x108] =	vst v1  }
0xf5: {  	v1 =	vld [tilespmem:s25+$0xFFFFFFD0];
	_ =	sdelay $0x4  }
0xf6: {  	[tilespmem:s0+$0x118] =	vst v1  }
0xf7: {  	v1 =	vld [tilespmem:s25+$0xFFFFFFE0];
	_ =	sdelay $0x4  }
0xf8: {  	[tilespmem:s0+$0x128] =	vst v1  }
0xf9: {  	v1 =	vld [tilespmem:s25+$0xFFFFFFF0];
	_ =	sdelay $0x4  }
0xfa: {  	[tilespmem:s0+$0x138] =	vst v1  }
0xfb: {  	v1 =	vld [tilespmem:s25+$0x0];
	_ =	sdelay $0x4  }
0xfc: {  	[tilespmem:s0+$0x148] =	vst v1  }
0xfd: {  	v1 =	vld [tilespmem:s25+$0x10];
	_ =	sdelay $0x4  }
0xfe: {  	[tilespmem:s0+$0x158] =	vst v1  }
0xff: {  	v1 =	vld [tilespmem:s25+$0x20];
	_ =	sdelay $0x4  }
0x100: {  	[tilespmem:s0+$0x168] =	vst v1  }
0x101: {  	v1 =	vld [tilespmem:s25+$0x30]  }
.Ltmp15:
0x102: {  	_ = 	snop;
	(pc) =	sbr.rel .LBB2_17-.Ltmp15, $2  }
0x103: {  	_ =	sdelay $0x2  }
0x104: {  	s28 =	sadd.s32 $0x1, s28;
	[tilespmem:s0+$0x178] =	vst v1  }
.LBB2_19:
.Ltmp16:
0x105: {  	(pc) =	sbr.rel .LBB2_20-.Ltmp16, $4  }
0x106: {  	_ = 	snop  }
0x107: {  	s0 =	simm.s32 $0x2  }
0x108: {  	_ =	swait.ge [sflag:s0], $0x0  }
0x109: {  	s30 =	smov.u32 s29;
	[sflag:s0] =	ssyncset.done $0x0;
	s0 =	simm.s32 $0x0  }
.LBB2_22:
0x10a: {  	_ =	sfence.sel $0x180000  }
0x10b: {  	s0 =	simm.s32 $0x9;
	[bflag:$0x0] =	sbarrier.arrive $0xFFFF  }
0x10c: {  	s24 =	simm.s32 $0xA;
	[sflag:s0] =	ssyncpa.u1 $0x1  }
0x10d: {  	s25 =	simm.s32 $0xB;
	[sflag:s24] =	ssyncpa.u1 $0x1  }
0x10e: {  	s26 =	simm.s32 $0x2;
	[sflag:s25] =	ssyncpa.u1 $0x1  }
0x10f: {  	[sflag:s26] =	ssyncpa.u1 $0x1  }
0x110: {  	v0 =	vld [tilespmem:$0xF208];
	_ =	sdelay $0x4  }
0x111: {  	(v2sf) =	vpush v0, $0x0  }
0x112: {  	(v2sf) =	vpush v0, $0x1;
	_ =	sdelay $0x1  }
0x113: {  	(v2sf) =	vpush v0, $0x2;
	_ =	sdelay $0xb  }
0x114: {  	s0 =	spop (v2sf)  }
0x115: {  	s2 =	spop (v2sf)  }
0x116: {  	s3 =	smov.u32 s0;
	p0 =	sne.s32 s0, s2  }
0x117: {  	s4 =	spop (v2sf);
	s3 =	simm.s32 @!p0 $0xFFFFFFFF  }
0x118: {  	v2 =	vimm.s32 $0x1;
	v3 =	vlaneseq.u32;
	p0 =	seq.s32 s4, $0xFFFFFFFF;
	v1 =	vmov s3  }
0x119: {  	s16 =	stileid.u32;
	v0 =	vperm.xlane v0, v2;
	p1 =	sne.s32 @!p0 s0, s2;
	v1 =	vperm.xlane v1, v3  }
0x11a: {  	vm0 =	vcmask $0x3F04;
	s6 =	simm.s32 $0xF208;
	s0 =	simm.s32 @!p0 $0x1;
	p1 =	por !p1, p0  }
0x11b: {  	s3 =	sshll.u32 s16, $0x1;
	s2 =	sshll.u32 @!p0 s4, $0x9;
	s0 =	simm.s32 @p1 $0x0;
	v0 =	vsel vm0, v1, v0  }
0x11c: {  	s5 =	sor.u32 $0x1000, s3;
	s2 =	sshra.s32 @!p0 s2, $0x2;
	s0 =	sor.u32 @!p0 s0, s3;
	[tilespmem:$0xF208] =	vst v0  }
0x11d: {  	[spmem:s5] =	stream.linear.scatter [tilespmem:s6], [sflag:$0x1], $0x2, $0x38;
	[tilespmem:$0x1F6F8] =	vst v63  }
0x11e: {  	s2 =	sadd.s32 @!p0 $0x108, s2;
	s0 =	sshll.u32 @!p0 s0, $0x7  }
0x11f: {  	[spmem:s0] =	stream.linear.scatter @!p0 [tilespmem:s2], [sflag:$0x1], $0x80, $0x38;
	[tilespmem:$0x1F6F8] =	vst v63  }
0x120: {  	s0 =	simm.s32 @!p0 $0x82  }
0x121: {  	s28 =	simm.s32 $0x1;
	s0 =	simm.s32 @p0 $0x2  }
0x122: {  	_ =	swait.ge [sflag:s28], s0  }
0x123: {  	s0 =	ssub.s32 $0x0, s0;
	[sflag:s28] =	ssyncset.done $0x0  }
0x124: {  	p0 =	sne.s32 s16, $0x0;
	[sflag:s28] =	ssyncadd.s32 s0  }
.Ltmp17:
0x125: {  	_ =	sfence.stream.spmem;
	(pc) =	sbr.rel @p0 .LBB2_39-.Ltmp17, $4  }
0x126: {  	s29 =	simm.s32 $0x3;
	[bflag:$0x0] =	sbarrier.arrive $0xFFFF  }
0x127: {  	s30 =	simm.s32 $0x4;
	[sflag:s29] =	ssyncpa.u1 $0x1  }
0x128: {  	s31 =	simm.s32 $0x3C;
	[sflag:s30] =	ssyncpa.u1 $0x1  }
0x129: {  	s15 =	rddreg [dreg:$0x5];
	[sflag:s31] =	ssyncpa.u1 $0x1  }
0x12a: {  	_ =	sfence.stream.spmem;
	s0 =	simm.s32 $0x5  }
0x12b: {  	s2 =	simm.s32 $0x1000;
	s3 =	simm.s32 $0xF218;
	[sflag:s0] =	ssyncpa.u1 $0x0  }
0x12c: {  	[tilespmem:s3], [sflag:$0x5] =	stream.linear.gather [spmem:s2], $0x20, $0x38;
	[tilespmem:$0x1F6F8] =	vst v63  }
0x12d: {  	s26 =	simm.s32 $0x0;
	s28 =	simm.s32 $0xF238  }
0x12e: {  	[tilespmem:s28], [sflag:$0x5] =	stream.linear.gather [spmem:s26], $0x1000, $0x38;
	[tilespmem:$0x1F6F8] =	vst v63  }
0x12f: {  	_ =	swait.ge [sflag:s0], $0x1020  }
0x130: {  	[sflag:s0] =	ssyncset.done $0x0  }
0x131: {  	s29 =	simm.s32 $0x0;
	[sflag:s0] =	ssyncadd.s32 $0xFFFFEFE0  }
0x132: {  	v0 =	vld.msk [tilespmem:s29+$0xF218], $0x1;
	_ =	sdelay $0x1  }
0x133: {  	s30 =	simm.s32 $0x1  }
0x134: {  	v1 =	vld.msk [tilespmem:s30+$0xF218], $0x1;
	_ =	sdelay $0x1  }
0x135: {  	(v2sf) =	vpush v0, $0x0;
	_ =	sdelay $0x2  }
0x136: {  	(v2sf) =	vpush v1, $0x0;
	_ =	sdelay $0x2  }
0x137: {  	s31 =	simm.s32 $0x2  }
0x138: {  	v0 =	vld.msk [tilespmem:s31+$0xF218], $0x1;
	_ =	sdelay $0x2  }
0x139: {  	s4 =	simm.s32 $0xFFFFFFFF;
	s5 =	simm.s32 $0xFFFFFFFF;
	s0 =	simm.s32 $0xC  }
.LBB2_24:
0x13a: {  	s2 =	smov.u32 s5;
	s3 =	smov.u32 s4  }
0x13b: {  	s4 =	sshra.s32 s0, $0x2;
	p1 =	sne.s32 s0, $0x7C;
	s0 =	sadd.s32 $0x4, s0;
	(v2sf) =	vpush v0, $0x0  }
0x13c: {  	v0 =	vld.msk [tilespmem:s4+$0xF218], $0x1  }
.Ltmp18:
0x13d: {  	(pc) =	sbr.rel @p1 .LBB2_24-.Ltmp18, $4  }
0x13e: {  	s5 =	spop (v2sf)  }
0x13f: {  	p2 =	sne.s32 s3, $0xFFFFFFFF;
	s4 =	smov.u32 s5  }
0x140: {  	p3 =	seq.s32 s5, $0xFFFFFFFF;
	s4 =	smov.u32 @p2 s3  }
0x141: {  	s5 =	smov.u32 @p3 s2;
	s4 =	smov.u32 @p3 s3  }
0x142: {  	(v2sf) =	vpush v0, $0x0;
	_ =	sdelay $0x8  }
0x143: {  	s0 =	spop (v2sf)  }
0x144: {  	p1 =	sne.s32 s4, $0xFFFFFFFF;
	s2 =	smov.u32 s0  }
0x145: {  	s9 =	simm.s32 $0x6;
	p2 =	seq.s32 s0, $0xFFFFFFFF;
	s2 =	smov.u32 @p1 s4  }
0x146: {  	s6 =	simm.s32 $0x0;
	s2 =	smov.u32 @p2 s4;
	s3 =	spop (v2sf)  }
0x147: {  	s0 =	smov.u32 @p2 s5;
	p1 =	sne.s32 s2, $0xFFFFFFFF;
	s4 =	smov.u32 s3  }
.Ltmp19:
0x148: {  	p2 =	seq.s32 s3, $0xFFFFFFFF;
	s4 =	smov.u32 @p1 s2;
	(pc) =	sbr.rel .LBB2_26-.Ltmp19, $4  }
0x149: {  	s10 =	simm.s32 $0xF188;
	s4 =	smov.u32 @p2 s2;
	s7 =	spop (v2sf)  }
0x14a: {  	s11 =	simm.s32 $0x0;
	p1 =	sne.s32 s4, $0xFFFFFFFF;
	s8 =	smov.u32 s7  }
0x14b: {  	s3 =	smov.u32 @p2 s0;
	p2 =	seq.s32 s7, $0xFFFFFFFF;
	s8 =	smov.u32 @p1 s4  }
0x14c: {  	[sflag:s9] =	ssyncpa.u1 $0x0;
	s7 =	smov.u32 @p2 s3;
	s8 =	smov.u32 @p2 s4  }
.LBB2_32:
0x14d: {  	p1 =	sgt.u32 s12, $0x270F0  }
0x14e: {  	p2 =	seq.s32 @!p1 s12, s8  }
0x14f: {  	p1 =	por p1, p2  }
0x150: {  	p2 =	sne.s32 @!p1 s12, s7  }
0x151: {  	p1 =	por p1, !p2  }
0x152: {  	s0 =	sshll.u32 @p1 s11, $0x9  }
0x153: {  	s0 =	sand.u32 @!p1 $0x3FFF8, s12  }
0x154: {  	s2 =	sand.u32 @!p1 $0x7, s12;
	s0 =	sadd.s32 @!p1 s1, s0  }
0x155: {  	[tilespmem:s10], [sflag:$0x6] =	stream.linear.gather @!p1 [hbm4b:s0+s2], $0x80, $0x38;
	[tilespmem:$0x1F6F8] =	vst v63  }
0x156: {  	_ =	swait.ge @!p1 [sflag:s9], $0x80  }
0x157: {  	[sflag:s9] =	ssyncset.done @!p1 $0x0  }
0x158: {  	[sflag:s9] =	ssyncadd.s32 @!p1 $0xFFFFFF80  }
0x159: {  	v1 =	vld @!p1 [tilespmem:$0xF188];
	_ =	sdelay $0x2  }
0x15a: {  	s0 =	sshll.u32 @!p1 s11, $0x9  }
0x15b: {  	s2 =	sshrl.u32 @!p1 s0, $0x2  }
0x15c: {  	[tilespmem:s2+$0xF238] =	vst.add.f32.msk @!p1 $0xffff, v1  }
0x15d: {  	v1 =	vld @!p1 [tilespmem:$0xF198];
	_ =	sdelay $0x4  }
0x15e: {  	[tilespmem:s2+$0xF248] =	vst.add.f32.msk @!p1 $0xffff, v1  }
0x15f: {  	v1 =	vld @!p1 [tilespmem:$0xF1A8];
	_ =	sdelay $0x4  }
0x160: {  	[tilespmem:s2+$0xF258] =	vst.add.f32.msk @!p1 $0xffff, v1  }
0x161: {  	v1 =	vld @!p1 [tilespmem:$0xF1B8];
	_ =	sdelay $0x4  }
0x162: {  	[tilespmem:s2+$0xF268] =	vst.add.f32.msk @!p1 $0xffff, v1  }
0x163: {  	v1 =	vld @!p1 [tilespmem:$0xF1C8];
	_ =	sdelay $0x4  }
0x164: {  	[tilespmem:s2+$0xF278] =	vst.add.f32.msk @!p1 $0xffff, v1  }
0x165: {  	v1 =	vld @!p1 [tilespmem:$0xF1D8];
	_ =	sdelay $0x4  }
0x166: {  	[tilespmem:s2+$0xF288] =	vst.add.f32.msk @!p1 $0xffff, v1  }
0x167: {  	v1 =	vld @!p1 [tilespmem:$0xF1E8];
	_ =	sdelay $0x4  }
0x168: {  	[tilespmem:s2+$0xF298] =	vst.add.f32.msk @!p1 $0xffff, v1  }
0x169: {  	v1 =	vld @!p1 [tilespmem:$0xF1F8];
	_ =	sdelay $0x4  }
0x16a: {  	[tilespmem:s2+$0xF2A8] =	vst.add.f32.msk @!p1 $0xffff, v1  }
0x16b: {  	s0 =	sshrl.u32 s0, $0x2;
	[tilespmem:s6+$0xF218] =	vst.msk $0x1, v0  }
0x16c: {  	v0 =	vld [tilespmem:s0+$0xF238];
	_ =	sdelay $0x2  }
0x16d: {  	s31 =	sshll.u32 s6, $0x9  }
0x16e: {  	s2 =	sshra.s32 s31, $0x2  }
0x16f: {  	[tilespmem:s2+$0xF238] =	vst v0  }
0x170: {  	v0 =	vld [tilespmem:s0+$0xF248];
	_ =	sdelay $0x4  }
0x171: {  	[tilespmem:s2+$0xF248] =	vst v0  }
0x172: {  	v0 =	vld [tilespmem:s0+$0xF258];
	_ =	sdelay $0x4  }
0x173: {  	[tilespmem:s2+$0xF258] =	vst v0  }
0x174: {  	v0 =	vld [tilespmem:s0+$0xF268];
	_ =	sdelay $0x4  }
0x175: {  	[tilespmem:s2+$0xF268] =	vst v0  }
0x176: {  	v0 =	vld [tilespmem:s0+$0xF278];
	_ =	sdelay $0x4  }
0x177: {  	[tilespmem:s2+$0xF278] =	vst v0  }
0x178: {  	v0 =	vld [tilespmem:s0+$0xF288];
	_ =	sdelay $0x4  }
0x179: {  	[tilespmem:s2+$0xF288] =	vst v0  }
0x17a: {  	v0 =	vld [tilespmem:s0+$0xF298];
	_ =	sdelay $0x4  }
0x17b: {  	[tilespmem:s2+$0xF298] =	vst v0  }
0x17c: {  	v0 =	vld [tilespmem:s0+$0xF2A8];
	_ =	sdelay $0x4  }
0x17d: {  	s6 =	sadd.s32 $0x1, s6;
	[tilespmem:s2+$0xF2A8] =	vst v0  }
.LBB2_33:
0x17e: {  	s11 =	sadd.s32 $0x1, s11  }
0x17f: {  	p1 =	sne.s32 s11, $0x20  }
.Ltmp20:
0x180: {  	_ = 	snop;
	(pc) =	sbr.rel @!p1 .LBB2_34-.Ltmp20, $1  }
0x181: {  	_ =	sdelay $0x3  }
.LBB2_26:
0x182: {  	v0 =	vld.msk [tilespmem:s11+$0xF218], $0x1;
	_ =	sdelay $0x4  }
0x183: {  	(v2sf) =	vpush v0, $0x0;
	_ =	sdelay $0xe  }
0x184: {  	s12 =	spop (v2sf)  }
0x185: {  	p1 =	seq.s32 s12, $0xFFFFFFFF  }
.Ltmp21:
0x186: {  	_ = 	snop;
	(pc) =	sbr.rel @p1 .LBB2_33-.Ltmp21, $1  }
0x187: {  	_ =	sdelay $0x3  }
0x188: {  	p1 =	slt.s32 s6, $0x1  }
.Ltmp22:
0x189: {  	_ = 	snop;
	(pc) =	sbr.rel @p1 .LBB2_32-.Ltmp22, $1  }
0x18a: {  	_ =	sdelay $0x3  }
0x18b: {  	s13 =	simm.s32 $0xF218;
	p1 =	por $0x0, $0x0  }
0x18c: {  	v1 =	vld.msk @!p1 [tilespmem:s13+$0x0], $0x1;
	_ =	sdelay $0x4  }
0x18d: {  	(v2sf) =	vpush @!p1 v1, $0x0;
	_ =	sdelay $0xd  }
0x18e: {  	p3 =	sne.s32 s6, $0x1  }
.Ltmp23:
0x18f: {  	s0 =	spop @!p1 (v2sf);
	(pc) =	sbr.rel @!p3 .LBB2_30-.Ltmp23, $4  }
0x190: {  	p2 =	seq.s32 @!p1 s12, s0  }
0x191: {  	s14 =	simm.s32 $0x0;
	p2 =	por !p2, p1  }
0x192: {  	s2 =	simm.s32 $0xFFFFFFFF;
	s14 =	simm.s32 @p2 $0xFFFFFFFF  }
0x193: {  	s0 =	simm.s32 $0x1;
	s14 =	smov.u32 @p1 s2  }
.LBB2_29:
0x194: {  	s2 =	smov.u32 s14;
	p1 =	sne.s32 s14, $0xFFFFFFFF  }
0x195: {  	s13 =	sadd.s32 $0x1, s13;
	s14 =	smov.u32 s0;
	s0 =	sadd.s32 $0x1, s0  }
0x196: {  	p2 =	sne.s32 s6, s0;
	v1 =	vld.msk @!p1 [tilespmem:s13+$0x0], $0x1;
	_ =	sdelay $0x4  }
0x197: {  	(v2sf) =	vpush @!p1 v1, $0x0;
	_ =	sdelay $0xe  }
.Ltmp24:
0x198: {  	s3 =	spop @!p1 (v2sf);
	(pc) =	sbr.rel @p2 .LBB2_29-.Ltmp24, $4  }
0x199: {  	p3 =	seq.s32 @!p1 s12, s3  }
0x19a: {  	p3 =	por !p3, p1  }
0x19b: {  	s14 =	simm.s32 @p3 $0xFFFFFFFF  }
0x19c: {  	s14 =	smov.u32 @p1 s2  }
.LBB2_30:
0x19d: {  	p1 =	seq.s32 s14, $0xFFFFFFFF  }
.Ltmp25:
0x19e: {  	_ = 	snop;
	(pc) =	sbr.rel @p1 .LBB2_32-.Ltmp25, $1  }
0x19f: {  	_ =	sdelay $0x3  }
0x1a0: {  	s0 =	sshll.u32 s11, $0x7  }
0x1a1: {  	s0 =	sand.u32 $0x3FFFFF80, s0  }
0x1a2: {  	v0 =	vld [tilespmem:s0+$0xF238];
	_ =	sdelay $0x2  }
0x1a3: {  	s2 =	sshll.u32 s14, $0x9  }
0x1a4: {  	s2 =	sshra.s32 s2, $0x2  }
0x1a5: {  	[tilespmem:s2+$0xF238] =	vst.add.f32.msk $0xffff, v0  }
0x1a6: {  	v0 =	vld [tilespmem:s0+$0xF248];
	_ =	sdelay $0x4  }
0x1a7: {  	[tilespmem:s2+$0xF248] =	vst.add.f32.msk $0xffff, v0  }
0x1a8: {  	v0 =	vld [tilespmem:s0+$0xF258];
	_ =	sdelay $0x4  }
0x1a9: {  	[tilespmem:s2+$0xF258] =	vst.add.f32.msk $0xffff, v0  }
0x1aa: {  	v0 =	vld [tilespmem:s0+$0xF268];
	_ =	sdelay $0x4  }
0x1ab: {  	[tilespmem:s2+$0xF268] =	vst.add.f32.msk $0xffff, v0  }
0x1ac: {  	v0 =	vld [tilespmem:s0+$0xF278];
	_ =	sdelay $0x4  }
0x1ad: {  	[tilespmem:s2+$0xF278] =	vst.add.f32.msk $0xffff, v0  }
0x1ae: {  	v0 =	vld [tilespmem:s0+$0xF288];
	_ =	sdelay $0x4  }
0x1af: {  	[tilespmem:s2+$0xF288] =	vst.add.f32.msk $0xffff, v0  }
0x1b0: {  	v0 =	vld [tilespmem:s0+$0xF298];
	_ =	sdelay $0x4  }
0x1b1: {  	[tilespmem:s2+$0xF298] =	vst.add.f32.msk $0xffff, v0  }
0x1b2: {  	v0 =	vld [tilespmem:s0+$0xF2A8]  }
.Ltmp26:
0x1b3: {  	_ = 	snop;
	(pc) =	sbr.rel .LBB2_33-.Ltmp26, $2  }
0x1b4: {  	_ =	sdelay $0x2  }
0x1b5: {  	[tilespmem:s2+$0xF2A8] =	vst.add.f32.msk $0xffff, v0  }
.LBB2_34:
0x1b6: {  	s0 =	simm.s32 $0x6;
	p1 =	seq.s32 s6, $0x0  }
0x1b7: {  	[sflag:s0] =	ssyncpa.u1 $0x1;
	v0 =	vimm.s32 @p1 $0xFFFFFFFF  }
0x1b8: {  	s9 =	sadd.s32 $0xFFFFFFFF, s6;
	[tilespmem:$0x10238] =	vst @p1 v0  }
0x1b9: {  	v0 =	vld.msk @!p1 [tilespmem:s9+$0xF218], $0x1;
	_ =	sdelay $0x1  }
0x1ba: {  	v1 =	vld.msk @!p1 [tilespmem:$0xF218], $0x1;
	_ =	sdelay $0x2  }
0x1bb: {  	p2 =	seq.s32 @!p1 s9, $0x0;
	v0 =	vbroadcast @!p1 v0, $0x0  }
0x1bc: {  	vm0 =	vmmov @!p1 $0x1;
	p2 =	por !p2, p1  }
0x1bd: {  	v1 =	vnsel @!p1 vm0, $0xFFFFFFFF, v1;
	vm0 =	vcmask @!p1 $0x308;
	v0 =	vpsel !p2, $0xFFFFFFFF, v0  }
0x1be: {  	p2 =	sne.s32 @!p1 s8, s7;
	v0 =	vsel @!p1 vm0, v1, v0  }
0x1bf: {  	s0 =	simm.s32 @!p1 $0xF238;
	s2 =	simm.s32 @!p1 $0x0;
	p3 =	por !p2, p1;
	[tilespmem:$0x10238] =	vst @!p1 v0  }
0x1c0: {  	[spmem:s2] =	stream.linear.scatter @!p1 [tilespmem:s0], [sflag:$0x1], $0x80, $0x38;
	[tilespmem:$0x1F6F8] =	vst v63  }
0x1c1: {  	s0 =	sshll.u32 @!p3 s9, $0x9  }
0x1c2: {  	s0 =	sshra.s32 @!p3 s0, $0x2  }
0x1c3: {  	s2 =	simm.s32 @!p3 $0x80;
	s0 =	sadd.s32 @!p3 $0xF238, s0  }
0x1c4: {  	[spmem:s2] =	stream.linear.scatter @!p3 [tilespmem:s0], [sflag:$0x1], $0x80, $0x38;
	[tilespmem:$0x1F6F8] =	vst v63  }
0x1c5: {  	s0 =	simm.s32 @!p3 $0x1  }
0x1c6: {  	_ =	swait.ge @!p3 [sflag:s0], $0x100  }
0x1c7: {  	p1 =	por p2, p1;
	[sflag:s0] =	ssyncset.done @!p3 $0x0  }
0x1c8: {  	[sflag:s0] =	ssyncadd.s32 @!p3 $0xFFFFFF00;
	s0 =	simm.s32 @!p1 $0x1  }
0x1c9: {  	_ =	swait.ge @!p1 [sflag:s0], $0x80  }
0x1ca: {  	s29 =	simm.s32 $0x10238;
	[sflag:s0] =	ssyncset.done @!p1 $0x0  }
0x1cb: {  	s30 =	simm.s32 $0x1000;
	s31 =	simm.s32 $0x1;
	[sflag:s0] =	ssyncadd.s32 @!p1 $0xFFFFFF80  }
0x1cc: {  	[spmem:s30] =	stream.linear.scatter [tilespmem:s29], [sflag:$0x1], $0x10, $0x38;
	[tilespmem:$0x1F6F8] =	vst v63  }
0x1cd: {  	_ =	swait.ge [sflag:s31], $0x10  }
0x1ce: {  	[sflag:s31] =	ssyncset.done $0x0  }
0x1cf: {  	p1 =	seq.s32 s15, $0x0;
	s8 =	rddreg [dreg:$0x2];
	[sflag:s31] =	ssyncadd.s32 $0xFFFFFFF0  }
0x1d0: {  	s2 =	sshll.u32 @p1 s8, $0xE;
	s7 =	rddreg [dreg:$0x3]  }
0x1d1: {  	s0 =	sadd.s32 @p1 $0x15C3C, s2;
	s2 =	sshll.u32 @p1 s7, $0x11  }
0x1d2: {  	_ =	sfence.stream.spmem;
	s0 =	sor.u32 @p1 s2, s0  }
0x1d3: {  	[sflag:s0] =	ssyncadd.remote.s32 @p1 $0x1;
	s0 =	simm.s32 @p1 $0x4  }
0x1d4: {  	s3 =	simm.s32 @!p1 $0x3C;
	s2 =	sand.u32 $0xFFFFFFFE, s8;
	_ =	swait.ge @p1 [sflag:s0], $0x22  }
0x1d5: {  	s4 =	simm.s32 @!p1 $0x0;
	s2 =	sadd.s32 @!p1 $0x4, s2;
	[sflag:s0] =	ssyncset.done @p1 $0x0  }
0x1d6: {  	s5 =	simm.s32 @!p1 $0x100;
	[sflag:s0] =	ssyncadd.s32 @p1 $0xFFFFFFDE;
	s0 =	sshll.u32 @!p1 s2, $0x1A  }
0x1d7: {  	s2 =	sshll.u32 @!p1 s2, $0xD;
	s0 =	sor.u32 @!p1 s0, s7;
	_ =	swait.eq @!p1 [sflag:s3], $0x1  }
0x1d8: {  	s2 =	sor.u32 @!p1 $0x1C04, s2;
	s3 =	simm.s32 @!p1 $0x1C03;
	s0 =	sor.u32 @!p1 $0x80004000, s0  }
0x1d9: {  	[spmem:s5], [sflag:s2] =	dma.general @!p1 [spmem:s4], [sflag:s3], length:$0x20, [dreg:$0x0], stride_count:$0x0, ici_dest:s0, dma_misc:DstOpCode:WRITE  }
0x1da: {  	p2 =	slt.s32 s9, $0x2;
	s4 =	simm.s32 @!p1 $0x200;
	s5 =	simm.s32 @!p1 $0x202  }
0x1db: {  	[spmem:s5], [sflag:s2] =	dma.general @!p1 [spmem:s4], [sflag:s3], length:$0x2, [dreg:$0x0], stride_count:$0x0, ici_dest:s0, dma_misc:DstOpCode:WRITE  }
.Ltmp27:
0x1dc: {  	s0 =	simm.s32 @!p1 $0x3;
	(pc) =	sbr.rel @p2 .LBB2_38-.Ltmp27, $4  }
0x1dd: {  	s2 =	sshll.u32 @!p1 s8, $0xE;
	_ =	swait.ge @!p1 [sflag:s0], $0x22  }
0x1de: {  	s3 =	sshll.u32 @!p1 s7, $0x11;
	s2 =	sadd.s32 @!p1 $0x11C3C, s2;
	[sflag:s0] =	ssyncset.done @!p1 $0x0  }
0x1df: {  	[sflag:s0] =	ssyncadd.s32 @!p1 $0xFFFFFFDE;
	s0 =	sor.u32 @!p1 s3, s2  }
0x1e0: {  	[sflag:s0] =	ssyncadd.remote.s32 @!p1 $0xFFFFFFFF;
	s0 =	simm.s32 $0x0  }
0x1e1: {  	s0 =	simm.s32 $0xF219  }
0x1e2: {  	v0 =	vld.msk [tilespmem:s0+$0x0], $0x1;
	_ =	sdelay $0x4  }
0x1e3: {  	(v2sf) =	vpush v0, $0x0;
	_ =	sdelay $0xb  }
0x1e4: {  	s31 =	sadd.s32 $0xFFFFFFFE, s6  }
0x1e5: {  	s0 =	sadd.s32 $0xFFFFFFFF, s31  }
0x1e6: {  	p2 =	sne.s32 s0, $0x0  }
.Ltmp28:
0x1e7: {  	s2 =	spop (v2sf);
	(pc) =	sbr.rel @!p2 .LBB2_37-.Ltmp28, $4  }
0x1e8: {  	s4 =	simm.s32 $0xF2B8;
	s7 =	simm.s32 $0x0;
	p1 =	sgt.u32 s2, $0x270F0  }
0x1e9: {  	s5 =	simm.s32 $0x0;
	s6 =	simm.s32 $0xF21A;
	s3 =	sand.u32 @!p1 $0x3FFF8, s2  }
0x1ea: {  	s2 =	sand.u32 @!p1 $0x7, s2;
	s7 =	simm.s32 @!p1 $0x200;
	s3 =	sadd.s32 @!p1 s1, s3  }
0x1eb: {  	[hbm4b:s3+s2] =	stream.linear.scatter @!p1 [tilespmem:s4], [sflag:$0x5], $0x80, $0x38;
	[tilespmem:$0x1F6F8] =	vst v63  }
.LBB2_36:
0x1ec: {  	v0 =	vld.msk [tilespmem:s6+$0x0], $0x1;
	s0 =	sadd.s32 $0xFFFFFFFF, s0;
	s5 =	sadd.s32 s5, s7  }
0x1ed: {  	p1 =	sne.s32 s0, $0x0;
	_ =	sdelay $0x3  }
0x1ee: {  	(v2sf) =	vpush v0, $0x0;
	_ =	sdelay $0xe  }
.Ltmp29:
0x1ef: {  	s2 =	spop (v2sf);
	(pc) =	sbr.rel @p1 .LBB2_36-.Ltmp29, $4  }
0x1f0: {  	s7 =	simm.s32 $0x0;
	p2 =	sgt.u32 s2, $0x270F0  }
0x1f1: {  	s4 =	sadd.s32 $0x80, s4;
	s7 =	simm.s32 @!p2 $0x200;
	s3 =	sand.u32 @!p2 $0x3FFF8, s2  }
0x1f2: {  	s6 =	sadd.s32 $0x1, s6;
	s2 =	sand.u32 @!p2 $0x7, s2;
	s3 =	sadd.s32 @!p2 s1, s3  }
0x1f3: {  	[hbm4b:s3+s2] =	stream.linear.scatter @!p2 [tilespmem:s4], [sflag:$0x5], $0x80, $0x38;
	[tilespmem:$0x1F6F8] =	vst v63  }
.LBB2_37:
0x1f4: {  	s0 =	sadd.s32 s5, s7  }
0x1f5: {  	s0 =	sshrl.u32 s0, $0x2  }
.LBB2_38:
0x1f6: {  	s2 =	simm.s32 $0x5  }
0x1f7: {  	_ =	swait.ge [sflag:s2], s0  }
0x1f8: {  	s31 =	ssub.s32 $0x0, s0;
	[sflag:s2] =	ssyncset.done $0x0  }
0x1f9: {  	[sflag:s2] =	ssyncadd.s32 s31  }
0x1fa: {  	[sflag:s2] =	ssyncpa.u1 $0x1  }
.LBB2_39:
0x1fb: {  	s0 =	sor.u32 s15, s16  }
0x1fc: {  	p1 =	sne.s32 s0, $0x0  }
.Ltmp30:
0x1fd: {  	_ = 	snop;
	(pc) =	sbr.rel @p1 .LBB2_54-.Ltmp30, $3  }
0x1fe: {  	_ =	sdelay $0x1  }
0x1ff: {  	[bflag:$0x0] =	sbarrier.arrive $0xFFFF  }
0x200: {  	_ =	sfence  }
0x201: {  	s0 =	simm.s32 $0x7  }
0x202: {  	s2 =	simm.s32 $0x1000;
	s3 =	simm.s32 $0xF218;
	[sflag:s0] =	ssyncpa.u1 $0x0  }
0x203: {  	[tilespmem:s3], [sflag:$0x7] =	stream.linear.gather [spmem:s2], $0x20, $0x38;
	[tilespmem:$0x1F6F8] =	vst v63  }
0x204: {  	s30 =	simm.s32 $0xF238;
	s2 =	simm.s32 $0x0  }
0x205: {  	[tilespmem:s30], [sflag:$0x7] =	stream.linear.gather [spmem:s2], $0x1000, $0x38;
	[tilespmem:$0x1F6F8] =	vst v63  }
.Ltmp31:
0x206: {  	_ = 	snop;
	(pc) =	sbr.rel .LBB2_41-.Ltmp31, $4  }
0x207: {  	_ =	swait.ge [sflag:s0], $0x1020  }
0x208: {  	[sflag:s0] =	ssyncset.done $0x0  }
0x209: {  	s31 =	simm.s32 $0x8;
	[sflag:s0] =	ssyncadd.s32 $0xFFFFEFE0  }
0x20a: {  	s3 =	simm.s32 $0x0;
	[sflag:s31] =	ssyncpa.u1 $0x0  }
.LBB2_47:
0x20b: {  	p1 =	slt.u32 s4, $0x270F1  }
0x20c: {  	s0 =	sand.u32 @p1 $0x3FFF8, s4  }
0x20d: {  	s4 =	sand.u32 @p1 $0x7, s4;
	s5 =	simm.s32 @p1 $0xF188;
	s0 =	sadd.s32 @p1 s1, s0  }
0x20e: {  	[tilespmem:s5], [sflag:$0x8] =	stream.linear.gather @p1 [hbm4b:s0+s4], $0x80, $0x38;
	[tilespmem:$0x1F6F8] =	vst v63  }
0x20f: {  	s0 =	simm.s32 @p1 $0x8  }
0x210: {  	_ =	swait.ge @p1 [sflag:s0], $0x80  }
0x211: {  	[sflag:s0] =	ssyncset.done @p1 $0x0  }
0x212: {  	[sflag:s0] =	ssyncadd.s32 @p1 $0xFFFFFF80  }
0x213: {  	v1 =	vld @p1 [tilespmem:$0xF188];
	_ =	sdelay $0x2  }
0x214: {  	s0 =	sshll.u32 @p1 s3, $0x9  }
0x215: {  	s4 =	sshrl.u32 @p1 s0, $0x2  }
0x216: {  	[tilespmem:s4+$0xF238] =	vst.add.f32.msk @p1 $0xffff, v1  }
0x217: {  	v1 =	vld @p1 [tilespmem:$0xF198];
	_ =	sdelay $0x4  }
0x218: {  	[tilespmem:s4+$0xF248] =	vst.add.f32.msk @p1 $0xffff, v1  }
0x219: {  	v1 =	vld @p1 [tilespmem:$0xF1A8];
	_ =	sdelay $0x4  }
0x21a: {  	[tilespmem:s4+$0xF258] =	vst.add.f32.msk @p1 $0xffff, v1  }
0x21b: {  	v1 =	vld @p1 [tilespmem:$0xF1B8];
	_ =	sdelay $0x4  }
0x21c: {  	[tilespmem:s4+$0xF268] =	vst.add.f32.msk @p1 $0xffff, v1  }
0x21d: {  	v1 =	vld @p1 [tilespmem:$0xF1C8];
	_ =	sdelay $0x4  }
0x21e: {  	[tilespmem:s4+$0xF278] =	vst.add.f32.msk @p1 $0xffff, v1  }
0x21f: {  	v1 =	vld @p1 [tilespmem:$0xF1D8];
	_ =	sdelay $0x4  }
0x220: {  	[tilespmem:s4+$0xF288] =	vst.add.f32.msk @p1 $0xffff, v1  }
0x221: {  	v1 =	vld @p1 [tilespmem:$0xF1E8];
	_ =	sdelay $0x4  }
0x222: {  	[tilespmem:s4+$0xF298] =	vst.add.f32.msk @p1 $0xffff, v1  }
0x223: {  	v1 =	vld @p1 [tilespmem:$0xF1F8];
	_ =	sdelay $0x3  }
0x224: {  	s5 =	sshll.u32 @!p1 s3, $0x9  }
0x225: {  	s5 =	smov.u32 @p1 s0;
	[tilespmem:s4+$0xF2A8] =	vst.add.f32.msk @p1 $0xffff, v1  }
0x226: {  	s0 =	sshrl.u32 s5, $0x2;
	[tilespmem:s2+$0xF218] =	vst.msk $0x1, v0  }
0x227: {  	v0 =	vld [tilespmem:s0+$0xF238];
	_ =	sdelay $0x2  }
0x228: {  	s31 =	sshll.u32 s2, $0x9  }
0x229: {  	s4 =	sshra.s32 s31, $0x2  }
0x22a: {  	[tilespmem:s4+$0xF238] =	vst v0  }
0x22b: {  	v0 =	vld [tilespmem:s0+$0xF248];
	_ =	sdelay $0x4  }
0x22c: {  	[tilespmem:s4+$0xF248] =	vst v0  }
0x22d: {  	v0 =	vld [tilespmem:s0+$0xF258];
	_ =	sdelay $0x4  }
0x22e: {  	[tilespmem:s4+$0xF258] =	vst v0  }
0x22f: {  	v0 =	vld [tilespmem:s0+$0xF268];
	_ =	sdelay $0x4  }
0x230: {  	[tilespmem:s4+$0xF268] =	vst v0  }
0x231: {  	v0 =	vld [tilespmem:s0+$0xF278];
	_ =	sdelay $0x4  }
0x232: {  	[tilespmem:s4+$0xF278] =	vst v0  }
0x233: {  	v0 =	vld [tilespmem:s0+$0xF288];
	_ =	sdelay $0x4  }
0x234: {  	[tilespmem:s4+$0xF288] =	vst v0  }
0x235: {  	v0 =	vld [tilespmem:s0+$0xF298];
	_ =	sdelay $0x4  }
0x236: {  	[tilespmem:s4+$0xF298] =	vst v0  }
0x237: {  	v0 =	vld [tilespmem:s0+$0xF2A8];
	_ =	sdelay $0x4  }
0x238: {  	s2 =	sadd.s32 $0x1, s2;
	[tilespmem:s4+$0xF2A8] =	vst v0  }
.LBB2_48:
0x239: {  	s3 =	sadd.s32 $0x1, s3  }
0x23a: {  	p1 =	sne.s32 s3, $0x20  }
.Ltmp32:
0x23b: {  	_ = 	snop;
	(pc) =	sbr.rel @!p1 .LBB2_49-.Ltmp32, $1  }
0x23c: {  	_ =	sdelay $0x3  }
.LBB2_41:
0x23d: {  	v0 =	vld.msk [tilespmem:s3+$0xF218], $0x1;
	_ =	sdelay $0x4  }
0x23e: {  	(v2sf) =	vpush v0, $0x0;
	_ =	sdelay $0xe  }
0x23f: {  	s4 =	spop (v2sf)  }
0x240: {  	p1 =	seq.s32 s4, $0xFFFFFFFF  }
.Ltmp33:
0x241: {  	_ = 	snop;
	(pc) =	sbr.rel @p1 .LBB2_48-.Ltmp33, $1  }
0x242: {  	_ =	sdelay $0x3  }
0x243: {  	p1 =	slt.s32 s2, $0x1  }
.Ltmp34:
0x244: {  	_ = 	snop;
	(pc) =	sbr.rel @p1 .LBB2_47-.Ltmp34, $1  }
0x245: {  	_ =	sdelay $0x3  }
0x246: {  	s5 =	simm.s32 $0xF218;
	p1 =	por $0x0, $0x0  }
0x247: {  	v1 =	vld.msk @!p1 [tilespmem:s5+$0x0], $0x1;
	_ =	sdelay $0x4  }
0x248: {  	(v2sf) =	vpush @!p1 v1, $0x0;
	_ =	sdelay $0xd  }
0x249: {  	p3 =	sne.s32 s2, $0x1  }
.Ltmp35:
0x24a: {  	s0 =	spop @!p1 (v2sf);
	(pc) =	sbr.rel @!p3 .LBB2_45-.Ltmp35, $4  }
0x24b: {  	p2 =	seq.s32 @!p1 s4, s0  }
0x24c: {  	s6 =	simm.s32 $0x0;
	p2 =	por !p2, p1  }
0x24d: {  	s7 =	simm.s32 $0xFFFFFFFF;
	s6 =	simm.s32 @p2 $0xFFFFFFFF  }
0x24e: {  	s0 =	simm.s32 $0x1;
	s6 =	smov.u32 @p1 s7  }
.LBB2_44:
0x24f: {  	s7 =	smov.u32 s6;
	p1 =	sne.s32 s6, $0xFFFFFFFF  }
0x250: {  	s5 =	sadd.s32 $0x1, s5;
	s6 =	smov.u32 s0;
	s0 =	sadd.s32 $0x1, s0  }
0x251: {  	p2 =	sne.s32 s2, s0;
	v1 =	vld.msk @!p1 [tilespmem:s5+$0x0], $0x1;
	_ =	sdelay $0x4  }
0x252: {  	(v2sf) =	vpush @!p1 v1, $0x0;
	_ =	sdelay $0xe  }
.Ltmp36:
0x253: {  	s8 =	spop @!p1 (v2sf);
	(pc) =	sbr.rel @p2 .LBB2_44-.Ltmp36, $4  }
0x254: {  	p3 =	seq.s32 @!p1 s4, s8  }
0x255: {  	p3 =	por !p3, p1  }
0x256: {  	s6 =	simm.s32 @p3 $0xFFFFFFFF  }
0x257: {  	s6 =	smov.u32 @p1 s7  }
.LBB2_45:
0x258: {  	p1 =	seq.s32 s6, $0xFFFFFFFF  }
.Ltmp37:
0x259: {  	_ = 	snop;
	(pc) =	sbr.rel @p1 .LBB2_47-.Ltmp37, $1  }
0x25a: {  	_ =	sdelay $0x3  }
0x25b: {  	s0 =	sshll.u32 s3, $0x7  }
0x25c: {  	s0 =	sand.u32 $0x3FFFFF80, s0  }
0x25d: {  	v0 =	vld [tilespmem:s0+$0xF238];
	_ =	sdelay $0x2  }
0x25e: {  	s4 =	sshll.u32 s6, $0x9  }
0x25f: {  	s4 =	sshra.s32 s4, $0x2  }
0x260: {  	[tilespmem:s4+$0xF238] =	vst.add.f32.msk $0xffff, v0  }
0x261: {  	v0 =	vld [tilespmem:s0+$0xF248];
	_ =	sdelay $0x4  }
0x262: {  	[tilespmem:s4+$0xF248] =	vst.add.f32.msk $0xffff, v0  }
0x263: {  	v0 =	vld [tilespmem:s0+$0xF258];
	_ =	sdelay $0x4  }
0x264: {  	[tilespmem:s4+$0xF258] =	vst.add.f32.msk $0xffff, v0  }
0x265: {  	v0 =	vld [tilespmem:s0+$0xF268];
	_ =	sdelay $0x4  }
0x266: {  	[tilespmem:s4+$0xF268] =	vst.add.f32.msk $0xffff, v0  }
0x267: {  	v0 =	vld [tilespmem:s0+$0xF278];
	_ =	sdelay $0x4  }
0x268: {  	[tilespmem:s4+$0xF278] =	vst.add.f32.msk $0xffff, v0  }
0x269: {  	v0 =	vld [tilespmem:s0+$0xF288];
	_ =	sdelay $0x4  }
0x26a: {  	[tilespmem:s4+$0xF288] =	vst.add.f32.msk $0xffff, v0  }
0x26b: {  	v0 =	vld [tilespmem:s0+$0xF298];
	_ =	sdelay $0x4  }
0x26c: {  	[tilespmem:s4+$0xF298] =	vst.add.f32.msk $0xffff, v0  }
0x26d: {  	v0 =	vld [tilespmem:s0+$0xF2A8]  }
.Ltmp38:
0x26e: {  	_ = 	snop;
	(pc) =	sbr.rel .LBB2_48-.Ltmp38, $2  }
0x26f: {  	_ =	sdelay $0x2  }
0x270: {  	[tilespmem:s4+$0xF2A8] =	vst.add.f32.msk $0xffff, v0  }
.LBB2_49:
0x271: {  	p1 =	slt.s32 s2, $0x1  }
.Ltmp39:
0x272: {  	_ = 	snop;
	(pc) =	sbr.rel @p1 .LBB2_53-.Ltmp39, $3  }
0x273: {  	_ =	sdelay $0x1  }
0x274: {  	s0 =	simm.s32 $0x8  }
0x275: {  	s3 =	simm.s32 $0x0;
	[sflag:s0] =	ssyncpa.u1 $0x1  }
0x276: {  	s0 =	simm.s32 $0xF218  }
0x277: {  	v0 =	vld.msk [tilespmem:s0+$0x0], $0x1;
	_ =	sdelay $0x4  }
0x278: {  	(v2sf) =	vpush v0, $0x0;
	_ =	sdelay $0xe  }
0x279: {  	s0 =	sadd.s32 $0xFFFFFFFF, s2;
	s5 =	spop (v2sf)  }
0x27a: {  	p2 =	sne.s32 s0, $0x0;
	p1 =	sgt.u32 s5, $0x270F0  }
.Ltmp40:
0x27b: {  	s6 =	sand.u32 @!p1 $0x3FFF8, s5;
	(pc) =	sbr.rel @!p2 .LBB2_52-.Ltmp40, $4  }
0x27c: {  	s4 =	simm.s32 $0xF238;
	s5 =	sand.u32 @!p1 $0x7, s5;
	s2 =	sadd.s32 @!p1 s1, s6  }
0x27d: {  	[hbm4b:s2+s5] =	stream.linear.scatter @!p1 [tilespmem:s4], [sflag:$0x7], $0x80, $0x38;
	[tilespmem:$0x1F6F8] =	vst v63  }
0x27e: {  	s5 =	simm.s32 $0x0  }
0x27f: {  	s2 =	simm.s32 $0xF219;
	s5 =	simm.s32 @!p1 $0x200  }
.LBB2_51:
0x280: {  	v0 =	vld.msk [tilespmem:s2+$0x0], $0x1;
	s0 =	sadd.s32 $0xFFFFFFFF, s0;
	s3 =	sadd.s32 s3, s5  }
0x281: {  	p1 =	sne.s32 s0, $0x0;
	_ =	sdelay $0x3  }
0x282: {  	(v2sf) =	vpush v0, $0x0;
	_ =	sdelay $0xe  }
.Ltmp41:
0x283: {  	s6 =	spop (v2sf);
	(pc) =	sbr.rel @p1 .LBB2_51-.Ltmp41, $4  }
0x284: {  	s5 =	simm.s32 $0x0;
	p2 =	sgt.u32 s6, $0x270F0  }
0x285: {  	s4 =	sadd.s32 $0x80, s4;
	s5 =	simm.s32 @!p2 $0x200;
	s7 =	sand.u32 @!p2 $0x3FFF8, s6  }
0x286: {  	s2 =	sadd.s32 $0x1, s2;
	s6 =	sand.u32 @!p2 $0x7, s6;
	s7 =	sadd.s32 @!p2 s1, s7  }
0x287: {  	[hbm4b:s7+s6] =	stream.linear.scatter @!p2 [tilespmem:s4], [sflag:$0x7], $0x80, $0x38;
	[tilespmem:$0x1F6F8] =	vst v63  }
.LBB2_52:
0x288: {  	s0 =	sadd.s32 s3, s5  }
0x289: {  	s3 =	sshrl.u32 s0, $0x2  }
.LBB2_53:
0x28a: {  	s0 =	simm.s32 $0x7  }
0x28b: {  	_ =	swait.ge [sflag:s0], s3  }
0x28c: {  	s1 =	ssub.s32 $0x0, s3;
	[sflag:s0] =	ssyncset.done $0x0  }
0x28d: {  	[sflag:s0] =	ssyncadd.s32 s1  }
0x28e: {  	[sflag:s0] =	ssyncpa.u1 $0x1  }
.LBB2_54:
0x28f: {  	_ =	sfence;
	s0 =	simm.s32 $0x1  }
0x290: {  	[sflag:s0] =	ssyncpa.u1 $0x1  }
0x291: {  	_ =	strace $0x90000050  }
0x292: {  	[bflag:$0x2] =	sbarrier.arrive $0xFFFF  }
0x293: {  	s0 =	rddreg [dreg:$0x4]  }
0x294: {  	s0 =	sadd.s32 @!p0 $0x100000, s0  }
0x295: {  	[sflag:s0] =	ssyncadd.tile.s32 @!p0 $0x1;
	_ =	shalt  }
.Lfunc_end2:
_tile_overlayer_lowered:
.L_overlay_start_2:
0x296: {  	(tag) =	ssettag $0x2  }
0x297: {  	s0 =	rddreg [dreg:$0x0];
	s2 =	stileid.u32  }
0x298: {  	s1 =	rddreg [dreg:$0x1];
	p0 =	sne.s32 s2, $0x0  }
0x299: {  	s3 =	rddreg [dreg:$0x2];
	[bflag:$0x3] =	sbarrier.arrive $0xFFFF;
	s2 =	simm.s32 @!p0 $0x1C01  }
0x29a: {  	[timem:s3], [sflag:s2] =	dma.local @!p0 [hbm:s0], s1  }
0x29b: {  	s0 =	simm.s32 @!p0 $0x1  }
0x29c: {  	_ =	swait.ge @!p0 [sflag:s0], s1  }
0x29d: {  	s1 =	ssub.s32 @!p0 $0x0, s1;
	[sflag:s0] =	ssyncset.done @!p0 $0x0  }
0x29e: {  	[sflag:s0] =	ssyncadd.s32 @!p0 s1  }
0x29f: {  	[bflag:$0x3] =	sbarrier.arrive $0xFFFF  }
0x2a0: {  	_ =	shalt  }

// kernel: scatter_offload_async_start
scs
__scs_entry_jumppad:
0x0: {  	(pc) =	sbr.rel $0x88, $3  }
0x1: {  	(tag) =	ssettag $0x0;
	lr =	simm.s32 $0x1  }
0x2: {  	[smem:$0x3F92] =	sst lr;
	_ =	strace $0xD0000000  }
0x3: {  	_ = 	snop  }
0x4: {  	_ = 	snop  }
0x5: {  	_ = 	snop  }
0x6: {  	_ = 	snop  }
0x7: {  	_ = 	snop  }
__scs_overlays_trampoline_lowered:
0x8: {  	[smem:$0x3FA1] =	sst s0  }
0x9: {  	[smem:$0x3FA2] =	sst s1  }
0xa: {  	[smem:$0x3FA3] =	sst s2  }
0xb: {  	[smem:$0x3FA4] =	sst s3  }
0xc: {  	[smem:$0x3FA5] =	sst s4  }
0xd: {  	[smem:$0x3FA6] =	sst s5  }
0xe: {  	[smem:$0x3FA7] =	sst s6  }
0xf: {  	[smem:$0x3FA8] =	sst s7  }
0x10: {  	[smem:$0x3FA9] =	sst s8  }
0x11: {  	[smem:$0x3FAA] =	sst s9;
	s0 =	simm.s32 @!p0 $0x0  }
0x12: {  	s1 =	sld [smem:$0x3F90];
	s0 =	simm.s32 @p0 $0x1  }
0x13: {  	[smem:$0x3FAB] =	sst s0;
	s0 =	simm.s32 @!p1 $0x0  }
0x14: {  	s2 =	sld [smem:$0x3F8F];
	s0 =	simm.s32 @p1 $0x1  }
0x15: {  	[smem:$0x3FAC] =	sst s0;
	s0 =	simm.s32 @!p2 $0x0  }
0x16: {  	s3 =	sld [smem:$0x3FDB];
	s0 =	simm.s32 @p2 $0x1  }
0x17: {  	s4 =	simm.s32 $0x1BF5;
	[smem:$0x3FAE] =	sst s0  }
0x18: {  	s0 =	sld [smem:$0x3F91];
	_ =	swait.ge [sflag:s4], $0x0  }
0x19: {  	s7 =	sld [smem:$0x3F92]  }
0x1a: {  	s8 =	sadd.s32 $0xFFFFE003, lr  }
0x1b: {  	s9 =	sadd.s32 $0xFFFFFEF7, lr;
	s5 =	simm.s32 $0xFFFFFFFF;
	p2 =	slt.u32 s8, $0xFFFFF086  }
0x1c: {  	p1 =	slt.u32 s9, $0xF7A;
	s5 =	simm.s32 @!p2 $0x0  }
0x1d: {  	s5 =	simm.s32 @p1 $0x1;
	p0 =	seq.s32 s7, s2  }
0x1e: {  	s7 =	smul.u32 @!p0 $0xF7A, s2;
	p2 =	seq.s32 @!p0 s5, $0x0  }
0x1f: {  	s9 =	smul.u32 $0xF7A, s1;
	s8 =	simm.s32 @!p0 $0x1BF5;
	p2 =	por !p2, p0  }
0x20: {  	[sflag:s8] =	ssyncset.s32 @!p0 $0xFFFFF086;
	s6 =	sadd.s32 @!p0 s3, s7;
	s7 =	simm.s32 @!p0 $0x108  }
0x21: {  	s3 =	sadd.s32 s3, s9;
	s6 =	sadd.s32 @!p0 $0x88, s6;
	s7 =	simm.s32 @p2 $0x1082  }
0x22: {  	[simem:s7], [sflag:s8] =	dma.local @!p0 [hbm:s6], $0xF7A  }
0x23: {  	s9 =	sor.u32 $0xD0000000, s2;
	s6 =	simm.s32 $0x108;
	_ =	swait.ge @!p0 [sflag:s8], $0x0  }
0x24: {  	s3 =	sadd.s32 $0x88, s3;
	s6 =	simm.s32 @!p1 $0x1082;
	[sflag:s4] =	ssyncset.s32 $0xFFFFF086  }
0x25: {  	[simem:s6], [sflag:s4] =	dma.local [hbm:s3], $0xF7A  }
0x26: {  	[smem:$0x3F92] =	sst s1;
	(tag) =	ssettag s2;
	_ =	strace s9  }
0x27: {  	s1 =	sld [smem:$0x3FA2]  }
0x28: {  	s2 =	sld [smem:$0x3FA3]  }
0x29: {  	s4 =	sld [smem:$0x3FA5]  }
0x2a: {  	p0 =	seq.s32 s5, $0x0;
	s5 =	sld [smem:$0x3FA6]  }
0x2b: {  	s6 =	sld [smem:$0x3FA7]  }
0x2c: {  	s7 =	sld [smem:$0x3FA8]  }
0x2d: {  	s3 =	simm.s32 $0x108;
	s8 =	sld [smem:$0x3FA9]  }
0x2e: {  	s3 =	simm.s32 @!p0 $0x1082;
	s9 =	sld [smem:$0x3FAA]  }
0x2f: {  	lr =	sadd.s32 s0, s3;
	s0 =	sld [smem:$0x3FA1]  }
0x30: {  	s3 =	sld [smem:$0x3FA4]  }
0x31: {  	[smem:$0x3FAD] =	sst s10  }
0x32: {  	s10 =	sld [smem:$0x3FAB];
	_ =	sdelay $0x3  }
0x33: {  	p0 =	seq.s32 s10, $0x1;
	s10 =	sld [smem:$0x3FAD];
	_ =	sdelay $0x3  }
0x34: {  	[smem:$0x3FAD] =	sst s10  }
0x35: {  	s10 =	sld [smem:$0x3FAC];
	_ =	sdelay $0x3  }
0x36: {  	p1 =	seq.s32 s10, $0x1;
	s10 =	sld [smem:$0x3FAD];
	_ =	sdelay $0x3  }
0x37: {  	[smem:$0x3FAD] =	sst s10  }
0x38: {  	s10 =	sld [smem:$0x3FAE]  }
0x39: {  	_ = 	snop;
	(pc) =	sbr.ind lr, $3  }
0x3a: {  	_ = 	snop  }
0x3b: {  	_ = 	snop  }
0x3c: {  	p2 =	seq.s32 s10, $0x1;
	s10 =	sld [smem:$0x3FAD]  }
0x3d: {  	_ =	shalt  }
0x3e: {  	_ =	shalt  }
0x3f: {  	_ =	shalt  }
0x40: {  	_ =	shalt  }
0x41: {  	_ =	shalt  }
0x42: {  	_ =	shalt  }
0x43: {  	_ =	shalt  }
0x44: {  	_ =	shalt  }
0x45: {  	_ =	shalt  }
0x46: {  	_ =	shalt  }
0x47: {  	_ =	shalt  }
0x48: {  	_ =	shalt  }
0x49: {  	_ =	shalt  }
0x4a: {  	_ =	shalt  }
0x4b: {  	_ =	shalt  }
0x4c: {  	_ =	shalt  }
0x4d: {  	_ =	shalt  }
0x4e: {  	_ =	shalt  }
0x4f: {  	_ =	shalt  }
0x50: {  	_ =	shalt  }
0x51: {  	_ =	shalt  }
0x52: {  	_ =	shalt  }
0x53: {  	_ =	shalt  }
0x54: {  	_ =	shalt  }
0x55: {  	_ =	shalt  }
0x56: {  	_ =	shalt  }
0x57: {  	_ =	shalt  }
0x58: {  	_ =	shalt  }
0x59: {  	_ =	shalt  }
0x5a: {  	_ =	shalt  }
0x5b: {  	_ =	shalt  }
0x5c: {  	_ =	shalt  }
0x5d: {  	_ =	shalt  }
0x5e: {  	_ =	shalt  }
0x5f: {  	_ =	shalt  }
0x60: {  	_ =	shalt  }
0x61: {  	_ =	shalt  }
0x62: {  	_ =	shalt  }
0x63: {  	_ =	shalt  }
0x64: {  	_ =	shalt  }
0x65: {  	_ =	shalt  }
0x66: {  	_ =	shalt  }
0x67: {  	_ =	shalt  }
0x68: {  	_ =	shalt  }
0x69: {  	_ =	shalt  }
0x6a: {  	_ =	shalt  }
0x6b: {  	_ =	shalt  }
0x6c: {  	_ =	shalt  }
0x6d: {  	_ =	shalt  }
0x6e: {  	_ =	shalt  }
0x6f: {  	_ =	shalt  }
0x70: {  	_ =	shalt  }
0x71: {  	_ =	shalt  }
0x72: {  	_ =	shalt  }
0x73: {  	_ =	shalt  }
0x74: {  	_ =	shalt  }
0x75: {  	_ =	shalt  }
0x76: {  	_ =	shalt  }
0x77: {  	_ =	shalt  }
0x78: {  	_ =	shalt  }
0x79: {  	_ =	shalt  }
0x7a: {  	_ =	shalt  }
0x7b: {  	_ =	shalt  }
0x7c: {  	_ =	shalt  }
0x7d: {  	_ =	shalt  }
0x7e: {  	_ =	shalt  }
0x7f: {  	_ =	shalt  }
0x80: {  	_ =	shalt  }
0x81: {  	_ =	shalt  }
0x82: {  	_ =	shalt  }
0x83: {  	_ =	shalt  }
0x84: {  	_ =	shalt  }
0x85: {  	_ =	shalt  }
0x86: {  	_ =	shalt  }
0x87: {  	_ =	shalt  }
.Lfunc_end0:
.L_simem_size_0:
called_computation_lowered:
.L_overlay_start_0:
0x88: {  	s0 =	sld [smem:$0x3FD9]  }
0x89: {  	s1 =	sld [smem:$0x3FFE];
	_ =	sdelay $0x3  }
0x8a: {  	s0 =	sadd.s32 s1, s0  }
0x8b: {  	[smem:$0x3FB9] =	sst s0  }
0x8c: {  	_ = 	snop  }
0x8d: {  	(tm) =	ssettm $0x1  }
0x8e: {  	s15 =	sld [smem:$0x3FFB];
	_ =	sdelay $0x3  }
0x8f: {  	_ =	strace s15  }
0x90: {  	s0 =	sld [smem:$0x3FFC];
	_ =	sdelay $0x3  }
0x91: {  	_ =	strace s0  }
0x92: {  	s0 =	sld [smem:$0x3FFD];
	_ =	sdelay $0x3  }
0x93: {  	_ =	strace s0  }
0x94: {  	_ =	strace $0x8FFFFFFF  }
0x95: {  	s16 =	sld [smem:$0x3FDB];
	_ =	sdelay $0x1  }
0x96: {  	s17 =	simm.s32 $_scs_section_size  }
0x97: {  	s2 =	simm.s32 $_size__tile_overlayer_lowered;
	s3 =	simm.s32 $_tile_overlayer_lowered  }
0x98: {  	s20 =	simm.s32 $0x1BFF;
	s19 =	sshll.u32 s3, $0x1;
	s0 =	sadd.s32 s17, s16  }
0x99: {  	s4 =	simm.s32 $0x0;
	s18 =	sshll.u32 s2, $0x1;
	s2 =	sadd.s32 s19, s0  }
0x9a: {  	[timem:s4], [sflag:s20] =	dma.local [hbm:s2], s18  }
0x9b: {  	_ =	swait.ge [sflag:s20], s18  }
0x9c: {  	s1 =	ssub.s32 $0x0, s18;
	[sflag:s20] =	ssyncset.done $0x0  }
0x9d: {  	[sflag:s20] =	ssyncadd.s32 s1;
	_ =	sdelay $0x1  }
0x9e: {  	s21 =	simm.s32 $0x1B8B  }
0x9f: {  	_ =	swait.ge [sflag:s21], $0x1  }
0xa0: {  	[sflag:s21] =	ssyncset.done $0x0  }
0xa1: {  	s23 =	simm.s32 $0x1B8E;
	s22 =	sld [smem:$0x3FFE];
	[sflag:s21] =	ssyncadd.s32 $0xFFFFFFFF  }
0xa2: {  	s24 =	simm.s32 $execute0_lowered;
	[smem:$0x3FD2] =	sst s23  }
0xa3: {  	s2 =	sshll.u32 s24, $0x1;
	_ =	strace $0x8000004C;
	[dreg:$0x1] =	wrdreg $0xFFFFFFFF  }
0xa4: {  	s25 =	simm.s32 $_size_execute0_lowered;
	s0 =	sadd.s32 s0, s2;
	[dreg:$0x0] =	wrdreg $0x0  }
0xa5: {  	s2 =	sshll.u32 s25, $0x1;
	[dreg:$0x2] =	wrdreg s0  }
0xa6: {  	[dreg:$0x3] =	wrdreg s2  }
0xa7: {  	[dreg:$0x4] =	wrdreg $0xC0  }
0xa8: {  	_ =	task [dreg:s4], $0x5FFFF  }
0xa9: {  	[dreg:$0x1] =	wrdreg $0xFFFFFFFF  }
0xaa: {  	[dreg:$0x0] =	wrdreg $0x60  }
0xab: {  	[dreg:$0x2] =	wrdreg s22  }
0xac: {  	[dreg:$0x3] =	wrdreg $0x9  }
0xad: {  	_ =	task.clear_ibuf [dreg:s4], $0x4FFFF;
	_ =	strace $0x9000004C  }
0xae: {  	s26 =	simm.s32 $0x9;
	_ =	strace $0x8000004E  }
0xaf: {  	_ =	swait.ge [sflag:s26], $0x1  }
0xb0: {  	[sflag:s26] =	ssyncadd.s32 $0xFFFFFFFF  }
0xb1: {  	_ =	strace $0x9000004E  }
0xb2: {  	_ =	sfence  }
0xb3: {  	s28 =	sld [smem:$0x0];
	_ =	sdelay $0x1  }
0xb4: {  	s29 =	srdreg.scid  }
0xb5: {  	s30 =	sshll.u32 s29, $0xD;
	s31 =	sshrl.u32 s29, $0x2  }
0xb6: {  	s1 =	sand.u32 $0x1, s29;
	s2 =	sand.u32 $0x4000, s30;
	s0 =	sadd.s32 s31, s28  }
0xb7: {  	s1 =	sor.u32 s2, s1;
	s0 =	sshll.u32 s0, $0x11  }
0xb8: {  	s0 =	sor.u32 s0, s1  }
0xb9: {  	s0 =	sadd.s32 $0x8F2B, s0  }
0xba: {  	[sflag:s0] =	ssyncadd.remote.s32 $0x1  }
0xbb: {  	_ =	sfence.sel $0xFFFF  }
0xbc: {  	[dreg:$0x0] =	wrdreg $0xFFFFFFFF;
	(pc) =	sbr.abs _section_cstart, $3  }
0xbd: {  	[dreg:$0x1] =	wrdreg $0xFFFFFFFF  }
0xbe: {  	_ =	task.clear_ibuf [dreg:s4], $0x2FFFF;
	_ =	strace $0x9FFFFFFF  }
0xbf: {  	(tm) =	ssettm $0x7FFFFFFF  }
tec
execute0_lowered:
.L_overlay_start_1:
0x0: {  	(tag) =	ssettag $0x1  }
0x1: {  	s0 =	rddreg [dreg:$0x0];
	_ =	strace $0x8000004D;
	s15 =	stileid.u32  }
0x2: {  	s2 =	simm.s32 $0x1;
	s1 =	smin.u32 s15, $0x8;
	s3 =	sshll.u32 s15, $0x1  }
0x3: {  	v1 =	vimm.s32 $0xFFFFFFFF;
	[sflag:s2] =	ssyncpa.u1 $0x0;
	s1 =	sadd.s32 s1, s3  }
0x4: {  	p0 =	slt.u32 s15, $0x8;
	[tilespmem:$0x10] =	vst v1;
	s4 =	smul.u32 $0x1F40, s1;
	s1 =	simm.s32 $0x5DC0  }
0x5: {  	v0 =	vimm.f32 $0.0e+00;
	[tilespmem:$0x20] =	vst v1;
	s1 =	simm.s32 @!p0 $0x3E80  }
0x6: {  	[tilespmem:$0x30] =	vst v0;
	s1 =	sadd.s32 s1, s4  }
0x7: {  	[tilespmem:$0x40] =	vst v0;
	s5 =	smin.u32 s1, $0x4E200  }
0x8: {  	s7 =	simm.s32 $0x2;
	s8 =	simm.s32 $0x8;
	[tilespmem:$0x50] =	vst v0;
	s9 =	ssub.s32 s5, s4  }
0x9: {  	s31 =	simm.s32 $0x9;
	s16 =	simm.s32 $0x0;
	[tilespmem:$0x60] =	vst v1;
	p0 =	sgt.s32 s9, $0x0  }
0xa: {  	s17 =	simm.s32 $0xF0;
	s18 =	simm.s32 $0xFFFFFFFF;
	[tilespmem:$0x70] =	vst v1;
	s9 =	simm.s32 @!p0 $0x0  }
0xb: {  	s19 =	simm.s32 $0xFFFFC280;
	s20 =	simm.s32 $0xFFFFFFFE;
	[tilespmem:$0x80] =	vst v1;
	s30 =	smulhi.u32 $0x10624DD3, s9  }
0xc: {  	s21 =	simm.s32 $0xF;
	s25 =	simm.s32 $0x0;
	s24 =	simm.s32 $0x0;
	v1 =	vimm.s32 $0x0;
	[tilespmem:$0xB0] =	vst v0  }
0xd: {  	s6 =	sadd.s32 $0x9E3400, s0;
	s15 =	sshllo.u32 s15, $0x1;
	[tilespmem:$0x90] =	vst v1;
	s10 =	sshrl.u32 s30, $0x9  }
0xe: {  	[tilespmem:$0xA0] =	vst v1;
	[sflag:s7] =	ssyncpa.u1 $0x0;
	s7 =	simm.s32 $0x7;
	s11 =	smul.u32 $0x1F40, s10  }
.Ltmp0:
0xf: {  	s13 =	sor.u32 $0x80, s3;
	[sflag:s7] =	ssyncpa.u1 $0x0;
	(pc) =	sbr.rel .LBB2_1-.Ltmp0, $4  }
0x10: {  	s14 =	sor.u32 $0x81, s3;
	[sflag:s8] =	ssyncpa.u1 $0x0;
	p0 =	sne.s32 s9, s11  }
0x11: {  	s23 =	smov.u32 s4;
	s1 =	sadd.s32 $0x9F7000, s0;
	s2 =	simm.s32 @!p0 $0x0  }
0x12: {  	vm0 =	vmmov $0xffff;
	v2 =	vlaneseq.u32;
	[sflag:s31] =	ssyncpa.u1 $0x0;
	s9 =	sadd.s32 $0x9ED200, s0;
	s10 =	sadd.s32 s2, s10  }
0x13: {  	vm1 =	vmxor vm1, vm1;
	vm2 =	vmmov $0x1;
	vm3 =	vcmask $0x3F3C;
	p0 =	por $0x0, $0x0;
	s11 =	sadd.s32 $0x1, s10;
	s12 =	sadd.s32 $0x2, s10  }
.LBB2_9:
0x14: {  	p1 =	slt.u32 s24, $0x3  }
0x15: {  	s0 =	simm.s32 @!p1 $0x2  }
0x16: {  	_ =	swait.ge @!p1 [sflag:s0], $0x1F40  }
0x17: {  	[sflag:s0] =	ssyncset.done @!p1 $0x0  }
0x18: {  	[sflag:s0] =	ssyncadd.s32 @!p1 $0xFFFFE0C0;
	s0 =	simm.s32 @!p1 $0x9  }
0x19: {  	_ =	swait.ge @!p1 [sflag:s0], $0x10  }
0x1a: {  	[sflag:s0] =	ssyncset.done @!p1 $0x0  }
0x1b: {  	[sflag:s0] =	ssyncadd.s32 @!p1 $0xFFFFFFF0;
	p1 =	sne.s32 s24, s12  }
.Ltmp1:
0x1c: {  	s2 =	sadd.s32 $0x1F40, s23;
	(pc) =	sbr.rel @!p1 .LBB2_10-.Ltmp1, $4  }
0x1d: {  	s22 =	smov.u32 s4;
	s31 =	sadd.s32 $0x1, s24;
	s17 =	sadd.s32 $0x1F40, s17  }
0x1e: {  	s18 =	sadd.s32 $0x1, s18;
	s25 =	smov.u32 s23;
	p2 =	slt.s32 s2, s5  }
0x1f: {  	p0 =	por !p0, !p0;
	s19 =	sadd.s32 $0x1F40, s19;
	s22 =	smov.u32 @p2 s2  }
0x20: {  	s20 =	sadd.s32 $0x1, s20;
	s23 =	smov.u32 s22;
	s24 =	smov.u32 s31  }
.LBB2_1:
0x21: {  	p1 =	sge.u32 s24, s10  }
0x22: {  	s0 =	smulhi.u32 @!p1 $0xAAAAAAAB, s24;
	_ =	sdelay $0x1  }
0x23: {  	s0 =	sshrl.u32 @!p1 s0, $0x1  }
0x24: {  	s0 =	smul.u32 @!p1 $0x3, s0;
	_ =	sdelay $0x1  }
0x25: {  	s0 =	ssub.s32 @!p1 s24, s0  }
0x26: {  	s0 =	smul.u32 @!p1 $0x7D00, s0;
	_ =	sdelay $0x1  }
0x27: {  	s2 =	sshrl.u32 @!p1 s23, $0x3;
	s0 =	sshrl.u32 @!p1 s0, $0x2  }
0x28: {  	s22 =	sand.u32 @!p1 $0x7, s23;
	s2 =	sadd.s32 @!p1 s6, s2;
	s0 =	sadd.s32 @!p1 $0x100, s0  }
0x29: {  	[tilespmem:s0], [sflag:$0x7] =	stream.linear.gather @!p1 [hbm4b:s2+s22], $0x1F40, $0x38;
	[tilespmem:$0x11A60] =	vst v63  }
0x2a: {  	s0 =	sadd.s32 $0xFFFFFFFF, s24  }
0x2b: {  	p1 =	sge.u32 s0, s10  }
.Ltmp2:
0x2c: {  	_ = 	snop;
	(pc) =	sbr.rel @p1 .LBB2_5-.Ltmp2, $1  }
0x2d: {  	_ =	sdelay $0x3  }
0x2e: {  	s2 =	smulhi.u32 $0xAAAAAAAB, s0;
	_ =	sdelay $0x1  }
0x2f: {  	s2 =	sshrl.u32 s2, $0x1  }
0x30: {  	s2 =	smul.u32 $0x3, s2;
	_ =	sdelay $0x1  }
0x31: {  	s2 =	ssub.s32 s0, s2  }
0x32: {  	s2 =	smul.u32 $0x7D00, s2  }
0x33: {  	_ =	swait.ge [sflag:s7], $0x1F40  }
0x34: {  	[sflag:s7] =	ssyncset.done $0x0;
	s2 =	sshrl.u32 s2, $0x2  }
0x35: {  	[sflag:s7] =	ssyncadd.s32 $0xFFFFE0C0;
	(ifvalue) =	ssetifvalue $0xFFFFFFFF;
	v3 =	vld.msk [tilespmem:s2+$0x100 ss:$0x1], $0xffff;
	_ =	sdelay $0x2  }
0x36: {  	s30 =	smulhi.u32 $0xAAAAAAAB, s18;
	p1 =	sne.s32 s24, $0x1  }
0x37: {  	v4 =	vimm.s32 @!p1 $0x0  }
0x38: {  	s2 =	sshrl.u32 s30, $0x1;
	v4 =	vperm.xlane @!p1 v3, v4  }
0x39: {  	s22 =	sshll.u32 s24, $0x4;
	s2 =	smul.u32 $0xFFFE8900, s2;
	vm4 =	vlt.u32 v3, $0x2800  }
0x3a: {  	s22 =	sand.u32 $0x10, s22;
	v3 =	vnsel vm4, $0xFFFFFFFE, v3;
	vm4 =	vlt.u32 @!p1 v4, $0x2800  }
0x3b: {  	s2 =	sshra.s32 s2, $0x2;
	[tilespmem:s22+$0x60] =	vst v3;
	v3 =	vnsel @!p1 vm4, $0xFFFFFFFE, v4  }
0x3c: {  	s28 =	sadd.s32 s2, s17;
	[tilespmem:$0x80] =	vst @!p1 v3  }
0x3d: {  	v3 =	vld.msk [tilespmem:s28+$0x0 ss:$0x1], $0xffff;
	_ =	sdelay $0x4  }
0x3e: {  	(xrf1) =	vunique.msk.u32 $0xffff, v3;
	_ =	sdelay $0xd  }
0x3f: {  	v4 =	vimm.s32 $0xFFFFFFFF;
	v5, _, _ =	vpop (xrf1)  }
0x40: {  	vm5 =	vne.s32 v3, v4;
	vm4 =	veq.s32 v5, v2  }
0x41: {  	vm6 =	vlt.u32 v3, $0x2800;
	vm4 =	vmand vm5, vm4  }
0x42: {  	vm4 =	vmand vm6, vm4  }
0x43: {  	v4 =	vnsel vm4, $0xFFFFFFFF, v3  }
0x44: {  	s31 =	sand.u32 $0x1, s0  }
0x45: {  	s0 =	simm.s32 $0x1F40;
	p1 =	seq.s32 s31, $0x1  }
0x46: {  	s0 =	simm.s32 @!p1 $0x0  }
0x47: {  	s26 =	sadd.s32 $0x7DF0, s0;
	(ifvalue) =	ssetifvalue $0xFFFFFFFF  }
0x48: {  	v3 =	vperm.xlane v3, v1;
	[tilespmem:s26], [sflag:$0x8] =	stream.indirect_vreg.gather [hbm4b:s1+s16], $0x1, v4, vm0, $0x4038;
	v4 =	vnsel vm6, $0xFFFFFFFE, v4;
	[tilespmem:$0x11A60] =	vst v63  }
0x49: {  	s2 =	simm.s32 $0x0;
	s22 =	sadd.s32 $0xFFFFFFF0, s28;
	[tilespmem:s28+$0x0] =	vst v4  }
.LBB2_3:
0x4a: {  	v4 =	vld.msk [tilespmem:s22+$0x0 ss:$0x1], $0xffff;
	s2 =	sadd.s32 $0x10, s2;
	v5 =	vmov v3;
	s28 =	smov.u32 s22  }
0x4b: {  	p1 =	slt.u32 s2, $0x1F30;
	_ =	sdelay $0x4  }
0x4c: {  	v3 =	vperm.xlane v4, v1;
	(xrf1) =	vunique.msk.u32 $0xffff, v4;
	_ =	sdelay $0xd  }
0x4d: {  	v6, _, _ =	vpop (xrf1)  }
0x4e: {  	vm5 =	vne.s32 v4, v5;
	vm4 =	veq.s32 v6, v2  }
0x4f: {  	vm6 =	vlt.u32 v4, $0x2800;
	vm4 =	vmand vm5, vm4  }
0x50: {  	vm4 =	vmand vm6, vm4  }
0x51: {  	v4 =	vnsel vm4, $0xFFFFFFFF, v4  }
.Ltmp3:
0x52: {  	v5 =	vnsel vm6, $0xFFFFFFFE, v4;
	(pc) =	sbr.rel @p1 .LBB2_3-.Ltmp3, $3  }
0x53: {  	_ =	sdelay $0x1  }
0x54: {  	s22 =	sadd.s32 $0xFFFFFFF0, s22;
	s26 =	sadd.s32 $0xFFFFFFF0, s26;
	(ifvalue) =	ssetifvalue $0xFFFFFFFF  }
0x55: {  	[tilespmem:s26], [sflag:$0x8] =	stream.indirect_vreg.gather [hbm4b:s1+s16], $0x1, v4, vm0, $0x4038;
	[tilespmem:s28+$0x0] =	vst v5  }
0x56: {  	s2 =	sshrl.u32 s25, $0x3  }
0x57: {  	s0 =	sadd.s32 $0x9D40, s0;
	s2 =	sadd.s32 s9, s2  }
0x58: {  	[tilespmem:s0], [sflag:$0x8] =	stream.linear.gather [hbm:s2], $0x1F40, $0x38;
	[tilespmem:$0x11A60] =	vst v63  }
.LBB2_5:
0x59: {  	p1 =	slt.u32 s24, $0x2  }
0x5a: {  	p2 =	sge.u32 @!p1 s24, s12  }
0x5b: {  	p1 =	por p1, p2  }
.Ltmp4:
0x5c: {  	_ = 	snop;
	(pc) =	sbr.rel @p1 .LBB2_9-.Ltmp4, $1  }
0x5d: {  	_ =	sdelay $0x3  }
0x5e: {  	s0 =	sadd.s32 $0xFFFFFFFE, s24  }
0x5f: {  	s2 =	smulhi.u32 $0xAAAAAAAB, s0;
	_ =	sdelay $0x1  }
0x60: {  	s2 =	sshrl.u32 s2, $0x1  }
0x61: {  	s2 =	smul.u32 $0x3, s2;
	_ =	sdelay $0x1  }
0x62: {  	s0 =	ssub.s32 s0, s2  }
0x63: {  	_ =	swait.ge [sflag:s8], $0x3E80;
	s0 =	smul.u32 $0x1F40, s0  }
0x64: {  	p1 =	sne.s32 s24, s11;
	[sflag:s8] =	ssyncset.done $0x0  }
0x65: {  	[sflag:s8] =	ssyncadd.s32 $0xFFFFC180;
	s2 =	sadd.s32 @!p1 $0x203F, s0  }
0x66: {  	[spmem:s14] =	stream.linear.scatter @!p1 [tilespmem:s2], [sflag:$0x1], $0x1, $0x38;
	[tilespmem:$0x11A60] =	vst v63  }
0x67: {  	s2 =	simm.s32 @!p1 $0x1  }
0x68: {  	_ =	swait.ge @!p1 [sflag:s2], $0x1  }
0x69: {  	s22 =	sshll.u32 s24, $0x4;
	[sflag:s2] =	ssyncset.done @!p1 $0x0  }
0x6a: {  	s25 =	sand.u32 $0x10, s22;
	[sflag:s2] =	ssyncadd.s32 @!p1 $0xFFFFFFFF  }
0x6b: {  	s2 =	sxor.u32 $0x10, s25;
	v4 =	vld [tilespmem:s25+$0x10]  }
0x6c: {  	v5 =	vld [tilespmem:s2+$0x60]  }
0x6d: {  	v3 =	vld [tilespmem:$0x80];
	_ =	sdelay $0x2  }
0x6e: {  	(v2sf) =	vpush v4, $0x0  }
0x6f: {  	(v2sf) =	vpush v5, $0x0  }
0x70: {  	(v2sf) =	vpush v3, $0x0;
	_ =	sdelay $0xc  }
0x71: {  	s22 =	spop (v2sf)  }
0x72: {  	s26 =	spop (v2sf)  }
0x73: {  	s28 =	spop (v2sf)  }
0x74: {  	p2 =	seq.s32 s22, s26;
	p3 =	seq.s32 s28, s22  }
0x75: {  	p3 =	por p2, p3  }
0x76: {  	s26 =	sand.u32 $0x1, s24;
	v4 =	vpsel p3, $0xFFFFFFFF, v4  }
0x77: {  	s29 =	smul.u32 $0x1F40, s26;
	[tilespmem:s25+$0x10] =	vst.msk $0x1, v4  }
0x78: {  	v4 =	vld [tilespmem:$0x30]  }
0x79: {  	v5 =	vld [tilespmem:s29+$0x9D40]  }
0x7a: {  	v6 =	vld [tilespmem:s25+$0x40];
	_ =	sdelay $0x3  }
0x7b: {  	vm4 =	vmmov vm1;
	v5 =	vadd.f32 v5, v4  }
0x7c: {  	vm5 =	vmmov vm2;
	vm4 =	vmmov @p2 vm2;
	s22 =	sshll.u32 s26, $0x4;
	v4 =	vadd.f32 v6, v4  }
0x7d: {  	s26 =	sor.u32 $0x11A40, s22;
	vm5 =	vmmov @p3 vm1;
	[tilespmem:s29+$0x9D40] =	vst.msk vm4, v5  }
0x7e: {  	[tilespmem:s26+$0x0] =	vst.msk vm5, v4  }
0x7f: {  	v4 =	vld [tilespmem:s29+$0x7DF0];
	_ =	sdelay $0x3  }
0x80: {  	v5 =	vimm.f32 $0.0e+00  }
0x81: {  	v4 =	vshift.insert v4, v5, s21  }
0x82: {  	s22 =	sor.u32 $0x40, s2  }
0x83: {  	[tilespmem:s22+$0x0] =	vst.msk $0x1, v4  }
0x84: {  	[tilespmem:s29+$0x7DFF] =	vst.msk $0x1, v5  }
0x85: {  	v4 =	vld [tilespmem:s0+$0x2030];
	_ =	sdelay $0x1  }
0x86: {  	s22 =	smulhi.u32 $0xAAAAAAAB, s20;
	s0 =	simm.s32 $0x1  }
0x87: {  	s0 =	simm.s32 @!p0 $0x0  }
0x88: {  	s22 =	sshrl.u32 s22, $0x1;
	s0 =	smul.u32 $0x7D00, s0  }
0x89: {  	s22 =	smul.u32 $0xFFFE8900, s22;
	v4 =	vshift.insert v4, v1, s21  }
0x8a: {  	s0 =	sshrl.u32 s0, $0x2  }
0x8b: {  	s22 =	sshra.s32 s22, $0x2;
	s30 =	sadd.s32 $0x9D40, s0;
	[tilespmem:s2+$0x10] =	vst.msk $0x1, v4  }
0x8c: {  	s22 =	sadd.s32 s22, s19;
	v6 =	vld [tilespmem:s30+$0x0]  }
0x8d: {  	v7 =	vld [tilespmem:s22+$0x0];
	_ =	sdelay $0x3  }
0x8e: {  	v5 =	vadd.f32 v6, v5  }
0x8f: {  	vm4 =	vne.s32 v7, $0xFFFFFFFF  }
0x90: {  	(xrf2) =	vadd.seg.scan.f32 vm4, v5;
	_ =	sdelay $0x3  }
0x91: {  	s31 =	sadd.s32 $0x5EC0, s0;
	v5 =	vperm.xlane v4, v1  }
0x92: {  	v6 =	vld [tilespmem:s31+$0x0]  }
0x93: {  	vm5 =	veq.s32 v7, v3;
	vm6 =	veq.s32 v7, v5  }
0x94: {  	vm7 =	vgt.u32 v7, $0xFFFFFFFD;
	vm6 =	vmor vm6, vm5  }
0x95: {  	vm6 =	vmor vm6, vm7  }
0x96: {  	v9 =	vld [tilespmem:$0xA0];
	v7 =	vsel vm6, $0xFFFFFFFF, v7  }
0x97: {  	v10 =	vld [tilespmem:$0x90];
	v6 =	vsel vm5, $0x0, v6;
	v8, _, _ =	vpop (xrf2)  }
0x98: {  	v6 =	vadd.f32 v8, v6  }
0x99: {  	s0 =	sadd.s32 $0xDBC0, s0  }
0x9a: {  	vm4 =	vmand vm4, vm3;
	[tilespmem:s0+$0x0] =	vst v6;
	(ifvalue) =	ssetifvalue $0xFFFFFFFF  }
0x9b: {  	vm6 =	veq.s32 v9, $0x1;
	[hbm4b:s1+s16] =	stream.indirect_vreg.scatter [tilespmem:s0], [sflag:$0x2], $0x1, v7, vm0, $0x4038;
	v7 =	vsel vm4, $0x0, v8;
	[tilespmem:$0x11A60] =	vst v63  }
0x9c: {  	s2 =	simm.s32 $0x0;
	s22 =	sadd.s32 $0x10, s22;
	vm4 =	vmor vm6, vm5;
	v6 =	vsel vm5, v8, v10;
	v7 =	vshift.insert v7, v0, s21  }
.LBB2_7:
0x9d: {  	v8 =	vld [tilespmem:s22+$0x0];
	s30 =	sadd.s32 $0x10, s30  }
0x9e: {  	s31 =	sadd.s32 $0x10, s31;
	v9 =	vld [tilespmem:s30+$0x0]  }
0x9f: {  	s2 =	sadd.s32 $0x10, s2;
	v10 =	vld [tilespmem:s31+$0x0]  }
0xa0: {  	p2 =	slt.u32 s2, $0x1F30;
	_ =	sdelay $0x2  }
0xa1: {  	v7 =	vadd.f32 v9, v7  }
0xa2: {  	vm5 =	vne.s32 v8, $0xFFFFFFFF  }
0xa3: {  	vm6 =	vmand vm5, vm3;
	(xrf2) =	vadd.seg.scan.f32 vm5, v7;
	_ =	sdelay $0x5  }
0xa4: {  	vm7 =	veq.s32 v8, v5;
	vm5 =	veq.s32 v8, v3  }
0xa5: {  	vm8 =	vgt.u32 v8, $0xFFFFFFFD;
	vm4 =	vmor vm4, vm5;
	vm7 =	vmor vm7, vm5  }
0xa6: {  	vm7 =	vmor vm7, vm8  }
0xa7: {  	v8 =	vsel vm7, $0xFFFFFFFF, v8  }
.Ltmp5:
0xa8: {  	v7 =	vsel vm5, $0x0, v10;
	v9, _, _ =	vpop (xrf2);
	(pc) =	sbr.rel @p2 .LBB2_7-.Ltmp5, $4  }
0xa9: {  	v6 =	vsel vm5, v9, v6;
	v10 =	vadd.f32 v9, v7;
	v7 =	vsel vm6, $0x0, v9  }
0xaa: {  	s0 =	sadd.s32 $0x10, s0;
	v7 =	vshift.insert v7, v0, s21  }
0xab: {  	s22 =	sadd.s32 $0x10, s22;
	[tilespmem:s0+$0x0] =	vst v10;
	(ifvalue) =	ssetifvalue $0xFFFFFFFF  }
0xac: {  	[hbm4b:s1+s16] =	stream.indirect_vreg.scatter [tilespmem:s0], [sflag:$0x2], $0x1, v8, vm0, $0x4038;
	[tilespmem:$0x11A60] =	vst v63  }
0xad: {  	v3 =	vld [tilespmem:s29+$0xFAF0];
	_ =	sdelay $0x4  }
0xae: {  	v3 =	vshift.insert v3, v0, s21  }
0xaf: {  	s0 =	simm.s32 $0x30  }
0xb0: {  	[tilespmem:s0+$0x0] =	vst.msk $0x1, v3  }
0xb1: {  	v3 =	vsel vm4, $0x1, v1;
	[tilespmem:$0x90] =	vst v6  }
0xb2: {  	s0 =	sadd.s32 @!p1 $0xFAFF, s29;
	[tilespmem:$0xA0] =	vst v3  }
0xb3: {  	[spmem:s15] =	stream.linear.scatter @!p1 [tilespmem:s0], [sflag:$0x1], $0x1, $0x38;
	[tilespmem:$0x11A60] =	vst v63  }
0xb4: {  	s0 =	simm.s32 @!p1 $0x1  }
0xb5: {  	v3 =	vmctz.xlane @!p1 vm4;
	_ =	swait.ge @!p1 [sflag:s0], $0x1  }
0xb6: {  	(v2sf) =	vpush @!p1 v4, $0x0  }
0xb7: {  	(v2sf) =	vpush @!p1 v3, $0x0;
	_ =	sdelay $0xd  }
0xb8: {  	s2 =	spop @!p1 (v2sf)  }
0xb9: {  	s22 =	spop @!p1 (v2sf)  }
0xba: {  	p2 =	sne.s32 @!p1 s28, s2;
	p3 =	slt.s32 @!p1 s22, $0xF  }
0xbb: {  	[sflag:s0] =	ssyncset.done @!p1 $0x0;
	p2 =	por p2, p1;
	p3 =	por !p3, p1  }
0xbc: {  	[sflag:s0] =	ssyncadd.s32 @!p1 $0xFFFFFFFF;
	v3 =	vimm.s32 @!p2 $0xFFFFFFFF;
	s22 =	simm.s32 @p3 $0xF  }
0xbd: {  	[tilespmem:$0x80] =	vst @!p2 v3;
	s2 =	sadd.s32 @!p1 $0x90, s22  }
0xbe: {  	[spmem:s3] =	stream.linear.scatter @!p1 [tilespmem:s2], [sflag:$0x1], $0x1, $0x38;
	[tilespmem:$0x11A60] =	vst v63  }
0xbf: {  	_ =	swait.ge @!p1 [sflag:s0], $0x1  }
0xc0: {  	[sflag:s0] =	ssyncset.done @!p1 $0x0  }
0xc1: {  	s2 =	simm.s32 @!p1 $0x80;
	[sflag:s0] =	ssyncadd.s32 @!p1 $0xFFFFFFFF  }
0xc2: {  	[spmem:s13] =	stream.linear.scatter @!p1 [tilespmem:s2], [sflag:$0x1], $0x1, $0x38;
	[tilespmem:$0x11A60] =	vst v63  }
0xc3: {  	_ =	swait.ge @!p1 [sflag:s0], $0x1  }
0xc4: {  	[sflag:s0] =	ssyncset.done @!p1 $0x0  }
0xc5: {  	[sflag:s0] =	ssyncadd.s32 @!p1 $0xFFFFFFFF;
	(ifvalue) =	ssetifvalue $0xFFFFFFFF;
	v3 =	vld [tilespmem:s25+$0x10];
	_ =	sdelay $0x3  }
.Ltmp6:
0xc6: {  	_ = 	snop;
	(pc) =	sbr.rel .LBB2_9-.Ltmp6, $3  }
0xc7: {  	_ =	sdelay $0x1  }
0xc8: {  	(ifvalue) =	ssetifvalue $0xFFFFFFFF  }
0xc9: {  	[hbm4b:s1+s16] =	stream.indirect_vreg.scatter [tilespmem:s26], [sflag:$0x9], $0x1, v3, vm0, $0x4038;
	[tilespmem:$0x11A60] =	vst v63  }
.LBB2_10:
0xca: {  	_ =	sfence.sel $0x180000  }
0xcb: {  	s0 =	simm.s32 $0x7;
	[bflag:$0x0] =	sbarrier.arrive $0xFFFF  }
0xcc: {  	s26 =	simm.s32 $0x8;
	[sflag:s0] =	ssyncpa.u1 $0x1  }
0xcd: {  	s28 =	simm.s32 $0x9;
	[sflag:s26] =	ssyncpa.u1 $0x1  }
0xce: {  	[sflag:s28] =	ssyncpa.u1 $0x1  }
0xcf: {  	_ =	sfence.stream.spmem  }
0xd0: {  	s29 =	simm.s32 $0x3;
	[bflag:$0x0] =	sbarrier.arrive $0xFFFF  }
0xd1: {  	s30 =	simm.s32 $0x4;
	[sflag:s29] =	ssyncpa.u1 $0x1  }
0xd2: {  	s31 =	simm.s32 $0x3C;
	s2 =	stileid.u32;
	[sflag:s30] =	ssyncpa.u1 $0x1  }
0xd3: {  	p0 =	sne.s32 s2, $0x0;
	[sflag:s31] =	ssyncpa.u1 $0x1  }
0xd4: {  	s0 =	simm.s32 @p0 $0x1;
	_ =	sfence @p0  }
0xd5: {  	[sflag:s0] =	ssyncpa.u1 @p0 $0x1;
	s0 =	simm.s32 @p0 $0x2  }
0xd6: {  	[sflag:s0] =	ssyncpa.u1 @p0 $0x1  }
0xd7: {  	_ =	strace @p0 $0x9000004D  }
0xd8: {  	[bflag:$0x2] =	sbarrier.arrive @p0 $0xFFFF  }
0xd9: {  	_ =	shalt @p0  }
.LBB2_11:
0xda: {  	_ =	sfence.stream.spmem;
	s0 =	simm.s32 $0x5  }
0xdb: {  	s2 =	simm.s32 $0x80;
	s3 =	simm.s32 $0xC0;
	[sflag:s0] =	ssyncpa.u1 $0x0  }
0xdc: {  	[tilespmem:s3], [sflag:$0x5] =	stream.linear.gather [spmem:s2], $0x20, $0x38;
	[tilespmem:$0x11A60] =	vst v63  }
0xdd: {  	s2 =	simm.s32 $0x0;
	s3 =	simm.s32 $0xE0  }
0xde: {  	[tilespmem:s3], [sflag:$0x5] =	stream.linear.gather [spmem:s2], $0x20, $0x38;
	[tilespmem:$0x11A60] =	vst v63  }
.Ltmp7:
0xdf: {  	_ = 	snop;
	(pc) =	sbr.rel .LBB2_12-.Ltmp7, $4  }
0xe0: {  	_ =	swait.ge [sflag:s0], $0x40  }
0xe1: {  	[sflag:s0] =	ssyncset.done $0x0  }
0xe2: {  	s31 =	simm.s32 $0x6;
	[sflag:s0] =	ssyncadd.s32 $0xFFFFFFC0  }
0xe3: {  	s4 =	simm.s32 $0x0;
	[sflag:s31] =	ssyncpa.u1 $0x0  }
.LBB2_17:
0xe4: {  	p0 =	sgt.u32 s5, $0x27FF  }
0xe5: {  	s0 =	sshrl.u32 @!p0 s5, $0x3  }
0xe6: {  	s5 =	sand.u32 @!p0 $0x7, s5;
	s6 =	simm.s32 @!p0 $0xB0;
	s0 =	sadd.s32 @!p0 s1, s0  }
0xe7: {  	[tilespmem:s6], [sflag:$0x6] =	stream.linear.gather @!p0 [hbm4b:s0+s5], $0x1, $0x38;
	[tilespmem:$0x11A60] =	vst v63  }
0xe8: {  	s0 =	simm.s32 @!p0 $0x6  }
0xe9: {  	_ =	swait.ge @!p0 [sflag:s0], $0x1  }
0xea: {  	[sflag:s0] =	ssyncset.done @!p0 $0x0  }
0xeb: {  	[sflag:s0] =	ssyncadd.s32 @!p0 $0xFFFFFFFF  }
0xec: {  	v2 =	vmov @!p0 s4;
	v1 =	vld.msk @!p0 [tilespmem:$0xB0], $0x1;
	_ =	sdelay $0x3  }
0xed: {  	s0 =	simm.s32 @!p0 $0xE0  }
0xee: {  	[tilespmem:v2+s0+$0x0], v1 =	vst.idx.ret.add.f32.msk @!p0 $0x1, v1  }
0xef: {  	[tilespmem:s2+$0xC0] =	vst.msk $0x1, v0  }
0xf0: {  	v0 =	vld.msk [tilespmem:s4+$0xE0], $0x1;
	_ =	sdelay $0x4  }
0xf1: {  	[tilespmem:s2+$0xE0] =	vst.msk $0x1, v0;
	s2 =	sadd.s32 $0x1, s2  }
.LBB2_19:
0xf2: {  	s4 =	sadd.s32 $0x1, s4  }
0xf3: {  	p0 =	sne.s32 s4, $0x20  }
.Ltmp8:
0xf4: {  	_ = 	snop;
	(pc) =	sbr.rel @!p0 .LBB2_20-.Ltmp8, $1  }
0xf5: {  	_ =	sdelay $0x3  }
.LBB2_12:
0xf6: {  	v0 =	vld.msk [tilespmem:s4+$0xC0], $0x1;
	_ =	sdelay $0x4  }
0xf7: {  	(v2sf) =	vpush v0, $0x0;
	_ =	sdelay $0xe  }
0xf8: {  	s5 =	spop (v2sf)  }
0xf9: {  	p0 =	seq.s32 s5, $0xFFFFFFFF  }
.Ltmp9:
0xfa: {  	_ = 	snop;
	(pc) =	sbr.rel @p0 .LBB2_19-.Ltmp9, $1  }
0xfb: {  	_ =	sdelay $0x3  }
0xfc: {  	p0 =	slt.s32 s2, $0x1  }
.Ltmp10:
0xfd: {  	_ = 	snop;
	(pc) =	sbr.rel @p0 .LBB2_17-.Ltmp10, $1  }
0xfe: {  	_ =	sdelay $0x3  }
0xff: {  	s0 =	simm.s32 $0xC0;
	p0 =	por $0x0, $0x0  }
0x100: {  	v1 =	vld.msk @!p0 [tilespmem:s0+$0x0], $0x1;
	_ =	sdelay $0x4  }
0x101: {  	(v2sf) =	vpush @!p0 v1, $0x0;
	_ =	sdelay $0xd  }
0x102: {  	p2 =	sne.s32 s2, $0x1  }
.Ltmp11:
0x103: {  	s6 =	spop @!p0 (v2sf);
	(pc) =	sbr.rel @!p2 .LBB2_16-.Ltmp11, $4  }
0x104: {  	p1 =	seq.s32 @!p0 s5, s6  }
0x105: {  	s6 =	simm.s32 $0x0;
	p1 =	por !p1, p0  }
0x106: {  	s8 =	simm.s32 $0xFFFFFFFF;
	s6 =	simm.s32 @p1 $0xFFFFFFFF  }
0x107: {  	s7 =	simm.s32 $0x1;
	s6 =	smov.u32 @p0 s8  }
.LBB2_15:
0x108: {  	s8 =	smov.u32 s6;
	p0 =	sne.s32 s6, $0xFFFFFFFF  }
0x109: {  	s0 =	sadd.s32 $0x1, s0;
	s6 =	smov.u32 s7;
	s7 =	sadd.s32 $0x1, s7  }
0x10a: {  	p1 =	sne.s32 s2, s7;
	v1 =	vld.msk @!p0 [tilespmem:s0+$0x0], $0x1;
	_ =	sdelay $0x4  }
0x10b: {  	(v2sf) =	vpush @!p0 v1, $0x0;
	_ =	sdelay $0xe  }
.Ltmp12:
0x10c: {  	s9 =	spop @!p0 (v2sf);
	(pc) =	sbr.rel @p1 .LBB2_15-.Ltmp12, $4  }
0x10d: {  	p2 =	seq.s32 @!p0 s5, s9  }
0x10e: {  	p2 =	por !p2, p0  }
0x10f: {  	s6 =	simm.s32 @p2 $0xFFFFFFFF  }
0x110: {  	s6 =	smov.u32 @p0 s8  }
.LBB2_16:
0x111: {  	p0 =	sne.s32 s6, $0xFFFFFFFF  }
.Ltmp13:
0x112: {  	_ = 	snop;
	(pc) =	sbr.rel @!p0 .LBB2_17-.Ltmp13, $1  }
0x113: {  	_ =	sdelay $0x3  }
0x114: {  	v0 =	vld.msk [tilespmem:s4+$0xE0], $0x1;
	v1 =	vmov s6  }
.Ltmp14:
0x115: {  	_ = 	snop;
	(pc) =	sbr.rel .LBB2_19-.Ltmp14, $2  }
0x116: {  	_ =	sdelay $0x2  }
0x117: {  	[tilespmem:v1+s3+$0x0], v0 =	vst.idx.ret.add.f32.msk $0x1, v0  }
.LBB2_20:
0x118: {  	p0 =	slt.s32 s2, $0x1  }
.Ltmp15:
0x119: {  	_ = 	snop;
	(pc) =	sbr.rel @p0 .LBB2_24-.Ltmp15, $3  }
0x11a: {  	_ =	sdelay $0x1  }
0x11b: {  	s0 =	simm.s32 $0x6  }
0x11c: {  	s3 =	simm.s32 $0x0;
	[sflag:s0] =	ssyncpa.u1 $0x1  }
0x11d: {  	s0 =	simm.s32 $0xC0  }
0x11e: {  	v0 =	vld.msk [tilespmem:s0+$0x0], $0x1;
	_ =	sdelay $0x4  }
0x11f: {  	(v2sf) =	vpush v0, $0x0;
	_ =	sdelay $0xe  }
0x120: {  	s2 =	sadd.s32 $0xFFFFFFFF, s2;
	s4 =	spop (v2sf)  }
0x121: {  	p1 =	sne.s32 s2, $0x0;
	p0 =	sgt.u32 s4, $0x27FF  }
.Ltmp16:
0x122: {  	s5 =	sshrl.u32 @!p0 s4, $0x3;
	(pc) =	sbr.rel @!p1 .LBB2_23-.Ltmp16, $4  }
0x123: {  	s0 =	simm.s32 $0xE0;
	s4 =	sand.u32 @!p0 $0x7, s4;
	s5 =	sadd.s32 @!p0 s1, s5  }
0x124: {  	[hbm4b:s5+s4] =	stream.linear.scatter @!p0 [tilespmem:s0], [sflag:$0x5], $0x1, $0x38;
	[tilespmem:$0x11A60] =	vst v63  }
0x125: {  	s5 =	simm.s32 $0x0  }
0x126: {  	s4 =	simm.s32 $0xC1;
	s5 =	simm.s32 @!p0 $0x4  }
.LBB2_22:
0x127: {  	v0 =	vld.msk [tilespmem:s4+$0x0], $0x1;
	s2 =	sadd.s32 $0xFFFFFFFF, s2;
	s3 =	sadd.s32 s3, s5  }
0x128: {  	p0 =	sne.s32 s2, $0x0;
	_ =	sdelay $0x3  }
0x129: {  	(v2sf) =	vpush v0, $0x0;
	_ =	sdelay $0xe  }
.Ltmp17:
0x12a: {  	s6 =	spop (v2sf);
	(pc) =	sbr.rel @p0 .LBB2_22-.Ltmp17, $4  }
0x12b: {  	s5 =	simm.s32 $0x0;
	p1 =	sgt.u32 s6, $0x27FF  }
0x12c: {  	s0 =	sadd.s32 $0x1, s0;
	s5 =	simm.s32 @!p1 $0x4;
	s7 =	sshrl.u32 @!p1 s6, $0x3  }
0x12d: {  	s4 =	sadd.s32 $0x1, s4;
	s6 =	sand.u32 @!p1 $0x7, s6;
	s7 =	sadd.s32 @!p1 s1, s7  }
0x12e: {  	[hbm4b:s7+s6] =	stream.linear.scatter @!p1 [tilespmem:s0], [sflag:$0x5], $0x1, $0x38;
	[tilespmem:$0x11A60] =	vst v63  }
.LBB2_23:
0x12f: {  	s0 =	sadd.s32 s3, s5  }
0x130: {  	s3 =	sshrl.u32 s0, $0x2  }
.LBB2_24:
0x131: {  	s0 =	simm.s32 $0x5  }
0x132: {  	_ =	swait.ge [sflag:s0], s3  }
0x133: {  	s1 =	ssub.s32 $0x0, s3;
	[sflag:s0] =	ssyncset.done $0x0  }
0x134: {  	[sflag:s0] =	ssyncadd.s32 s1  }
0x135: {  	[sflag:s0] =	ssyncpa.u1 $0x1  }
0x136: {  	s29 =	simm.s32 $0x1;
	_ =	sfence  }
0x137: {  	s30 =	simm.s32 $0x2;
	[sflag:s29] =	ssyncpa.u1 $0x1  }
0x138: {  	[sflag:s30] =	ssyncpa.u1 $0x1  }
0x139: {  	_ =	strace $0x9000004D  }
0x13a: {  	[bflag:$0x2] =	sbarrier.arrive $0xFFFF  }
0x13b: {  	s31 =	rddreg [dreg:$0x1]  }
0x13c: {  	s0 =	sadd.s32 $0x100000, s31  }
0x13d: {  	[sflag:s0] =	ssyncadd.tile.s32 $0x1;
	_ =	shalt  }
.Lfunc_end2:
_tile_overlayer_lowered:
.L_overlay_start_2:
0x13e: {  	(tag) =	ssettag $0x2  }
0x13f: {  	s0 =	rddreg [dreg:$0x0];
	s2 =	stileid.u32  }
0x140: {  	s1 =	rddreg [dreg:$0x1];
	p0 =	sne.s32 s2, $0x0  }
0x141: {  	s3 =	rddreg [dreg:$0x2];
	[bflag:$0x3] =	sbarrier.arrive $0xFFFF;
	s2 =	simm.s32 @!p0 $0x1C01  }
0x142: {  	[timem:s3], [sflag:s2] =	dma.local @!p0 [hbm:s0], s1  }
0x143: {  	s0 =	simm.s32 @!p0 $0x1  }
0x144: {  	_ =	swait.ge @!p0 [sflag:s0], s1  }
0x145: {  	s1 =	ssub.s32 @!p0 $0x0, s1;
	[sflag:s0] =	ssyncset.done @!p0 $0x0  }
0x146: {  	[sflag:s0] =	ssyncadd.s32 @!p0 s1  }
0x147: {  	[bflag:$0x3] =	sbarrier.arrive $0xFFFF  }
0x148: {  	_ =	shalt  }

</sc_bundles>
